<compile_context>
chip_gen: v7x
topology: tpu7x:2x2x1
jax: 0.10.2.dev20260603
libtpu: 0.0.44.dev20260713+nightly
codegen_flags: <defaults>
</compile_context>

<pallas_src>
import functools

import jax
import jax.numpy as jnp
import numpy as np
from jax import lax
from jax.experimental import pallas as pl
from jax.experimental.pallas import tpu as pltpu
from jax.experimental.pallas import tpu_sc as plsc

N = 10000
E = 320000
D = 128
H = 128
C = 64

NC = 2
NS = 16
NW = NC * NS
K = 48
CH = 212
EPW = CH * K
EPAD = NW * EPW
NPAD = N + 16
ACC_PER_TILE = NPAD // NS
OUT_PER_TILE = N // NS
NSPLIT = 1
KS = K // NSPLIT
RB = 2000

_P32 = np.stack([np.arange(16), np.arange(16, 32)], axis=1).reshape(-1)


def _q(width):
  return np.concatenate([32 * g + _P32 for g in range(width // 32)])


_Q128 = _q(128)
_Q64 = _q(64)


def _make_agg(Wt, with_deg, K=K, CH=CH, idx16=False):
  Wacc = Wt + 16 if with_deg else Wt
  ngrp = Wt // 32
  mesh = plsc.VectorSubcoreMesh(
      core_axis_name="c", subcore_axis_name="s", num_cores=NC, num_subcores=NS)

  @functools.partial(
      pl.kernel,
      out_type=jax.ShapeDtypeStruct((NC, N, Wacc), jnp.float32),
      mesh=mesh,
      scratch_types=[
          pltpu.VMEM_SHARED((NPAD, Wacc), jnp.float32),
          pltpu.VMEM((CH, K), jnp.int16 if idx16 else jnp.int32),
          pltpu.VMEM((CH, K), jnp.int16 if idx16 else jnp.int32),
          pltpu.VMEM((K,), jnp.int32),
          pltpu.VMEM((K,), jnp.int32),
          pltpu.VMEM((K,), jnp.int32),
          pltpu.VMEM((K,), jnp.int32),
          pltpu.VMEM((K, Wt), jnp.bfloat16),
          pltpu.VMEM((K, Wt), jnp.bfloat16),
          pltpu.VMEM((K, Wacc), jnp.float32),
          pltpu.VMEM((K, Wacc), jnp.float32),
          pltpu.SemaphoreType.DMA,
          pltpu.SemaphoreType.DMA,
          pltpu.SemaphoreType.DMA,
          pltpu.SemaphoreType.DMA,
      ],
      compiler_params=pltpu.CompilerParams(use_tc_tiling_on_sc=False,
                                           needs_layout_passes=False),
  )
  def agg(table_hbm, src_hbm, dst_hbm, out_hbm,
          acc, src_v, dst_v, si0, si1, di0, di1, rb16_0, rb16_1, rbf0, rbf1,
          semg0, semg1, sems0, sems1):
    cid = lax.axis_index("c")
    sid = lax.axis_index("s")
    wid = cid * NS + sid

    pltpu.sync_copy(src_hbm.at[wid], src_v)
    pltpu.sync_copy(dst_hbm.at[wid], dst_v)

    def _zrow(i, carry):
      for j in range(Wacc // 16):
        rbf0[i, pl.ds(j * 16, 16)] = jnp.zeros((16,), jnp.float32)
      return carry
    lax.fori_loop(0, K, _zrow, 0)
    zbase = sid * ACC_PER_TILE
    nfull = ACC_PER_TILE // K
    for r in range(nfull):
      pltpu.sync_copy(rbf0, acc.at[pl.ds(zbase + r * K, K)])
    rem = ACC_PER_TILE - nfull * K
    if rem:
      pltpu.sync_copy(rbf0.at[pl.ds(0, rem)],
                      acc.at[pl.ds(zbase + nfull * K, rem)])
    if with_deg:
      def _ones(i, carry):
        rbf0[i, pl.ds(Wt, 16)] = jnp.ones((16,), jnp.float32)
        rbf1[i, pl.ds(Wt, 16)] = jnp.ones((16,), jnp.float32)
        return carry
      lax.fori_loop(0, K, _ones, 0)
    plsc.subcore_barrier()

    def _convert(rb16, rbf):
      def _crow(r, carry):
        for j in range(ngrp):
          x = rb16[r, pl.ds(32 * j, 32)]
          lo, hi = plsc.unpack(x, format=plsc.PackFormat.INTERLEAVED,
                               preferred_element_type=jnp.float32)
          rbf[r, pl.ds(32 * j, 16)] = lo
          rbf[r, pl.ds(32 * j + 16, 16)] = hi
        return carry
      lax.fori_loop(0, K, _crow, 0)

    def _expand(idx_v, c, out32):
      for j in range(K // 32):
        x = idx_v[c, pl.ds(32 * j, 32)]
        lo, hi = plsc.unpack(x, format=plsc.PackFormat.INTERLEAVED,
                             preferred_element_type=jnp.int32)
        out32[pl.ds(32 * j, 16)] = lo
        out32[pl.ds(32 * j + 16, 16)] = hi

    if idx16:
      def _gather(c, buf, sem, sbuf):
        _expand(src_v, c, sbuf)
        pltpu.async_copy(table_hbm.at[sbuf], buf, sem)

      def _scatter(c, rbf, sem, dbuf):
        _expand(dst_v, c, dbuf)
        pltpu.async_copy(rbf, acc.at[dbuf], sem, add=True)
    else:
      def _gather(c, buf, sem, sbuf):
        pltpu.async_copy(table_hbm.at[src_v.at[c]], buf, sem)

      def _scatter(c, rbf, sem, dbuf):
        pltpu.async_copy(rbf, acc.at[dst_v.at[c]], sem, add=True)

    nh = CH // 2
    _gather(0, rb16_0, semg0, si0)

    def _body(p, carry):
      a = 2 * p
      _gather(a + 1, rb16_1, semg1, si1)
      pltpu.make_async_copy(table_hbm.at[pl.ds(0, K)], rb16_0, semg0).wait()

      @pl.when(p > 0)
      def _ws0():
        pltpu.make_async_copy(rbf0, acc.at[pl.ds(0, K)], sems0).wait()

      _convert(rb16_0, rbf0)
      _scatter(a, rbf0, sems0, di0)

      @pl.when(p + 1 < nh)
      def _refill():
        _gather(a + 2, rb16_0, semg0, si0)

      pltpu.make_async_copy(table_hbm.at[pl.ds(0, K)], rb16_1, semg1).wait()

      @pl.when(p > 0)
      def _ws1():
        pltpu.make_async_copy(rbf1, acc.at[pl.ds(0, K)], sems1).wait()

      _convert(rb16_1, rbf1)
      _scatter(a + 1, rbf1, sems1, di1)
      return carry
    lax.fori_loop(0, nh, _body, 0)
    pltpu.make_async_copy(rbf0, acc.at[pl.ds(0, K)], sems0).wait()
    pltpu.make_async_copy(rbf1, acc.at[pl.ds(0, K)], sems1).wait()

    plsc.subcore_barrier()
    ob = sid * OUT_PER_TILE
    pltpu.sync_copy(acc.at[pl.ds(ob, OUT_PER_TILE)],
                    out_hbm.at[cid, pl.ds(ob, OUT_PER_TILE)])

  return agg


_agg1 = _make_agg(H, with_deg=True)
_agg2 = _make_agg(H, with_deg=False, K=96, CH=106, idx16=True)
_agg3 = _make_agg(C, with_deg=False, K=96, CH=106)


def _tc1_body(x_ref, w_ref, o_ref):
  m = jnp.dot(x_ref[...], w_ref[...], preferred_element_type=jnp.float32)
  o_ref[...] = m.astype(jnp.bfloat16)


def _tc2_body(s0_ref, s1_ref, b_ref, w_ref, g_ref, inv_ref):
  s0 = s0_ref[...]
  s1 = s1_ref[...]
  deg = s0[:, D:D + 1] + s1[:, D:D + 1]
  inv = 1.0 / jnp.maximum(deg, 1.0)
  h = jnp.maximum((s0[:, :D] + s1[:, :D]) * inv + b_ref[...], 0.0)
  g_ref[...] = jnp.dot(h, w_ref[...],
                       preferred_element_type=jnp.float32).astype(jnp.bfloat16)
  inv_ref[...] = inv


def _tc3_body(s0_ref, s1_ref, inv_ref, b_ref, w_ref, g_ref):
  inv = inv_ref[...]
  h = jnp.maximum((s0_ref[...] + s1_ref[...]) * inv + b_ref[...], 0.0)
  g_ref[...] = jnp.dot(h, w_ref[...],
                       preferred_element_type=jnp.float32).astype(jnp.bfloat16)


def _tc4_body(s0_ref, s1_ref, inv_ref, b_ref, o_ref):
  o_ref[...] = (s0_ref[...] + s1_ref[...]) * inv_ref[...] + b_ref[...]


def _rows(i):
  return (i, 0)


def _bcast(i):
  return (0, 0)


def _tc1(x, W1):
  return pl.pallas_call(
      _tc1_body,
      grid=(N // RB,),
      in_specs=[pl.BlockSpec((RB, D), _rows), pl.BlockSpec((D, H), _bcast)],
      out_specs=pl.BlockSpec((RB, H), _rows),
      out_shape=jax.ShapeDtypeStruct((N, H), jnp.bfloat16),
  )(x, W1)


def _tc2(s0, s1, b1, W2):
  return pl.pallas_call(
      _tc2_body,
      grid=(N // RB,),
      in_specs=[
          pl.BlockSpec((RB, H + 16), _rows),
          pl.BlockSpec((RB, H + 16), _rows),
          pl.BlockSpec((1, H), _bcast),
          pl.BlockSpec((H, H), _bcast),
      ],
      out_specs=[pl.BlockSpec((RB, H), _rows), pl.BlockSpec((RB, 1), _rows)],
      out_shape=[
          jax.ShapeDtypeStruct((N, H), jnp.bfloat16),
          jax.ShapeDtypeStruct((N, 1), jnp.float32),
      ],
  )(s0, s1, b1, W2)


def _tc3(s0, s1, inv, b2, W3):
  return pl.pallas_call(
      _tc3_body,
      grid=(N // RB,),
      in_specs=[
          pl.BlockSpec((RB, H), _rows),
          pl.BlockSpec((RB, H), _rows),
          pl.BlockSpec((RB, 1), _rows),
          pl.BlockSpec((1, H), _bcast),
          pl.BlockSpec((H, C), _bcast),
      ],
      out_specs=pl.BlockSpec((RB, C), _rows),
      out_shape=jax.ShapeDtypeStruct((N, C), jnp.bfloat16),
  )(s0, s1, inv, b2, W3)


def _tc4(s0, s1, inv, b3):
  return pl.pallas_call(
      _tc4_body,
      grid=(N // RB,),
      in_specs=[
          pl.BlockSpec((RB, C), _rows),
          pl.BlockSpec((RB, C), _rows),
          pl.BlockSpec((RB, 1), _rows),
          pl.BlockSpec((1, C), _bcast),
      ],
      out_specs=pl.BlockSpec((RB, C), _rows),
      out_shape=jax.ShapeDtypeStruct((N, C), jnp.float32),
  )(s0, s1, inv, b3)


def kernel(x, edge_index, W1, b1, W2, b2, W3, b3):
  src = edge_index[0]
  dst = edge_index[1]
  pad = EPAD - E
  srcp = jnp.concatenate([src, jnp.zeros((pad,), jnp.int32)]).reshape(NW, CH, K)
  dstp = jnp.concatenate([dst, jnp.full((pad,), N, jnp.int32)]).reshape(NW, CH, K)

  q, q64 = _Q128, _Q64
  W1p = W1[:, q]
  b1p = b1.reshape(1, H)
  W2p = W2[:, q]
  b2p = b2.reshape(1, H)
  W3p = W3[:, q64]
  b3p = b3.reshape(1, C)

  g1 = _tc1(x, W1p)
  s1 = _agg1(g1, srcp, dstp)
  g2, inv = _tc2(s1[0], s1[1], b1p, W2p)
  s2 = _agg2(g2, srcp.astype(jnp.int16).reshape(NW, 106, 96),
             dstp.astype(jnp.int16).reshape(NW, 106, 96))
  g3 = _tc3(s2[0], s2[1], inv, b2p, W3p)
  s3 = _agg3(g3, srcp.reshape(NW, 106, 96), dstp.reshape(NW, 106, 96))
  return _tc4(s3[0], s3[1], inv, b3p)

# --- scband reference (transcript-rebuilt; emitter-appended) ---
"""Pipeline reference for scband-custom-6545530159136 (READ-ONLY COPY).

The authoritative reference and input builder live on the scoring server;
editing this copy changes nothing except your own understanding.
"""

import jax, jax.numpy as jnp
import numpy as np

N = 10000
E = 320000
D = 128
H = 128
C = 64


def setup_inputs(seed: int = 0) -> dict:
    key = jax.random.key(seed)
    ks = jax.random.split(key, 8)
    x = jax.random.normal(ks[0], (N, D), dtype=jnp.float32)
    edge_index = jax.random.randint(ks[1], (2, E), 0, N, dtype=jnp.int32)
    W1 = jax.random.normal(ks[2], (D, H), dtype=jnp.float32) * (1.0 / np.sqrt(D))
    b1 = jnp.zeros((H,), dtype=jnp.float32)
    W2 = jax.random.normal(ks[3], (H, H), dtype=jnp.float32) * (1.0 / np.sqrt(H))
    b2 = jnp.zeros((H,), dtype=jnp.float32)
    W3 = jax.random.normal(ks[4], (H, C), dtype=jnp.float32) * (1.0 / np.sqrt(H))
    b3 = jnp.zeros((C,), dtype=jnp.float32)
    return {"x": x, "edge_index": edge_index, "W1": W1, "b1": b1, "W2": W2, "b2": b2, "W3": W3, "b3": b3}


def reference(x, edge_index, W1, b1, W2, b2, W3, b3):
    # arch='ggg': GConv -> ReLU -> Dropout(p=0, identity) -> GConv -> ReLU -> Dropout -> GConv
    src = edge_index[0]
    dst = edge_index[1]

    def gconv(h, W, b):
        # gather neighbor features along edges, mean-aggregate into dst nodes, then linear
        msg = jnp.take(h, src, axis=0)
        agg = jax.ops.segment_sum(msg, dst, num_segments=N)
        deg = jax.ops.segment_sum(jnp.ones((E,), dtype=h.dtype), dst, num_segments=N)
        agg = agg / jnp.maximum(deg, 1.0)[:, None]
        return agg @ W + b

    h = gconv(x, W1, b1)
    h = jax.nn.relu(h)
    h = gconv(h, W2, b2)
    h = jax.nn.relu(h)
    h = gconv(h, W3, b3)
    return h

if __name__ == "__main__":
    import jax
    _d = setup_inputs()
    print(jax.jit(kernel)(*tuple(_d.values())))

</pallas_src>

<mosaic_0001>
#map = affine_map<(d0, d1) -> (0, 0)>
#map1 = affine_map<(d0, d1) -> (0, 0, 0)>
module attributes {stable_mosaic.version = 14 : i64} {
  func.func @agg(%arg0: i32, %arg1: i32, %arg2: memref<10000x128xbf16, #tpu.memory_space<hbm>>, %arg3: memref<32x212x48xi32, #tpu.memory_space<hbm>>, %arg4: memref<32x212x48xi32, #tpu.memory_space<hbm>>, %arg5: memref<2x10000x144xf32, #tpu.memory_space<hbm>>, %arg6: memref<10016x144xf32, #tpu.memory_space<vmem_shared>>, %arg7: memref<212x48xi32, #tpu.memory_space<vmem>>, %arg8: memref<212x48xi32, #tpu.memory_space<vmem>>, %arg9: memref<48xi32, #tpu.memory_space<vmem>>, %arg10: memref<48xi32, #tpu.memory_space<vmem>>, %arg11: memref<48xi32, #tpu.memory_space<vmem>>, %arg12: memref<48xi32, #tpu.memory_space<vmem>>, %arg13: memref<48x128xbf16, #tpu.memory_space<vmem>>, %arg14: memref<48x128xbf16, #tpu.memory_space<vmem>>, %arg15: memref<48x144xf32, #tpu.memory_space<vmem>>, %arg16: memref<48x144xf32, #tpu.memory_space<vmem>>, %arg17: memref<!tpu.dma_semaphore, #tpu.memory_space<semaphore_mem>>, %arg18: memref<!tpu.dma_semaphore, #tpu.memory_space<semaphore_mem>>, %arg19: memref<!tpu.dma_semaphore, #tpu.memory_space<semaphore_mem>>, %arg20: memref<!tpu.dma_semaphore, #tpu.memory_space<semaphore_mem>>) attributes {dimension_semantics = [#tpu.dimension_semantics<core_parallel>, #tpu.dimension_semantics<subcore_parallel>], iteration_bounds = array<i64: 2, 16>, scalar_prefetch = 0 : i64, scratch_operands = 15 : i64, tpu.core_type = #tpu.core_type<sc_vector_subcore>, window_params = [{transform_indices = #map}, {transform_indices = #map1}, {transform_indices = #map1}, {transform_indices = #map1}]} {
    %mul3A = arith.constant 16 : i32
    %mul3A_0 = arith.muli %arg0, %mul3A : i32
    %add3A = arith.addi %mul3A_0, %arg1 : i32
    "tpu.region"() ({
      %run_scoped3A = tpu.sem_alloc : memref<!tpu.dma_semaphore, #tpu.memory_space<semaphore_mem>>
      %dma_start3A_68 = arith.constant 0 : i32
      %dma_start3A_69 = arith.constant 0 : i32
      %dma_start3A_70 = tpu.memref_slice %arg3[%add3A, %dma_start3A_68, %dma_start3A_69] : memref<32x212x48xi32, #tpu.memory_space<hbm>> -> memref<1x212x48xi32, #tpu.memory_space<hbm>>
      %dma_start3A_71 = tpu.memref_squeeze %dma_start3A_70 : memref<1x212x48xi32, #tpu.memory_space<hbm>> -> memref<212x48xi32, #tpu.memory_space<hbm>>
      %dma_start3A_72 = arith.constant 0 : i32
      %dma_start3A_73 = arith.constant 0 : i32
      %dma_start3A_74 = tpu.memref_slice %arg3[%add3A, %dma_start3A_72, %dma_start3A_73] : memref<32x212x48xi32, #tpu.memory_space<hbm>> -> memref<1x212x48xi32, #tpu.memory_space<hbm>>
      %dma_start3A_75 = tpu.memref_squeeze %dma_start3A_74 : memref<1x212x48xi32, #tpu.memory_space<hbm>> -> memref<212x48xi32, #tpu.memory_space<hbm>>
      tpu.enqueue_dma source(%dma_start3A_75 : memref<212x48xi32, #tpu.memory_space<hbm>>) target(%arg7 : memref<212x48xi32, #tpu.memory_space<vmem>>) target_semaphore(%run_scoped3A : memref<!tpu.dma_semaphore, #tpu.memory_space<semaphore_mem>>)
      %dma_wait3A_76 = arith.constant 0 : i32
      %dma_wait3A_77 = arith.constant 0 : i32
      %dma_wait3A_78 = tpu.memref_slice %arg3[%add3A, %dma_wait3A_76, %dma_wait3A_77] : memref<32x212x48xi32, #tpu.memory_space<hbm>> -> memref<1x212x48xi32, #tpu.memory_space<hbm>>
      %dma_wait3A_79 = tpu.memref_squeeze %dma_wait3A_78 : memref<1x212x48xi32, #tpu.memory_space<hbm>> -> memref<212x48xi32, #tpu.memory_space<hbm>>
      %dma_wait3A_80 = arith.constant 0 : i32
      %dma_wait3A_81 = arith.constant 0 : i32
      %dma_wait3A_82 = tpu.memref_slice %arg3[%add3A, %dma_wait3A_80, %dma_wait3A_81] : memref<32x212x48xi32, #tpu.memory_space<hbm>> -> memref<1x212x48xi32, #tpu.memory_space<hbm>>
      %dma_wait3A_83 = tpu.memref_squeeze %dma_wait3A_82 : memref<1x212x48xi32, #tpu.memory_space<hbm>> -> memref<212x48xi32, #tpu.memory_space<hbm>>
      tpu.wait_dma2 semaphore(%run_scoped3A : memref<!tpu.dma_semaphore, #tpu.memory_space<semaphore_mem>>) src(%dma_wait3A_83 : memref<212x48xi32, #tpu.memory_space<hbm>>) dst(%arg7 : memref<212x48xi32, #tpu.memory_space<vmem>>)
      tpu.yield
    }) : () -> ()
    "tpu.region"() ({
      %run_scoped3A = tpu.sem_alloc : memref<!tpu.dma_semaphore, #tpu.memory_space<semaphore_mem>>
      %dma_start3A_68 = arith.constant 0 : i32
      %dma_start3A_69 = arith.constant 0 : i32
      %dma_start3A_70 = tpu.memref_slice %arg4[%add3A, %dma_start3A_68, %dma_start3A_69] : memref<32x212x48xi32, #tpu.memory_space<hbm>> -> memref<1x212x48xi32, #tpu.memory_space<hbm>>
      %dma_start3A_71 = tpu.memref_squeeze %dma_start3A_70 : memref<1x212x48xi32, #tpu.memory_space<hbm>> -> memref<212x48xi32, #tpu.memory_space<hbm>>
      %dma_start3A_72 = arith.constant 0 : i32
      %dma_start3A_73 = arith.constant 0 : i32
      %dma_start3A_74 = tpu.memref_slice %arg4[%add3A, %dma_start3A_72, %dma_start3A_73] : memref<32x212x48xi32, #tpu.memory_space<hbm>> -> memref<1x212x48xi32, #tpu.memory_space<hbm>>
      %dma_start3A_75 = tpu.memref_squeeze %dma_start3A_74 : memref<1x212x48xi32, #tpu.memory_space<hbm>> -> memref<212x48xi32, #tpu.memory_space<hbm>>
      tpu.enqueue_dma source(%dma_start3A_75 : memref<212x48xi32, #tpu.memory_space<hbm>>) target(%arg8 : memref<212x48xi32, #tpu.memory_space<vmem>>) target_semaphore(%run_scoped3A : memref<!tpu.dma_semaphore, #tpu.memory_space<semaphore_mem>>)
      %dma_wait3A_76 = arith.constant 0 : i32
      %dma_wait3A_77 = arith.constant 0 : i32
      %dma_wait3A_78 = tpu.memref_slice %arg4[%add3A, %dma_wait3A_76, %dma_wait3A_77] : memref<32x212x48xi32, #tpu.memory_space<hbm>> -> memref<1x212x48xi32, #tpu.memory_space<hbm>>
      %dma_wait3A_79 = tpu.memref_squeeze %dma_wait3A_78 : memref<1x212x48xi32, #tpu.memory_space<hbm>> -> memref<212x48xi32, #tpu.memory_space<hbm>>
      %dma_wait3A_80 = arith.constant 0 : i32
      %dma_wait3A_81 = arith.constant 0 : i32
      %dma_wait3A_82 = tpu.memref_slice %arg4[%add3A, %dma_wait3A_80, %dma_wait3A_81] : memref<32x212x48xi32, #tpu.memory_space<hbm>> -> memref<1x212x48xi32, #tpu.memory_space<hbm>>
      %dma_wait3A_83 = tpu.memref_squeeze %dma_wait3A_82 : memref<1x212x48xi32, #tpu.memory_space<hbm>> -> memref<212x48xi32, #tpu.memory_space<hbm>>
      tpu.wait_dma2 semaphore(%run_scoped3A : memref<!tpu.dma_semaphore, #tpu.memory_space<semaphore_mem>>) src(%dma_wait3A_83 : memref<212x48xi32, #tpu.memory_space<hbm>>) dst(%arg8 : memref<212x48xi32, #tpu.memory_space<vmem>>)
      tpu.yield
    }) : () -> ()
    %scan3A = arith.constant 0 : i32
    %scan3A_1 = arith.constant 0 : i32
    %scan3A_2 = arith.constant 48 : i32
    %scan3A_3 = arith.addi %scan3A_1, %scan3A_2 : i32
    %scan3A_4 = arith.constant 1 : i32
    scf.for %scan3A_68 = %scan3A_1 to %scan3A_3 step %scan3A_4  : i32 {
      %broadcast_in_dim3A = arith.constant 0.000000e+00 : f32
      %broadcast_in_dim3A_69 = vector.broadcast %broadcast_in_dim3A : f32 to vector<16xf32>
      %swap3A = arith.index_cast %scan3A_68 : i32 to index
      %swap3A_70 = arith.constant 0 : index
      %swap3A_71 = tpu.vector_load %arg15[%swap3A, %swap3A_70] {strides = array<i32>} : memref<48x144xf32, #tpu.memory_space<vmem>>, vector<16xf32>,
      tpu.vector_store %arg15[%swap3A, %swap3A_70], %broadcast_in_dim3A_69 {strides = array<i32>} : memref<48x144xf32, #tpu.memory_space<vmem>>, vector<16xf32>,
      %broadcast_in_dim3A_72 = arith.constant 0.000000e+00 : f32
      %broadcast_in_dim3A_73 = vector.broadcast %broadcast_in_dim3A_72 : f32 to vector<16xf32>
      %swap3A_74 = arith.index_cast %scan3A_68 : i32 to index
      %swap3A_75 = arith.constant 16 : index
      %swap3A_76 = tpu.vector_load %arg15[%swap3A_74, %swap3A_75] {strides = array<i32>} : memref<48x144xf32, #tpu.memory_space<vmem>>, vector<16xf32>,
      tpu.vector_store %arg15[%swap3A_74, %swap3A_75], %broadcast_in_dim3A_73 {strides = array<i32>} : memref<48x144xf32, #tpu.memory_space<vmem>>, vector<16xf32>,
      %broadcast_in_dim3A_77 = arith.constant 0.000000e+00 : f32
      %broadcast_in_dim3A_78 = vector.broadcast %broadcast_in_dim3A_77 : f32 to vector<16xf32>
      %swap3A_79 = arith.index_cast %scan3A_68 : i32 to index
      %swap3A_80 = arith.constant 32 : index
      %swap3A_81 = tpu.vector_load %arg15[%swap3A_79, %swap3A_80] {strides = array<i32>} : memref<48x144xf32, #tpu.memory_space<vmem>>, vector<16xf32>,
      tpu.vector_store %arg15[%swap3A_79, %swap3A_80], %broadcast_in_dim3A_78 {strides = array<i32>} : memref<48x144xf32, #tpu.memory_space<vmem>>, vector<16xf32>,
      %broadcast_in_dim3A_82 = arith.constant 0.000000e+00 : f32
      %broadcast_in_dim3A_83 = vector.broadcast %broadcast_in_dim3A_82 : f32 to vector<16xf32>
      %swap3A_84 = arith.index_cast %scan3A_68 : i32 to index
      %swap3A_85 = arith.constant 48 : index
      %swap3A_86 = tpu.vector_load %arg15[%swap3A_84, %swap3A_85] {strides = array<i32>} : memref<48x144xf32, #tpu.memory_space<vmem>>, vector<16xf32>,
      tpu.vector_store %arg15[%swap3A_84, %swap3A_85], %broadcast_in_dim3A_83 {strides = array<i32>} : memref<48x144xf32, #tpu.memory_space<vmem>>, vector<16xf32>,
      %broadcast_in_dim3A_87 = arith.constant 0.000000e+00 : f32
      %broadcast_in_dim3A_88 = vector.broadcast %broadcast_in_dim3A_87 : f32 to vector<16xf32>
      %swap3A_89 = arith.index_cast %scan3A_68 : i32 to index
      %swap3A_90 = arith.constant 64 : index
      %swap3A_91 = tpu.vector_load %arg15[%swap3A_89, %swap3A_90] {strides = array<i32>} : memref<48x144xf32, #tpu.memory_space<vmem>>, vector<16xf32>,
      tpu.vector_store %arg15[%swap3A_89, %swap3A_90], %broadcast_in_dim3A_88 {strides = array<i32>} : memref<48x144xf32, #tpu.memory_space<vmem>>, vector<16xf32>,
      %broadcast_in_dim3A_92 = arith.constant 0.000000e+00 : f32
      %broadcast_in_dim3A_93 = vector.broadcast %broadcast_in_dim3A_92 : f32 to vector<16xf32>
      %swap3A_94 = arith.index_cast %scan3A_68 : i32 to index
      %swap3A_95 = arith.constant 80 : index
      %swap3A_96 = tpu.vector_load %arg15[%swap3A_94, %swap3A_95] {strides = array<i32>} : memref<48x144xf32, #tpu.memory_space<vmem>>, vector<16xf32>,
      tpu.vector_store %arg15[%swap3A_94, %swap3A_95], %broadcast_in_dim3A_93 {strides = array<i32>} : memref<48x144xf32, #tpu.memory_space<vmem>>, vector<16xf32>,
      %broadcast_in_dim3A_97 = arith.constant 0.000000e+00 : f32
      %broadcast_in_dim3A_98 = vector.broadcast %broadcast_in_dim3A_97 : f32 to vector<16xf32>
      %swap3A_99 = arith.index_cast %scan3A_68 : i32 to index
      %swap3A_100 = arith.constant 96 : index
      %swap3A_101 = tpu.vector_load %arg15[%swap3A_99, %swap3A_100] {strides = array<i32>} : memref<48x144xf32, #tpu.memory_space<vmem>>, vector<16xf32>,
      tpu.vector_store %arg15[%swap3A_99, %swap3A_100], %broadcast_in_dim3A_98 {strides = array<i32>} : memref<48x144xf32, #tpu.memory_space<vmem>>, vector<16xf32>,
      %broadcast_in_dim3A_102 = arith.constant 0.000000e+00 : f32
      %broadcast_in_dim3A_103 = vector.broadcast %broadcast_in_dim3A_102 : f32 to vector<16xf32>
      %swap3A_104 = arith.index_cast %scan3A_68 : i32 to index
      %swap3A_105 = arith.constant 112 : index
      %swap3A_106 = tpu.vector_load %arg15[%swap3A_104, %swap3A_105] {strides = array<i32>} : memref<48x144xf32, #tpu.memory_space<vmem>>, vector<16xf32>,
      tpu.vector_store %arg15[%swap3A_104, %swap3A_105], %broadcast_in_dim3A_103 {strides = array<i32>} : memref<48x144xf32, #tpu.memory_space<vmem>>, vector<16xf32>,
      %broadcast_in_dim3A_107 = arith.constant 0.000000e+00 : f32
      %broadcast_in_dim3A_108 = vector.broadcast %broadcast_in_dim3A_107 : f32 to vector<16xf32>
      %swap3A_109 = arith.index_cast %scan3A_68 : i32 to index
      %swap3A_110 = arith.constant 128 : index
      %swap3A_111 = tpu.vector_load %arg15[%swap3A_109, %swap3A_110] {strides = array<i32>} : memref<48x144xf32, #tpu.memory_space<vmem>>, vector<16xf32>,
      tpu.vector_store %arg15[%swap3A_109, %swap3A_110], %broadcast_in_dim3A_108 {strides = array<i32>} : memref<48x144xf32, #tpu.memory_space<vmem>>, vector<16xf32>,
    }
    %scan3A_5 = arith.constant 48 : i32
    %mul3A_6 = arith.constant 626 : i32
    %mul3A_7 = arith.muli %arg1, %mul3A_6 : i32
    %add3A_8 = arith.constant 0 : i32
    %add3A_9 = arith.addi %mul3A_7, %add3A_8 : i32
    "tpu.region"() ({
      %run_scoped3A = tpu.sem_alloc : memref<!tpu.dma_semaphore, #tpu.memory_space<semaphore_mem>>
      %dma_start3A_68 = arith.constant 0 : i32
      %dma_start3A_69 = tpu.memref_slice %arg6[%add3A_9, %dma_start3A_68] : memref<10016x144xf32, #tpu.memory_space<vmem_shared>> -> memref<48x144xf32, #tpu.memory_space<vmem_shared>>
      %dma_start3A_70 = arith.constant 0 : i32
      %dma_start3A_71 = tpu.memref_slice %arg6[%add3A_9, %dma_start3A_70] : memref<10016x144xf32, #tpu.memory_space<vmem_shared>> -> memref<48x144xf32, #tpu.memory_space<vmem_shared>>
      tpu.enqueue_dma source(%arg15 : memref<48x144xf32, #tpu.memory_space<vmem>>) target(%dma_start3A_71 : memref<48x144xf32, #tpu.memory_space<vmem_shared>>) target_semaphore(%run_scoped3A : memref<!tpu.dma_semaphore, #tpu.memory_space<semaphore_mem>>)
      %dma_wait3A_72 = arith.constant 0 : i32
      %dma_wait3A_73 = tpu.memref_slice %arg6[%add3A_9, %dma_wait3A_72] : memref<10016x144xf32, #tpu.memory_space<vmem_shared>> -> memref<48x144xf32, #tpu.memory_space<vmem_shared>>
      %dma_wait3A_74 = arith.constant 0 : i32
      %dma_wait3A_75 = tpu.memref_slice %arg6[%add3A_9, %dma_wait3A_74] : memref<10016x144xf32, #tpu.memory_space<vmem_shared>> -> memref<48x144xf32, #tpu.memory_space<vmem_shared>>
      tpu.wait_dma2 semaphore(%run_scoped3A : memref<!tpu.dma_semaphore, #tpu.memory_space<semaphore_mem>>) src(%arg15 : memref<48x144xf32, #tpu.memory_space<vmem>>) dst(%dma_wait3A_75 : memref<48x144xf32, #tpu.memory_space<vmem_shared>>)
      tpu.yield
    }) : () -> ()
    %add3A_10 = arith.constant 48 : i32
    %add3A_11 = arith.addi %mul3A_7, %add3A_10 : i32
    "tpu.region"() ({
      %run_scoped3A = tpu.sem_alloc : memref<!tpu.dma_semaphore, #tpu.memory_space<semaphore_mem>>
      %dma_start3A_68 = arith.constant 0 : i32
      %dma_start3A_69 = tpu.memref_slice %arg6[%add3A_11, %dma_start3A_68] : memref<10016x144xf32, #tpu.memory_space<vmem_shared>> -> memref<48x144xf32, #tpu.memory_space<vmem_shared>>
      %dma_start3A_70 = arith.constant 0 : i32
      %dma_start3A_71 = tpu.memref_slice %arg6[%add3A_11, %dma_start3A_70] : memref<10016x144xf32, #tpu.memory_space<vmem_shared>> -> memref<48x144xf32, #tpu.memory_space<vmem_shared>>
      tpu.enqueue_dma source(%arg15 : memref<48x144xf32, #tpu.memory_space<vmem>>) target(%dma_start3A_71 : memref<48x144xf32, #tpu.memory_space<vmem_shared>>) target_semaphore(%run_scoped3A : memref<!tpu.dma_semaphore, #tpu.memory_space<semaphore_mem>>)
      %dma_wait3A_72 = arith.constant 0 : i32
      %dma_wait3A_73 = tpu.memref_slice %arg6[%add3A_11, %dma_wait3A_72] : memref<10016x144xf32, #tpu.memory_space<vmem_shared>> -> memref<48x144xf32, #tpu.memory_space<vmem_shared>>
      %dma_wait3A_74 = arith.constant 0 : i32
      %dma_wait3A_75 = tpu.memref_slice %arg6[%add3A_11, %dma_wait3A_74] : memref<10016x144xf32, #tpu.memory_space<vmem_shared>> -> memref<48x144xf32, #tpu.memory_space<vmem_shared>>
      tpu.wait_dma2 semaphore(%run_scoped3A : memref<!tpu.dma_semaphore, #tpu.memory_space<semaphore_mem>>) src(%arg15 : memref<48x144xf32, #tpu.memory_space<vmem>>) dst(%dma_wait3A_75 : memref<48x144xf32, #tpu.memory_space<vmem_shared>>)
      tpu.yield
    }) : () -> ()
    %add3A_12 = arith.constant 96 : i32
    %add3A_13 = arith.addi %mul3A_7, %add3A_12 : i32
    "tpu.region"() ({
      %run_scoped3A = tpu.sem_alloc : memref<!tpu.dma_semaphore, #tpu.memory_space<semaphore_mem>>
      %dma_start3A_68 = arith.constant 0 : i32
      %dma_start3A_69 = tpu.memref_slice %arg6[%add3A_13, %dma_start3A_68] : memref<10016x144xf32, #tpu.memory_space<vmem_shared>> -> memref<48x144xf32, #tpu.memory_space<vmem_shared>>
      %dma_start3A_70 = arith.constant 0 : i32
      %dma_start3A_71 = tpu.memref_slice %arg6[%add3A_13, %dma_start3A_70] : memref<10016x144xf32, #tpu.memory_space<vmem_shared>> -> memref<48x144xf32, #tpu.memory_space<vmem_shared>>
      tpu.enqueue_dma source(%arg15 : memref<48x144xf32, #tpu.memory_space<vmem>>) target(%dma_start3A_71 : memref<48x144xf32, #tpu.memory_space<vmem_shared>>) target_semaphore(%run_scoped3A : memref<!tpu.dma_semaphore, #tpu.memory_space<semaphore_mem>>)
      %dma_wait3A_72 = arith.constant 0 : i32
      %dma_wait3A_73 = tpu.memref_slice %arg6[%add3A_13, %dma_wait3A_72] : memref<10016x144xf32, #tpu.memory_space<vmem_shared>> -> memref<48x144xf32, #tpu.memory_space<vmem_shared>>
      %dma_wait3A_74 = arith.constant 0 : i32
      %dma_wait3A_75 = tpu.memref_slice %arg6[%add3A_13, %dma_wait3A_74] : memref<10016x144xf32, #tpu.memory_space<vmem_shared>> -> memref<48x144xf32, #tpu.memory_space<vmem_shared>>
      tpu.wait_dma2 semaphore(%run_scoped3A : memref<!tpu.dma_semaphore, #tpu.memory_space<semaphore_mem>>) src(%arg15 : memref<48x144xf32, #tpu.memory_space<vmem>>) dst(%dma_wait3A_75 : memref<48x144xf32, #tpu.memory_space<vmem_shared>>)
      tpu.yield
    }) : () -> ()
    %add3A_14 = arith.constant 144 : i32
    %add3A_15 = arith.addi %mul3A_7, %add3A_14 : i32
    "tpu.region"() ({
      %run_scoped3A = tpu.sem_alloc : memref<!tpu.dma_semaphore, #tpu.memory_space<semaphore_mem>>
      %dma_start3A_68 = arith.constant 0 : i32
      %dma_start3A_69 = tpu.memref_slice %arg6[%add3A_15, %dma_start3A_68] : memref<10016x144xf32, #tpu.memory_space<vmem_shared>> -> memref<48x144xf32, #tpu.memory_space<vmem_shared>>
      %dma_start3A_70 = arith.constant 0 : i32
      %dma_start3A_71 = tpu.memref_slice %arg6[%add3A_15, %dma_start3A_70] : memref<10016x144xf32, #tpu.memory_space<vmem_shared>> -> memref<48x144xf32, #tpu.memory_space<vmem_shared>>
      tpu.enqueue_dma source(%arg15 : memref<48x144xf32, #tpu.memory_space<vmem>>) target(%dma_start3A_71 : memref<48x144xf32, #tpu.memory_space<vmem_shared>>) target_semaphore(%run_scoped3A : memref<!tpu.dma_semaphore, #tpu.memory_space<semaphore_mem>>)
      %dma_wait3A_72 = arith.constant 0 : i32
      %dma_wait3A_73 = tpu.memref_slice %arg6[%add3A_15, %dma_wait3A_72] : memref<10016x144xf32, #tpu.memory_space<vmem_shared>> -> memref<48x144xf32, #tpu.memory_space<vmem_shared>>
      %dma_wait3A_74 = arith.constant 0 : i32
      %dma_wait3A_75 = tpu.memref_slice %arg6[%add3A_15, %dma_wait3A_74] : memref<10016x144xf32, #tpu.memory_space<vmem_shared>> -> memref<48x144xf32, #tpu.memory_space<vmem_shared>>
      tpu.wait_dma2 semaphore(%run_scoped3A : memref<!tpu.dma_semaphore, #tpu.memory_space<semaphore_mem>>) src(%arg15 : memref<48x144xf32, #tpu.memory_space<vmem>>) dst(%dma_wait3A_75 : memref<48x144xf32, #tpu.memory_space<vmem_shared>>)
      tpu.yield
    }) : () -> ()
    %add3A_16 = arith.constant 192 : i32
    %add3A_17 = arith.addi %mul3A_7, %add3A_16 : i32
    "tpu.region"() ({
      %run_scoped3A = tpu.sem_alloc : memref<!tpu.dma_semaphore, #tpu.memory_space<semaphore_mem>>
      %dma_start3A_68 = arith.constant 0 : i32
      %dma_start3A_69 = tpu.memref_slice %arg6[%add3A_17, %dma_start3A_68] : memref<10016x144xf32, #tpu.memory_space<vmem_shared>> -> memref<48x144xf32, #tpu.memory_space<vmem_shared>>
      %dma_start3A_70 = arith.constant 0 : i32
      %dma_start3A_71 = tpu.memref_slice %arg6[%add3A_17, %dma_start3A_70] : memref<10016x144xf32, #tpu.memory_space<vmem_shared>> -> memref<48x144xf32, #tpu.memory_space<vmem_shared>>
      tpu.enqueue_dma source(%arg15 : memref<48x144xf32, #tpu.memory_space<vmem>>) target(%dma_start3A_71 : memref<48x144xf32, #tpu.memory_space<vmem_shared>>) target_semaphore(%run_scoped3A : memref<!tpu.dma_semaphore, #tpu.memory_space<semaphore_mem>>)
      %dma_wait3A_72 = arith.constant 0 : i32
      %dma_wait3A_73 = tpu.memref_slice %arg6[%add3A_17, %dma_wait3A_72] : memref<10016x144xf32, #tpu.memory_space<vmem_shared>> -> memref<48x144xf32, #tpu.memory_space<vmem_shared>>
      %dma_wait3A_74 = arith.constant 0 : i32
      %dma_wait3A_75 = tpu.memref_slice %arg6[%add3A_17, %dma_wait3A_74] : memref<10016x144xf32, #tpu.memory_space<vmem_shared>> -> memref<48x144xf32, #tpu.memory_space<vmem_shared>>
      tpu.wait_dma2 semaphore(%run_scoped3A : memref<!tpu.dma_semaphore, #tpu.memory_space<semaphore_mem>>) src(%arg15 : memref<48x144xf32, #tpu.memory_space<vmem>>) dst(%dma_wait3A_75 : memref<48x144xf32, #tpu.memory_space<vmem_shared>>)
      tpu.yield
    }) : () -> ()
    %add3A_18 = arith.constant 240 : i32
    %add3A_19 = arith.addi %mul3A_7, %add3A_18 : i32
    "tpu.region"() ({
      %run_scoped3A = tpu.sem_alloc : memref<!tpu.dma_semaphore, #tpu.memory_space<semaphore_mem>>
      %dma_start3A_68 = arith.constant 0 : i32
      %dma_start3A_69 = tpu.memref_slice %arg6[%add3A_19, %dma_start3A_68] : memref<10016x144xf32, #tpu.memory_space<vmem_shared>> -> memref<48x144xf32, #tpu.memory_space<vmem_shared>>
      %dma_start3A_70 = arith.constant 0 : i32
      %dma_start3A_71 = tpu.memref_slice %arg6[%add3A_19, %dma_start3A_70] : memref<10016x144xf32, #tpu.memory_space<vmem_shared>> -> memref<48x144xf32, #tpu.memory_space<vmem_shared>>
      tpu.enqueue_dma source(%arg15 : memref<48x144xf32, #tpu.memory_space<vmem>>) target(%dma_start3A_71 : memref<48x144xf32, #tpu.memory_space<vmem_shared>>) target_semaphore(%run_scoped3A : memref<!tpu.dma_semaphore, #tpu.memory_space<semaphore_mem>>)
      %dma_wait3A_72 = arith.constant 0 : i32
      %dma_wait3A_73 = tpu.memref_slice %arg6[%add3A_19, %dma_wait3A_72] : memref<10016x144xf32, #tpu.memory_space<vmem_shared>> -> memref<48x144xf32, #tpu.memory_space<vmem_shared>>
      %dma_wait3A_74 = arith.constant 0 : i32
      %dma_wait3A_75 = tpu.memref_slice %arg6[%add3A_19, %dma_wait3A_74] : memref<10016x144xf32, #tpu.memory_space<vmem_shared>> -> memref<48x144xf32, #tpu.memory_space<vmem_shared>>
      tpu.wait_dma2 semaphore(%run_scoped3A : memref<!tpu.dma_semaphore, #tpu.memory_space<semaphore_mem>>) src(%arg15 : memref<48x144xf32, #tpu.memory_space<vmem>>) dst(%dma_wait3A_75 : memref<48x144xf32, #tpu.memory_space<vmem_shared>>)
      tpu.yield
    }) : () -> ()
    %add3A_20 = arith.constant 288 : i32
    %add3A_21 = arith.addi %mul3A_7, %add3A_20 : i32
    "tpu.region"() ({
      %run_scoped3A = tpu.sem_alloc : memref<!tpu.dma_semaphore, #tpu.memory_space<semaphore_mem>>
      %dma_start3A_68 = arith.constant 0 : i32
      %dma_start3A_69 = tpu.memref_slice %arg6[%add3A_21, %dma_start3A_68] : memref<10016x144xf32, #tpu.memory_space<vmem_shared>> -> memref<48x144xf32, #tpu.memory_space<vmem_shared>>
      %dma_start3A_70 = arith.constant 0 : i32
      %dma_start3A_71 = tpu.memref_slice %arg6[%add3A_21, %dma_start3A_70] : memref<10016x144xf32, #tpu.memory_space<vmem_shared>> -> memref<48x144xf32, #tpu.memory_space<vmem_shared>>
      tpu.enqueue_dma source(%arg15 : memref<48x144xf32, #tpu.memory_space<vmem>>) target(%dma_start3A_71 : memref<48x144xf32, #tpu.memory_space<vmem_shared>>) target_semaphore(%run_scoped3A : memref<!tpu.dma_semaphore, #tpu.memory_space<semaphore_mem>>)
      %dma_wait3A_72 = arith.constant 0 : i32
      %dma_wait3A_73 = tpu.memref_slice %arg6[%add3A_21, %dma_wait3A_72] : memref<10016x144xf32, #tpu.memory_space<vmem_shared>> -> memref<48x144xf32, #tpu.memory_space<vmem_shared>>
      %dma_wait3A_74 = arith.constant 0 : i32
      %dma_wait3A_75 = tpu.memref_slice %arg6[%add3A_21, %dma_wait3A_74] : memref<10016x144xf32, #tpu.memory_space<vmem_shared>> -> memref<48x144xf32, #tpu.memory_space<vmem_shared>>
      tpu.wait_dma2 semaphore(%run_scoped3A : memref<!tpu.dma_semaphore, #tpu.memory_space<semaphore_mem>>) src(%arg15 : memref<48x144xf32, #tpu.memory_space<vmem>>) dst(%dma_wait3A_75 : memref<48x144xf32, #tpu.memory_space<vmem_shared>>)
      tpu.yield
    }) : () -> ()
    %add3A_22 = arith.constant 336 : i32
    %add3A_23 = arith.addi %mul3A_7, %add3A_22 : i32
    "tpu.region"() ({
      %run_scoped3A = tpu.sem_alloc : memref<!tpu.dma_semaphore, #tpu.memory_space<semaphore_mem>>
      %dma_start3A_68 = arith.constant 0 : i32
      %dma_start3A_69 = tpu.memref_slice %arg6[%add3A_23, %dma_start3A_68] : memref<10016x144xf32, #tpu.memory_space<vmem_shared>> -> memref<48x144xf32, #tpu.memory_space<vmem_shared>>
      %dma_start3A_70 = arith.constant 0 : i32
      %dma_start3A_71 = tpu.memref_slice %arg6[%add3A_23, %dma_start3A_70] : memref<10016x144xf32, #tpu.memory_space<vmem_shared>> -> memref<48x144xf32, #tpu.memory_space<vmem_shared>>
      tpu.enqueue_dma source(%arg15 : memref<48x144xf32, #tpu.memory_space<vmem>>) target(%dma_start3A_71 : memref<48x144xf32, #tpu.memory_space<vmem_shared>>) target_semaphore(%run_scoped3A : memref<!tpu.dma_semaphore, #tpu.memory_space<semaphore_mem>>)
      %dma_wait3A_72 = arith.constant 0 : i32
      %dma_wait3A_73 = tpu.memref_slice %arg6[%add3A_23, %dma_wait3A_72] : memref<10016x144xf32, #tpu.memory_space<vmem_shared>> -> memref<48x144xf32, #tpu.memory_space<vmem_shared>>
      %dma_wait3A_74 = arith.constant 0 : i32
      %dma_wait3A_75 = tpu.memref_slice %arg6[%add3A_23, %dma_wait3A_74] : memref<10016x144xf32, #tpu.memory_space<vmem_shared>> -> memref<48x144xf32, #tpu.memory_space<vmem_shared>>
      tpu.wait_dma2 semaphore(%run_scoped3A : memref<!tpu.dma_semaphore, #tpu.memory_space<semaphore_mem>>) src(%arg15 : memref<48x144xf32, #tpu.memory_space<vmem>>) dst(%dma_wait3A_75 : memref<48x144xf32, #tpu.memory_space<vmem_shared>>)
      tpu.yield
    }) : () -> ()
    %add3A_24 = arith.constant 384 : i32
    %add3A_25 = arith.addi %mul3A_7, %add3A_24 : i32
    "tpu.region"() ({
      %run_scoped3A = tpu.sem_alloc : memref<!tpu.dma_semaphore, #tpu.memory_space<semaphore_mem>>
      %dma_start3A_68 = arith.constant 0 : i32
      %dma_start3A_69 = tpu.memref_slice %arg6[%add3A_25, %dma_start3A_68] : memref<10016x144xf32, #tpu.memory_space<vmem_shared>> -> memref<48x144xf32, #tpu.memory_space<vmem_shared>>
      %dma_start3A_70 = arith.constant 0 : i32
      %dma_start3A_71 = tpu.memref_slice %arg6[%add3A_25, %dma_start3A_70] : memref<10016x144xf32, #tpu.memory_space<vmem_shared>> -> memref<48x144xf32, #tpu.memory_space<vmem_shared>>
      tpu.enqueue_dma source(%arg15 : memref<48x144xf32, #tpu.memory_space<vmem>>) target(%dma_start3A_71 : memref<48x144xf32, #tpu.memory_space<vmem_shared>>) target_semaphore(%run_scoped3A : memref<!tpu.dma_semaphore, #tpu.memory_space<semaphore_mem>>)
      %dma_wait3A_72 = arith.constant 0 : i32
      %dma_wait3A_73 = tpu.memref_slice %arg6[%add3A_25, %dma_wait3A_72] : memref<10016x144xf32, #tpu.memory_space<vmem_shared>> -> memref<48x144xf32, #tpu.memory_space<vmem_shared>>
      %dma_wait3A_74 = arith.constant 0 : i32
      %dma_wait3A_75 = tpu.memref_slice %arg6[%add3A_25, %dma_wait3A_74] : memref<10016x144xf32, #tpu.memory_space<vmem_shared>> -> memref<48x144xf32, #tpu.memory_space<vmem_shared>>
      tpu.wait_dma2 semaphore(%run_scoped3A : memref<!tpu.dma_semaphore, #tpu.memory_space<semaphore_mem>>) src(%arg15 : memref<48x144xf32, #tpu.memory_space<vmem>>) dst(%dma_wait3A_75 : memref<48x144xf32, #tpu.memory_space<vmem_shared>>)
      tpu.yield
    }) : () -> ()
    %add3A_26 = arith.constant 432 : i32
    %add3A_27 = arith.addi %mul3A_7, %add3A_26 : i32
    "tpu.region"() ({
      %run_scoped3A = tpu.sem_alloc : memref<!tpu.dma_semaphore, #tpu.memory_space<semaphore_mem>>
      %dma_start3A_68 = arith.constant 0 : i32
      %dma_start3A_69 = tpu.memref_slice %arg6[%add3A_27, %dma_start3A_68] : memref<10016x144xf32, #tpu.memory_space<vmem_shared>> -> memref<48x144xf32, #tpu.memory_space<vmem_shared>>
      %dma_start3A_70 = arith.constant 0 : i32
      %dma_start3A_71 = tpu.memref_slice %arg6[%add3A_27, %dma_start3A_70] : memref<10016x144xf32, #tpu.memory_space<vmem_shared>> -> memref<48x144xf32, #tpu.memory_space<vmem_shared>>
      tpu.enqueue_dma source(%arg15 : memref<48x144xf32, #tpu.memory_space<vmem>>) target(%dma_start3A_71 : memref<48x144xf32, #tpu.memory_space<vmem_shared>>) target_semaphore(%run_scoped3A : memref<!tpu.dma_semaphore, #tpu.memory_space<semaphore_mem>>)
      %dma_wait3A_72 = arith.constant 0 : i32
      %dma_wait3A_73 = tpu.memref_slice %arg6[%add3A_27, %dma_wait3A_72] : memref<10016x144xf32, #tpu.memory_space<vmem_shared>> -> memref<48x144xf32, #tpu.memory_space<vmem_shared>>
      %dma_wait3A_74 = arith.constant 0 : i32
      %dma_wait3A_75 = tpu.memref_slice %arg6[%add3A_27, %dma_wait3A_74] : memref<10016x144xf32, #tpu.memory_space<vmem_shared>> -> memref<48x144xf32, #tpu.memory_space<vmem_shared>>
      tpu.wait_dma2 semaphore(%run_scoped3A : memref<!tpu.dma_semaphore, #tpu.memory_space<semaphore_mem>>) src(%arg15 : memref<48x144xf32, #tpu.memory_space<vmem>>) dst(%dma_wait3A_75 : memref<48x144xf32, #tpu.memory_space<vmem_shared>>)
      tpu.yield
    }) : () -> ()
    %add3A_28 = arith.constant 480 : i32
    %add3A_29 = arith.addi %mul3A_7, %add3A_28 : i32
    "tpu.region"() ({
      %run_scoped3A = tpu.sem_alloc : memref<!tpu.dma_semaphore, #tpu.memory_space<semaphore_mem>>
      %dma_start3A_68 = arith.constant 0 : i32
      %dma_start3A_69 = tpu.memref_slice %arg6[%add3A_29, %dma_start3A_68] : memref<10016x144xf32, #tpu.memory_space<vmem_shared>> -> memref<48x144xf32, #tpu.memory_space<vmem_shared>>
      %dma_start3A_70 = arith.constant 0 : i32
      %dma_start3A_71 = tpu.memref_slice %arg6[%add3A_29, %dma_start3A_70] : memref<10016x144xf32, #tpu.memory_space<vmem_shared>> -> memref<48x144xf32, #tpu.memory_space<vmem_shared>>
      tpu.enqueue_dma source(%arg15 : memref<48x144xf32, #tpu.memory_space<vmem>>) target(%dma_start3A_71 : memref<48x144xf32, #tpu.memory_space<vmem_shared>>) target_semaphore(%run_scoped3A : memref<!tpu.dma_semaphore, #tpu.memory_space<semaphore_mem>>)
      %dma_wait3A_72 = arith.constant 0 : i32
      %dma_wait3A_73 = tpu.memref_slice %arg6[%add3A_29, %dma_wait3A_72] : memref<10016x144xf32, #tpu.memory_space<vmem_shared>> -> memref<48x144xf32, #tpu.memory_space<vmem_shared>>
      %dma_wait3A_74 = arith.constant 0 : i32
      %dma_wait3A_75 = tpu.memref_slice %arg6[%add3A_29, %dma_wait3A_74] : memref<10016x144xf32, #tpu.memory_space<vmem_shared>> -> memref<48x144xf32, #tpu.memory_space<vmem_shared>>
      tpu.wait_dma2 semaphore(%run_scoped3A : memref<!tpu.dma_semaphore, #tpu.memory_space<semaphore_mem>>) src(%arg15 : memref<48x144xf32, #tpu.memory_space<vmem>>) dst(%dma_wait3A_75 : memref<48x144xf32, #tpu.memory_space<vmem_shared>>)
      tpu.yield
    }) : () -> ()
    %add3A_30 = arith.constant 528 : i32
    %add3A_31 = arith.addi %mul3A_7, %add3A_30 : i32
    "tpu.region"() ({
      %run_scoped3A = tpu.sem_alloc : memref<!tpu.dma_semaphore, #tpu.memory_space<semaphore_mem>>
      %dma_start3A_68 = arith.constant 0 : i32
      %dma_start3A_69 = tpu.memref_slice %arg6[%add3A_31, %dma_start3A_68] : memref<10016x144xf32, #tpu.memory_space<vmem_shared>> -> memref<48x144xf32, #tpu.memory_space<vmem_shared>>
      %dma_start3A_70 = arith.constant 0 : i32
      %dma_start3A_71 = tpu.memref_slice %arg6[%add3A_31, %dma_start3A_70] : memref<10016x144xf32, #tpu.memory_space<vmem_shared>> -> memref<48x144xf32, #tpu.memory_space<vmem_shared>>
      tpu.enqueue_dma source(%arg15 : memref<48x144xf32, #tpu.memory_space<vmem>>) target(%dma_start3A_71 : memref<48x144xf32, #tpu.memory_space<vmem_shared>>) target_semaphore(%run_scoped3A : memref<!tpu.dma_semaphore, #tpu.memory_space<semaphore_mem>>)
      %dma_wait3A_72 = arith.constant 0 : i32
      %dma_wait3A_73 = tpu.memref_slice %arg6[%add3A_31, %dma_wait3A_72] : memref<10016x144xf32, #tpu.memory_space<vmem_shared>> -> memref<48x144xf32, #tpu.memory_space<vmem_shared>>
      %dma_wait3A_74 = arith.constant 0 : i32
      %dma_wait3A_75 = tpu.memref_slice %arg6[%add3A_31, %dma_wait3A_74] : memref<10016x144xf32, #tpu.memory_space<vmem_shared>> -> memref<48x144xf32, #tpu.memory_space<vmem_shared>>
      tpu.wait_dma2 semaphore(%run_scoped3A : memref<!tpu.dma_semaphore, #tpu.memory_space<semaphore_mem>>) src(%arg15 : memref<48x144xf32, #tpu.memory_space<vmem>>) dst(%dma_wait3A_75 : memref<48x144xf32, #tpu.memory_space<vmem_shared>>)
      tpu.yield
    }) : () -> ()
    %add3A_32 = arith.constant 576 : i32
    %add3A_33 = arith.addi %mul3A_7, %add3A_32 : i32
    "tpu.region"() ({
      %run_scoped3A = tpu.sem_alloc : memref<!tpu.dma_semaphore, #tpu.memory_space<semaphore_mem>>
      %dma_start3A_68 = arith.constant 0 : i32
      %dma_start3A_69 = tpu.memref_slice %arg6[%add3A_33, %dma_start3A_68] : memref<10016x144xf32, #tpu.memory_space<vmem_shared>> -> memref<48x144xf32, #tpu.memory_space<vmem_shared>>
      %dma_start3A_70 = arith.constant 0 : i32
      %dma_start3A_71 = tpu.memref_slice %arg6[%add3A_33, %dma_start3A_70] : memref<10016x144xf32, #tpu.memory_space<vmem_shared>> -> memref<48x144xf32, #tpu.memory_space<vmem_shared>>
      tpu.enqueue_dma source(%arg15 : memref<48x144xf32, #tpu.memory_space<vmem>>) target(%dma_start3A_71 : memref<48x144xf32, #tpu.memory_space<vmem_shared>>) target_semaphore(%run_scoped3A : memref<!tpu.dma_semaphore, #tpu.memory_space<semaphore_mem>>)
      %dma_wait3A_72 = arith.constant 0 : i32
      %dma_wait3A_73 = tpu.memref_slice %arg6[%add3A_33, %dma_wait3A_72] : memref<10016x144xf32, #tpu.memory_space<vmem_shared>> -> memref<48x144xf32, #tpu.memory_space<vmem_shared>>
      %dma_wait3A_74 = arith.constant 0 : i32
      %dma_wait3A_75 = tpu.memref_slice %arg6[%add3A_33, %dma_wait3A_74] : memref<10016x144xf32, #tpu.memory_space<vmem_shared>> -> memref<48x144xf32, #tpu.memory_space<vmem_shared>>
      tpu.wait_dma2 semaphore(%run_scoped3A : memref<!tpu.dma_semaphore, #tpu.memory_space<semaphore_mem>>) src(%arg15 : memref<48x144xf32, #tpu.memory_space<vmem>>) dst(%dma_wait3A_75 : memref<48x144xf32, #tpu.memory_space<vmem_shared>>)
      tpu.yield
    }) : () -> ()
    %add3A_34 = arith.constant 624 : i32
    %add3A_35 = arith.addi %mul3A_7, %add3A_34 : i32
    "tpu.region"() ({
      %run_scoped3A = tpu.sem_alloc : memref<!tpu.dma_semaphore, #tpu.memory_space<semaphore_mem>>
      %dma_start3A_68 = arith.constant 0 : i32
      %dma_start3A_69 = arith.constant 0 : i32
      %dma_start3A_70 = tpu.memref_slice %arg15[%dma_start3A_68, %dma_start3A_69] : memref<48x144xf32, #tpu.memory_space<vmem>> -> memref<2x144xf32, #tpu.memory_space<vmem>>
      %dma_start3A_71 = arith.constant 0 : i32
      %dma_start3A_72 = tpu.memref_slice %arg6[%add3A_35, %dma_start3A_71] : memref<10016x144xf32, #tpu.memory_space<vmem_shared>> -> memref<2x144xf32, #tpu.memory_space<vmem_shared>>
      %dma_start3A_73 = arith.constant 0 : i32
      %dma_start3A_74 = tpu.memref_slice %arg6[%add3A_35, %dma_start3A_73] : memref<10016x144xf32, #tpu.memory_space<vmem_shared>> -> memref<2x144xf32, #tpu.memory_space<vmem_shared>>
      %dma_start3A_75 = arith.constant 0 : i32
      %dma_start3A_76 = arith.constant 0 : i32
      %dma_start3A_77 = tpu.memref_slice %arg15[%dma_start3A_75, %dma_start3A_76] : memref<48x144xf32, #tpu.memory_space<vmem>> -> memref<2x144xf32, #tpu.memory_space<vmem>>
      tpu.enqueue_dma source(%dma_start3A_77 : memref<2x144xf32, #tpu.memory_space<vmem>>) target(%dma_start3A_74 : memref<2x144xf32, #tpu.memory_space<vmem_shared>>) target_semaphore(%run_scoped3A : memref<!tpu.dma_semaphore, #tpu.memory_space<semaphore_mem>>)
      %dma_wait3A_78 = arith.constant 0 : i32
      %dma_wait3A_79 = arith.constant 0 : i32
      %dma_wait3A_80 = tpu.memref_slice %arg15[%dma_wait3A_78, %dma_wait3A_79] : memref<48x144xf32, #tpu.memory_space<vmem>> -> memref<2x144xf32, #tpu.memory_space<vmem>>
      %dma_wait3A_81 = arith.constant 0 : i32
      %dma_wait3A_82 = tpu.memref_slice %arg6[%add3A_35, %dma_wait3A_81] : memref<10016x144xf32, #tpu.memory_space<vmem_shared>> -> memref<2x144xf32, #tpu.memory_space<vmem_shared>>
      %dma_wait3A_83 = arith.constant 0 : i32
      %dma_wait3A_84 = tpu.memref_slice %arg6[%add3A_35, %dma_wait3A_83] : memref<10016x144xf32, #tpu.memory_space<vmem_shared>> -> memref<2x144xf32, #tpu.memory_space<vmem_shared>>
      %dma_wait3A_85 = arith.constant 0 : i32
      %dma_wait3A_86 = arith.constant 0 : i32
      %dma_wait3A_87 = tpu.memref_slice %arg15[%dma_wait3A_85, %dma_wait3A_86] : memref<48x144xf32, #tpu.memory_space<vmem>> -> memref<2x144xf32, #tpu.memory_space<vmem>>
      tpu.wait_dma2 semaphore(%run_scoped3A : memref<!tpu.dma_semaphore, #tpu.memory_space<semaphore_mem>>) src(%dma_wait3A_87 : memref<2x144xf32, #tpu.memory_space<vmem>>) dst(%dma_wait3A_84 : memref<2x144xf32, #tpu.memory_space<vmem_shared>>)
      tpu.yield
    }) : () -> ()
    %scan3A_36 = arith.constant 0 : i32
    %scan3A_37 = arith.constant 0 : i32
    %scan3A_38 = arith.constant 48 : i32
    %scan3A_39 = arith.addi %scan3A_37, %scan3A_38 : i32
    %scan3A_40 = arith.constant 1 : i32
    scf.for %scan3A_68 = %scan3A_37 to %scan3A_39 step %scan3A_40  : i32 {
      %broadcast_in_dim3A = arith.constant 1.000000e+00 : f32
      %broadcast_in_dim3A_69 = vector.broadcast %broadcast_in_dim3A : f32 to vector<16xf32>
      %swap3A = arith.index_cast %scan3A_68 : i32 to index
      %swap3A_70 = arith.constant 128 : index
      %swap3A_71 = tpu.vector_load %arg15[%swap3A, %swap3A_70] {strides = array<i32>} : memref<48x144xf32, #tpu.memory_space<vmem>>, vector<16xf32>,
      tpu.vector_store %arg15[%swap3A, %swap3A_70], %broadcast_in_dim3A_69 {strides = array<i32>} : memref<48x144xf32, #tpu.memory_space<vmem>>, vector<16xf32>,
      %broadcast_in_dim3A_72 = arith.constant 1.000000e+00 : f32
      %broadcast_in_dim3A_73 = vector.broadcast %broadcast_in_dim3A_72 : f32 to vector<16xf32>
      %swap3A_74 = arith.index_cast %scan3A_68 : i32 to index
      %swap3A_75 = arith.constant 128 : index
      %swap3A_76 = tpu.vector_load %arg16[%swap3A_74, %swap3A_75] {strides = array<i32>} : memref<48x144xf32, #tpu.memory_space<vmem>>, vector<16xf32>,
      tpu.vector_store %arg16[%swap3A_74, %swap3A_75], %broadcast_in_dim3A_73 {strides = array<i32>} : memref<48x144xf32, #tpu.memory_space<vmem>>, vector<16xf32>,
    }
    %scan3A_41 = arith.constant 48 : i32
    %barrier3A = arith.constant 0 : index
    tpu.barrier barrier_id(%barrier3A)
    %dma_start3A = arith.constant 0 : i32
    %dma_start3A_42 = arith.constant 0 : i32
    %dma_start3A_43 = tpu.memref_slice %arg7[%dma_start3A, %dma_start3A_42] : memref<212x48xi32, #tpu.memory_space<vmem>> -> memref<1x48xi32, #tpu.memory_space<vmem>>
    %dma_start3A_44 = tpu.memref_squeeze %dma_start3A_43 : memref<1x48xi32, #tpu.memory_space<vmem>> -> memref<48xi32, #tpu.memory_space<vmem>>
    %dma_start3A_45 = arith.constant 0 : i32
    %dma_start3A_46 = arith.constant 0 : i32
    %dma_start3A_47 = tpu.memref_slice %arg2[%dma_start3A_45, %dma_start3A_46] : memref<10000x128xbf16, #tpu.memory_space<hbm>> -> memref<10000x128xbf16, #tpu.memory_space<hbm>>
    tpu.enqueue_indirect_dma source(%dma_start3A_47 : memref<10000x128xbf16, #tpu.memory_space<hbm>>) target(%arg13 : memref<48x128xbf16, #tpu.memory_space<vmem>>) offsets(%dma_start3A_44 : memref<48xi32, #tpu.memory_space<vmem>>) semaphore(%arg17 : memref<!tpu.dma_semaphore, #tpu.memory_space<semaphore_mem>>)
    %scan3A_48 = arith.constant 0 : i32
    %scan3A_49 = arith.constant 0 : i32
    %scan3A_50 = arith.constant 106 : i32
    %scan3A_51 = arith.addi %scan3A_49, %scan3A_50 : i32
    %scan3A_52 = arith.constant 1 : i32
    scf.for %scan3A_68 = %scan3A_49 to %scan3A_51 step %scan3A_52  : i32 {
      %mul3A_69 = arith.constant 2 : i32
      %mul3A_70 = arith.muli %mul3A_69, %scan3A_68 : i32
      %add3A_71 = arith.constant 1 : i32
      %add3A_72 = arith.addi %mul3A_70, %add3A_71 : i32
      %dma_start3A_73 = arith.constant 0 : i32
      %dma_start3A_74 = tpu.memref_slice %arg7[%add3A_72, %dma_start3A_73] : memref<212x48xi32, #tpu.memory_space<vmem>> -> memref<1x48xi32, #tpu.memory_space<vmem>>
      %dma_start3A_75 = tpu.memref_squeeze %dma_start3A_74 : memref<1x48xi32, #tpu.memory_space<vmem>> -> memref<48xi32, #tpu.memory_space<vmem>>
      %dma_start3A_76 = arith.constant 0 : i32
      %dma_start3A_77 = arith.constant 0 : i32
      %dma_start3A_78 = tpu.memref_slice %arg2[%dma_start3A_76, %dma_start3A_77] : memref<10000x128xbf16, #tpu.memory_space<hbm>> -> memref<10000x128xbf16, #tpu.memory_space<hbm>>
      tpu.enqueue_indirect_dma source(%dma_start3A_78 : memref<10000x128xbf16, #tpu.memory_space<hbm>>) target(%arg14 : memref<48x128xbf16, #tpu.memory_space<vmem>>) offsets(%dma_start3A_75 : memref<48xi32, #tpu.memory_space<vmem>>) semaphore(%arg18 : memref<!tpu.dma_semaphore, #tpu.memory_space<semaphore_mem>>)
      %dma_wait3A_79 = arith.constant 0 : i32
      %dma_wait3A_80 = arith.constant 0 : i32
      %dma_wait3A_81 = tpu.memref_slice %arg2[%dma_wait3A_79, %dma_wait3A_80] : memref<10000x128xbf16, #tpu.memory_space<hbm>> -> memref<48x128xbf16, #tpu.memory_space<hbm>>
      %dma_wait3A_82 = arith.constant 0 : i32
      %dma_wait3A_83 = arith.constant 0 : i32
      %dma_wait3A_84 = tpu.memref_slice %arg2[%dma_wait3A_82, %dma_wait3A_83] : memref<10000x128xbf16, #tpu.memory_space<hbm>> -> memref<48x128xbf16, #tpu.memory_space<hbm>>
      tpu.wait_dma2 semaphore(%arg17 : memref<!tpu.dma_semaphore, #tpu.memory_space<semaphore_mem>>) src(%dma_wait3A_84 : memref<48x128xbf16, #tpu.memory_space<hbm>>) dst(%arg13 : memref<48x128xbf16, #tpu.memory_space<vmem>>)
      %gt3A = arith.constant 0 : i32
      %gt3A_85 = arith.cmpi sgt, %scan3A_68, %gt3A : i32
      %convert_element_type3A = arith.extui %gt3A_85 : i1 to i32
      %cond3A = arith.constant 0 : i32
      %cond3A_86 = arith.cmpi ne, %convert_element_type3A, %cond3A : i32
      scf.if %cond3A_86 {
        %dma_wait3A_130 = arith.constant 0 : i32
        %dma_wait3A_131 = arith.constant 0 : i32
        %dma_wait3A_132 = tpu.memref_slice %arg6[%dma_wait3A_130, %dma_wait3A_131] : memref<10016x144xf32, #tpu.memory_space<vmem_shared>> -> memref<48x144xf32, #tpu.memory_space<vmem_shared>>
        %dma_wait3A_133 = arith.constant 0 : i32
        %dma_wait3A_134 = arith.constant 0 : i32
        %dma_wait3A_135 = tpu.memref_slice %arg6[%dma_wait3A_133, %dma_wait3A_134] : memref<10016x144xf32, #tpu.memory_space<vmem_shared>> -> memref<48x144xf32, #tpu.memory_space<vmem_shared>>
        tpu.wait_dma2 semaphore(%arg19 : memref<!tpu.dma_semaphore, #tpu.memory_space<semaphore_mem>>) src(%arg15 : memref<48x144xf32, #tpu.memory_space<vmem>>) dst(%dma_wait3A_135 : memref<48x144xf32, #tpu.memory_space<vmem_shared>>)
      } else {
      }
      %scan3A_87 = arith.constant 0 : i32
      %scan3A_88 = arith.constant 0 : i32
      %scan3A_89 = arith.constant 48 : i32
      %scan3A_90 = arith.addi %scan3A_88, %scan3A_89 : i32
      %scan3A_91 = arith.constant 1 : i32
      scf.for %scan3A_130 = %scan3A_88 to %scan3A_90 step %scan3A_91  : i32 {
        %get3A = arith.index_cast %scan3A_130 : i32 to index
        %get3A_131 = arith.constant 0 : index
        %get3A_132 = tpu.vector_load %arg13[%get3A, %get3A_131] {strides = array<i32>} : memref<48x128xbf16, #tpu.memory_space<vmem>>, vector<32xbf16>,
        %unpack3A = tpu.unpack_subelements %get3A_132, 0 {pack_format = #tpu.pack_format<interleaved>} : vector<32xbf16> -> vector<16xf32>
        %unpack3A_133 = tpu.unpack_subelements %get3A_132, 1 {pack_format = #tpu.pack_format<interleaved>} : vector<32xbf16> -> vector<16xf32>
        %swap3A = arith.index_cast %scan3A_130 : i32 to index
        %swap3A_134 = arith.constant 0 : index
        %swap3A_135 = tpu.vector_load %arg15[%swap3A, %swap3A_134] {strides = array<i32>} : memref<48x144xf32, #tpu.memory_space<vmem>>, vector<16xf32>,
        tpu.vector_store %arg15[%swap3A, %swap3A_134], %unpack3A {strides = array<i32>} : memref<48x144xf32, #tpu.memory_space<vmem>>, vector<16xf32>,
        %swap3A_136 = arith.index_cast %scan3A_130 : i32 to index
        %swap3A_137 = arith.constant 16 : index
        %swap3A_138 = tpu.vector_load %arg15[%swap3A_136, %swap3A_137] {strides = array<i32>} : memref<48x144xf32, #tpu.memory_space<vmem>>, vector<16xf32>,
        tpu.vector_store %arg15[%swap3A_136, %swap3A_137], %unpack3A_133 {strides = array<i32>} : memref<48x144xf32, #tpu.memory_space<vmem>>, vector<16xf32>,
        %get3A_139 = arith.index_cast %scan3A_130 : i32 to index
        %get3A_140 = arith.constant 32 : index
        %get3A_141 = tpu.vector_load %arg13[%get3A_139, %get3A_140] {strides = array<i32>} : memref<48x128xbf16, #tpu.memory_space<vmem>>, vector<32xbf16>,
        %unpack3A_142 = tpu.unpack_subelements %get3A_141, 0 {pack_format = #tpu.pack_format<interleaved>} : vector<32xbf16> -> vector<16xf32>
        %unpack3A_143 = tpu.unpack_subelements %get3A_141, 1 {pack_format = #tpu.pack_format<interleaved>} : vector<32xbf16> -> vector<16xf32>
        %swap3A_144 = arith.index_cast %scan3A_130 : i32 to index
        %swap3A_145 = arith.constant 32 : index
        %swap3A_146 = tpu.vector_load %arg15[%swap3A_144, %swap3A_145] {strides = array<i32>} : memref<48x144xf32, #tpu.memory_space<vmem>>, vector<16xf32>,
        tpu.vector_store %arg15[%swap3A_144, %swap3A_145], %unpack3A_142 {strides = array<i32>} : memref<48x144xf32, #tpu.memory_space<vmem>>, vector<16xf32>,
        %swap3A_147 = arith.index_cast %scan3A_130 : i32 to index
        %swap3A_148 = arith.constant 48 : index
        %swap3A_149 = tpu.vector_load %arg15[%swap3A_147, %swap3A_148] {strides = array<i32>} : memref<48x144xf32, #tpu.memory_space<vmem>>, vector<16xf32>,
        tpu.vector_store %arg15[%swap3A_147, %swap3A_148], %unpack3A_143 {strides = array<i32>} : memref<48x144xf32, #tpu.memory_space<vmem>>, vector<16xf32>,
        %get3A_150 = arith.index_cast %scan3A_130 : i32 to index
        %get3A_151 = arith.constant 64 : index
        %get3A_152 = tpu.vector_load %arg13[%get3A_150, %get3A_151] {strides = array<i32>} : memref<48x128xbf16, #tpu.memory_space<vmem>>, vector<32xbf16>,
        %unpack3A_153 = tpu.unpack_subelements %get3A_152, 0 {pack_format = #tpu.pack_format<interleaved>} : vector<32xbf16> -> vector<16xf32>
        %unpack3A_154 = tpu.unpack_subelements %get3A_152, 1 {pack_format = #tpu.pack_format<interleaved>} : vector<32xbf16> -> vector<16xf32>
        %swap3A_155 = arith.index_cast %scan3A_130 : i32 to index
        %swap3A_156 = arith.constant 64 : index
        %swap3A_157 = tpu.vector_load %arg15[%swap3A_155, %swap3A_156] {strides = array<i32>} : memref<48x144xf32, #tpu.memory_space<vmem>>, vector<16xf32>,
        tpu.vector_store %arg15[%swap3A_155, %swap3A_156], %unpack3A_153 {strides = array<i32>} : memref<48x144xf32, #tpu.memory_space<vmem>>, vector<16xf32>,
        %swap3A_158 = arith.index_cast %scan3A_130 : i32 to index
        %swap3A_159 = arith.constant 80 : index
        %swap3A_160 = tpu.vector_load %arg15[%swap3A_158, %swap3A_159] {strides = array<i32>} : memref<48x144xf32, #tpu.memory_space<vmem>>, vector<16xf32>,
        tpu.vector_store %arg15[%swap3A_158, %swap3A_159], %unpack3A_154 {strides = array<i32>} : memref<48x144xf32, #tpu.memory_space<vmem>>, vector<16xf32>,
        %get3A_161 = arith.index_cast %scan3A_130 : i32 to index
        %get3A_162 = arith.constant 96 : index
        %get3A_163 = tpu.vector_load %arg13[%get3A_161, %get3A_162] {strides = array<i32>} : memref<48x128xbf16, #tpu.memory_space<vmem>>, vector<32xbf16>,
        %unpack3A_164 = tpu.unpack_subelements %get3A_163, 0 {pack_format = #tpu.pack_format<interleaved>} : vector<32xbf16> -> vector<16xf32>
        %unpack3A_165 = tpu.unpack_subelements %get3A_163, 1 {pack_format = #tpu.pack_format<interleaved>} : vector<32xbf16> -> vector<16xf32>
        %swap3A_166 = arith.index_cast %scan3A_130 : i32 to index
        %swap3A_167 = arith.constant 96 : index
        %swap3A_168 = tpu.vector_load %arg15[%swap3A_166, %swap3A_167] {strides = array<i32>} : memref<48x144xf32, #tpu.memory_space<vmem>>, vector<16xf32>,
        tpu.vector_store %arg15[%swap3A_166, %swap3A_167], %unpack3A_164 {strides = array<i32>} : memref<48x144xf32, #tpu.memory_space<vmem>>, vector<16xf32>,
        %swap3A_169 = arith.index_cast %scan3A_130 : i32 to index
        %swap3A_170 = arith.constant 112 : index
        %swap3A_171 = tpu.vector_load %arg15[%swap3A_169, %swap3A_170] {strides = array<i32>} : memref<48x144xf32, #tpu.memory_space<vmem>>, vector<16xf32>,
        tpu.vector_store %arg15[%swap3A_169, %swap3A_170], %unpack3A_165 {strides = array<i32>} : memref<48x144xf32, #tpu.memory_space<vmem>>, vector<16xf32>,
      }
      %scan3A_92 = arith.constant 48 : i32
      %dma_start3A_93 = arith.constant 0 : i32
      %dma_start3A_94 = tpu.memref_slice %arg8[%mul3A_70, %dma_start3A_93] : memref<212x48xi32, #tpu.memory_space<vmem>> -> memref<1x48xi32, #tpu.memory_space<vmem>>
      %dma_start3A_95 = tpu.memref_squeeze %dma_start3A_94 : memref<1x48xi32, #tpu.memory_space<vmem>> -> memref<48xi32, #tpu.memory_space<vmem>>
      %dma_start3A_96 = arith.constant 0 : i32
      %dma_start3A_97 = arith.constant 0 : i32
      %dma_start3A_98 = tpu.memref_slice %arg6[%dma_start3A_96, %dma_start3A_97] : memref<10016x144xf32, #tpu.memory_space<vmem_shared>> -> memref<10016x144xf32, #tpu.memory_space<vmem_shared>>
      tpu.enqueue_indirect_dma source(%arg15 : memref<48x144xf32, #tpu.memory_space<vmem>>) target(%dma_start3A_98 : memref<10016x144xf32, #tpu.memory_space<vmem_shared>>) offsets(%dma_start3A_95 : memref<48xi32, #tpu.memory_space<vmem>>) semaphore(%arg19 : memref<!tpu.dma_semaphore, #tpu.memory_space<semaphore_mem>>) {add = true}
      %add3A_99 = arith.constant 1 : i32
      %add3A_100 = arith.addi %scan3A_68, %add3A_99 : i32
      %lt3A = arith.constant 106 : i32
      %lt3A_101 = arith.cmpi slt, %add3A_100, %lt3A : i32
      %convert_element_type3A_102 = arith.extui %lt3A_101 : i1 to i32
      %cond3A_103 = arith.constant 0 : i32
      %cond3A_104 = arith.cmpi ne, %convert_element_type3A_102, %cond3A_103 : i32
      scf.if %cond3A_104 {
        %add3A_130 = arith.constant 2 : i32
        %add3A_131 = arith.addi %mul3A_70, %add3A_130 : i32
        %dma_start3A_132 = arith.constant 0 : i32
        %dma_start3A_133 = tpu.memref_slice %arg7[%add3A_131, %dma_start3A_132] : memref<212x48xi32, #tpu.memory_space<vmem>> -> memref<1x48xi32, #tpu.memory_space<vmem>>
        %dma_start3A_134 = tpu.memref_squeeze %dma_start3A_133 : memref<1x48xi32, #tpu.memory_space<vmem>> -> memref<48xi32, #tpu.memory_space<vmem>>
        %dma_start3A_135 = arith.constant 0 : i32
        %dma_start3A_136 = arith.constant 0 : i32
        %dma_start3A_137 = tpu.memref_slice %arg2[%dma_start3A_135, %dma_start3A_136] : memref<10000x128xbf16, #tpu.memory_space<hbm>> -> memref<10000x128xbf16, #tpu.memory_space<hbm>>
        tpu.enqueue_indirect_dma source(%dma_start3A_137 : memref<10000x128xbf16, #tpu.memory_space<hbm>>) target(%arg13 : memref<48x128xbf16, #tpu.memory_space<vmem>>) offsets(%dma_start3A_134 : memref<48xi32, #tpu.memory_space<vmem>>) semaphore(%arg17 : memref<!tpu.dma_semaphore, #tpu.memory_space<semaphore_mem>>)
      } else {
      }
      %dma_wait3A_105 = arith.constant 0 : i32
      %dma_wait3A_106 = arith.constant 0 : i32
      %dma_wait3A_107 = tpu.memref_slice %arg2[%dma_wait3A_105, %dma_wait3A_106] : memref<10000x128xbf16, #tpu.memory_space<hbm>> -> memref<48x128xbf16, #tpu.memory_space<hbm>>
      %dma_wait3A_108 = arith.constant 0 : i32
      %dma_wait3A_109 = arith.constant 0 : i32
      %dma_wait3A_110 = tpu.memref_slice %arg2[%dma_wait3A_108, %dma_wait3A_109] : memref<10000x128xbf16, #tpu.memory_space<hbm>> -> memref<48x128xbf16, #tpu.memory_space<hbm>>
      tpu.wait_dma2 semaphore(%arg18 : memref<!tpu.dma_semaphore, #tpu.memory_space<semaphore_mem>>) src(%dma_wait3A_110 : memref<48x128xbf16, #tpu.memory_space<hbm>>) dst(%arg14 : memref<48x128xbf16, #tpu.memory_space<vmem>>)
      %gt3A_111 = arith.constant 0 : i32
      %gt3A_112 = arith.cmpi sgt, %scan3A_68, %gt3A_111 : i32
      %convert_element_type3A_113 = arith.extui %gt3A_112 : i1 to i32
      %cond3A_114 = arith.constant 0 : i32
      %cond3A_115 = arith.cmpi ne, %convert_element_type3A_113, %cond3A_114 : i32
      scf.if %cond3A_115 {
        %dma_wait3A_130 = arith.constant 0 : i32
        %dma_wait3A_131 = arith.constant 0 : i32
        %dma_wait3A_132 = tpu.memref_slice %arg6[%dma_wait3A_130, %dma_wait3A_131] : memref<10016x144xf32, #tpu.memory_space<vmem_shared>> -> memref<48x144xf32, #tpu.memory_space<vmem_shared>>
        %dma_wait3A_133 = arith.constant 0 : i32
        %dma_wait3A_134 = arith.constant 0 : i32
        %dma_wait3A_135 = tpu.memref_slice %arg6[%dma_wait3A_133, %dma_wait3A_134] : memref<10016x144xf32, #tpu.memory_space<vmem_shared>> -> memref<48x144xf32, #tpu.memory_space<vmem_shared>>
        tpu.wait_dma2 semaphore(%arg20 : memref<!tpu.dma_semaphore, #tpu.memory_space<semaphore_mem>>) src(%arg16 : memref<48x144xf32, #tpu.memory_space<vmem>>) dst(%dma_wait3A_135 : memref<48x144xf32, #tpu.memory_space<vmem_shared>>)
      } else {
      }
      %scan3A_116 = arith.constant 0 : i32
      %scan3A_117 = arith.constant 0 : i32
      %scan3A_118 = arith.constant 48 : i32
      %scan3A_119 = arith.addi %scan3A_117, %scan3A_118 : i32
      %scan3A_120 = arith.constant 1 : i32
      scf.for %scan3A_130 = %scan3A_117 to %scan3A_119 step %scan3A_120  : i32 {
        %get3A = arith.index_cast %scan3A_130 : i32 to index
        %get3A_131 = arith.constant 0 : index
        %get3A_132 = tpu.vector_load %arg14[%get3A, %get3A_131] {strides = array<i32>} : memref<48x128xbf16, #tpu.memory_space<vmem>>, vector<32xbf16>,
        %unpack3A = tpu.unpack_subelements %get3A_132, 0 {pack_format = #tpu.pack_format<interleaved>} : vector<32xbf16> -> vector<16xf32>
        %unpack3A_133 = tpu.unpack_subelements %get3A_132, 1 {pack_format = #tpu.pack_format<interleaved>} : vector<32xbf16> -> vector<16xf32>
        %swap3A = arith.index_cast %scan3A_130 : i32 to index
        %swap3A_134 = arith.constant 0 : index
        %swap3A_135 = tpu.vector_load %arg16[%swap3A, %swap3A_134] {strides = array<i32>} : memref<48x144xf32, #tpu.memory_space<vmem>>, vector<16xf32>,
        tpu.vector_store %arg16[%swap3A, %swap3A_134], %unpack3A {strides = array<i32>} : memref<48x144xf32, #tpu.memory_space<vmem>>, vector<16xf32>,
        %swap3A_136 = arith.index_cast %scan3A_130 : i32 to index
        %swap3A_137 = arith.constant 16 : index
        %swap3A_138 = tpu.vector_load %arg16[%swap3A_136, %swap3A_137] {strides = array<i32>} : memref<48x144xf32, #tpu.memory_space<vmem>>, vector<16xf32>,
        tpu.vector_store %arg16[%swap3A_136, %swap3A_137], %unpack3A_133 {strides = array<i32>} : memref<48x144xf32, #tpu.memory_space<vmem>>, vector<16xf32>,
        %get3A_139 = arith.index_cast %scan3A_130 : i32 to index
        %get3A_140 = arith.constant 32 : index
        %get3A_141 = tpu.vector_load %arg14[%get3A_139, %get3A_140] {strides = array<i32>} : memref<48x128xbf16, #tpu.memory_space<vmem>>, vector<32xbf16>,
        %unpack3A_142 = tpu.unpack_subelements %get3A_141, 0 {pack_format = #tpu.pack_format<interleaved>} : vector<32xbf16> -> vector<16xf32>
        %unpack3A_143 = tpu.unpack_subelements %get3A_141, 1 {pack_format = #tpu.pack_format<interleaved>} : vector<32xbf16> -> vector<16xf32>
        %swap3A_144 = arith.index_cast %scan3A_130 : i32 to index
        %swap3A_145 = arith.constant 32 : index
        %swap3A_146 = tpu.vector_load %arg16[%swap3A_144, %swap3A_145] {strides = array<i32>} : memref<48x144xf32, #tpu.memory_space<vmem>>, vector<16xf32>,
        tpu.vector_store %arg16[%swap3A_144, %swap3A_145], %unpack3A_142 {strides = array<i32>} : memref<48x144xf32, #tpu.memory_space<vmem>>, vector<16xf32>,
        %swap3A_147 = arith.index_cast %scan3A_130 : i32 to index
        %swap3A_148 = arith.constant 48 : index
        %swap3A_149 = tpu.vector_load %arg16[%swap3A_147, %swap3A_148] {strides = array<i32>} : memref<48x144xf32, #tpu.memory_space<vmem>>, vector<16xf32>,
        tpu.vector_store %arg16[%swap3A_147, %swap3A_148], %unpack3A_143 {strides = array<i32>} : memref<48x144xf32, #tpu.memory_space<vmem>>, vector<16xf32>,
        %get3A_150 = arith.index_cast %scan3A_130 : i32 to index
        %get3A_151 = arith.constant 64 : index
        %get3A_152 = tpu.vector_load %arg14[%get3A_150, %get3A_151] {strides = array<i32>} : memref<48x128xbf16, #tpu.memory_space<vmem>>, vector<32xbf16>,
        %unpack3A_153 = tpu.unpack_subelements %get3A_152, 0 {pack_format = #tpu.pack_format<interleaved>} : vector<32xbf16> -> vector<16xf32>
        %unpack3A_154 = tpu.unpack_subelements %get3A_152, 1 {pack_format = #tpu.pack_format<interleaved>} : vector<32xbf16> -> vector<16xf32>
        %swap3A_155 = arith.index_cast %scan3A_130 : i32 to index
        %swap3A_156 = arith.constant 64 : index
        %swap3A_157 = tpu.vector_load %arg16[%swap3A_155, %swap3A_156] {strides = array<i32>} : memref<48x144xf32, #tpu.memory_space<vmem>>, vector<16xf32>,
        tpu.vector_store %arg16[%swap3A_155, %swap3A_156], %unpack3A_153 {strides = array<i32>} : memref<48x144xf32, #tpu.memory_space<vmem>>, vector<16xf32>,
        %swap3A_158 = arith.index_cast %scan3A_130 : i32 to index
        %swap3A_159 = arith.constant 80 : index
        %swap3A_160 = tpu.vector_load %arg16[%swap3A_158, %swap3A_159] {strides = array<i32>} : memref<48x144xf32, #tpu.memory_space<vmem>>, vector<16xf32>,
        tpu.vector_store %arg16[%swap3A_158, %swap3A_159], %unpack3A_154 {strides = array<i32>} : memref<48x144xf32, #tpu.memory_space<vmem>>, vector<16xf32>,
        %get3A_161 = arith.index_cast %scan3A_130 : i32 to index
        %get3A_162 = arith.constant 96 : index
        %get3A_163 = tpu.vector_load %arg14[%get3A_161, %get3A_162] {strides = array<i32>} : memref<48x128xbf16, #tpu.memory_space<vmem>>, vector<32xbf16>,
        %unpack3A_164 = tpu.unpack_subelements %get3A_163, 0 {pack_format = #tpu.pack_format<interleaved>} : vector<32xbf16> -> vector<16xf32>
        %unpack3A_165 = tpu.unpack_subelements %get3A_163, 1 {pack_format = #tpu.pack_format<interleaved>} : vector<32xbf16> -> vector<16xf32>
        %swap3A_166 = arith.index_cast %scan3A_130 : i32 to index
        %swap3A_167 = arith.constant 96 : index
        %swap3A_168 = tpu.vector_load %arg16[%swap3A_166, %swap3A_167] {strides = array<i32>} : memref<48x144xf32, #tpu.memory_space<vmem>>, vector<16xf32>,
        tpu.vector_store %arg16[%swap3A_166, %swap3A_167], %unpack3A_164 {strides = array<i32>} : memref<48x144xf32, #tpu.memory_space<vmem>>, vector<16xf32>,
        %swap3A_169 = arith.index_cast %scan3A_130 : i32 to index
        %swap3A_170 = arith.constant 112 : index
        %swap3A_171 = tpu.vector_load %arg16[%swap3A_169, %swap3A_170] {strides = array<i32>} : memref<48x144xf32, #tpu.memory_space<vmem>>, vector<16xf32>,
        tpu.vector_store %arg16[%swap3A_169, %swap3A_170], %unpack3A_165 {strides = array<i32>} : memref<48x144xf32, #tpu.memory_space<vmem>>, vector<16xf32>,
      }
      %scan3A_121 = arith.constant 48 : i32
      %add3A_122 = arith.constant 1 : i32
      %add3A_123 = arith.addi %mul3A_70, %add3A_122 : i32
      %dma_start3A_124 = arith.constant 0 : i32
      %dma_start3A_125 = tpu.memref_slice %arg8[%add3A_123, %dma_start3A_124] : memref<212x48xi32, #tpu.memory_space<vmem>> -> memref<1x48xi32, #tpu.memory_space<vmem>>
      %dma_start3A_126 = tpu.memref_squeeze %dma_start3A_125 : memref<1x48xi32, #tpu.memory_space<vmem>> -> memref<48xi32, #tpu.memory_space<vmem>>
      %dma_start3A_127 = arith.constant 0 : i32
      %dma_start3A_128 = arith.constant 0 : i32
      %dma_start3A_129 = tpu.memref_slice %arg6[%dma_start3A_127, %dma_start3A_128] : memref<10016x144xf32, #tpu.memory_space<vmem_shared>> -> memref<10016x144xf32, #tpu.memory_space<vmem_shared>>
      tpu.enqueue_indirect_dma source(%arg16 : memref<48x144xf32, #tpu.memory_space<vmem>>) target(%dma_start3A_129 : memref<10016x144xf32, #tpu.memory_space<vmem_shared>>) offsets(%dma_start3A_126 : memref<48xi32, #tpu.memory_space<vmem>>) semaphore(%arg20 : memref<!tpu.dma_semaphore, #tpu.memory_space<semaphore_mem>>) {add = true}
    }
    %scan3A_53 = arith.constant 106 : i32
    %dma_wait3A = arith.constant 0 : i32
    %dma_wait3A_54 = arith.constant 0 : i32
    %dma_wait3A_55 = tpu.memref_slice %arg6[%dma_wait3A, %dma_wait3A_54] : memref<10016x144xf32, #tpu.memory_space<vmem_shared>> -> memref<48x144xf32, #tpu.memory_space<vmem_shared>>
    %dma_wait3A_56 = arith.constant 0 : i32
    %dma_wait3A_57 = arith.constant 0 : i32
    %dma_wait3A_58 = tpu.memref_slice %arg6[%dma_wait3A_56, %dma_wait3A_57] : memref<10016x144xf32, #tpu.memory_space<vmem_shared>> -> memref<48x144xf32, #tpu.memory_space<vmem_shared>>
    tpu.wait_dma2 semaphore(%arg19 : memref<!tpu.dma_semaphore, #tpu.memory_space<semaphore_mem>>) src(%arg15 : memref<48x144xf32, #tpu.memory_space<vmem>>) dst(%dma_wait3A_58 : memref<48x144xf32, #tpu.memory_space<vmem_shared>>)
    %dma_wait3A_59 = arith.constant 0 : i32
    %dma_wait3A_60 = arith.constant 0 : i32
    %dma_wait3A_61 = tpu.memref_slice %arg6[%dma_wait3A_59, %dma_wait3A_60] : memref<10016x144xf32, #tpu.memory_space<vmem_shared>> -> memref<48x144xf32, #tpu.memory_space<vmem_shared>>
    %dma_wait3A_62 = arith.constant 0 : i32
    %dma_wait3A_63 = arith.constant 0 : i32
    %dma_wait3A_64 = tpu.memref_slice %arg6[%dma_wait3A_62, %dma_wait3A_63] : memref<10016x144xf32, #tpu.memory_space<vmem_shared>> -> memref<48x144xf32, #tpu.memory_space<vmem_shared>>
    tpu.wait_dma2 semaphore(%arg20 : memref<!tpu.dma_semaphore, #tpu.memory_space<semaphore_mem>>) src(%arg16 : memref<48x144xf32, #tpu.memory_space<vmem>>) dst(%dma_wait3A_64 : memref<48x144xf32, #tpu.memory_space<vmem_shared>>)
    %barrier3A_65 = arith.constant 0 : index
    tpu.barrier barrier_id(%barrier3A_65)
    %mul3A_66 = arith.constant 625 : i32
    %mul3A_67 = arith.muli %arg1, %mul3A_66 : i32
    "tpu.region"() ({
      %run_scoped3A = tpu.sem_alloc : memref<!tpu.dma_semaphore, #tpu.memory_space<semaphore_mem>>
      %dma_start3A_68 = arith.constant 0 : i32
      %dma_start3A_69 = tpu.memref_slice %arg5[%arg0, %mul3A_67, %dma_start3A_68] : memref<2x10000x144xf32, #tpu.memory_space<hbm>> -> memref<1x625x144xf32, #tpu.memory_space<hbm>>
      %dma_start3A_70 = tpu.memref_squeeze %dma_start3A_69 : memref<1x625x144xf32, #tpu.memory_space<hbm>> -> memref<625x144xf32, #tpu.memory_space<hbm>>
      %dma_start3A_71 = arith.constant 0 : i32
      %dma_start3A_72 = tpu.memref_slice %arg6[%mul3A_67, %dma_start3A_71] : memref<10016x144xf32, #tpu.memory_space<vmem_shared>> -> memref<625x144xf32, #tpu.memory_space<vmem_shared>>
      tpu.enqueue_dma source(%dma_start3A_72 : memref<625x144xf32, #tpu.memory_space<vmem_shared>>) target(%dma_start3A_70 : memref<625x144xf32, #tpu.memory_space<hbm>>) target_semaphore(%run_scoped3A : memref<!tpu.dma_semaphore, #tpu.memory_space<semaphore_mem>>)
      %dma_wait3A_73 = arith.constant 0 : i32
      %dma_wait3A_74 = tpu.memref_slice %arg5[%arg0, %mul3A_67, %dma_wait3A_73] : memref<2x10000x144xf32, #tpu.memory_space<hbm>> -> memref<1x625x144xf32, #tpu.memory_space<hbm>>
      %dma_wait3A_75 = tpu.memref_squeeze %dma_wait3A_74 : memref<1x625x144xf32, #tpu.memory_space<hbm>> -> memref<625x144xf32, #tpu.memory_space<hbm>>
      %dma_wait3A_76 = arith.constant 0 : i32
      %dma_wait3A_77 = tpu.memref_slice %arg6[%mul3A_67, %dma_wait3A_76] : memref<10016x144xf32, #tpu.memory_space<vmem_shared>> -> memref<625x144xf32, #tpu.memory_space<vmem_shared>>
      tpu.wait_dma2 semaphore(%run_scoped3A : memref<!tpu.dma_semaphore, #tpu.memory_space<semaphore_mem>>) src(%dma_wait3A_77 : memref<625x144xf32, #tpu.memory_space<vmem_shared>>) dst(%dma_wait3A_75 : memref<625x144xf32, #tpu.memory_space<hbm>>)
      tpu.yield
    }) : () -> ()
    return
  }
}

#map = affine_map<(d0, d1) -> (0, 0)>
#map1 = affine_map<(d0, d1) -> (0, 0, 0)>
module attributes {stable_mosaic.version = 14 : i64} {
  func.func @agg(%arg0: i32, %arg1: i32, %arg2: memref<10000x128xbf16, #tpu.memory_space<hbm>>, %arg3: memref<32x106x96xi16, #tpu.memory_space<hbm>>, %arg4: memref<32x106x96xi16, #tpu.memory_space<hbm>>, %arg5: memref<2x10000x128xf32, #tpu.memory_space<hbm>>, %arg6: memref<10016x128xf32, #tpu.memory_space<vmem_shared>>, %arg7: memref<106x96xi16, #tpu.memory_space<vmem>>, %arg8: memref<106x96xi16, #tpu.memory_space<vmem>>, %arg9: memref<96xi32, #tpu.memory_space<vmem>>, %arg10: memref<96xi32, #tpu.memory_space<vmem>>, %arg11: memref<96xi32, #tpu.memory_space<vmem>>, %arg12: memref<96xi32, #tpu.memory_space<vmem>>, %arg13: memref<96x128xbf16, #tpu.memory_space<vmem>>, %arg14: memref<96x128xbf16, #tpu.memory_space<vmem>>, %arg15: memref<96x128xf32, #tpu.memory_space<vmem>>, %arg16: memref<96x128xf32, #tpu.memory_space<vmem>>, %arg17: memref<!tpu.dma_semaphore, #tpu.memory_space<semaphore_mem>>, %arg18: memref<!tpu.dma_semaphore, #tpu.memory_space<semaphore_mem>>, %arg19: memref<!tpu.dma_semaphore, #tpu.memory_space<semaphore_mem>>, %arg20: memref<!tpu.dma_semaphore, #tpu.memory_space<semaphore_mem>>) attributes {dimension_semantics = [#tpu.dimension_semantics<core_parallel>, #tpu.dimension_semantics<subcore_parallel>], iteration_bounds = array<i64: 2, 16>, scalar_prefetch = 0 : i64, scratch_operands = 15 : i64, tpu.core_type = #tpu.core_type<sc_vector_subcore>, window_params = [{transform_indices = #map}, {transform_indices = #map1}, {transform_indices = #map1}, {transform_indices = #map1}]} {
    %mul3A = arith.constant 16 : i32
    %mul3A_0 = arith.muli %arg0, %mul3A : i32
    %add3A = arith.addi %mul3A_0, %arg1 : i32
    "tpu.region"() ({
      %run_scoped3A = tpu.sem_alloc : memref<!tpu.dma_semaphore, #tpu.memory_space<semaphore_mem>>
      %dma_start3A_71 = arith.constant 0 : i32
      %dma_start3A_72 = arith.constant 0 : i32
      %dma_start3A_73 = tpu.memref_slice %arg3[%add3A, %dma_start3A_71, %dma_start3A_72] : memref<32x106x96xi16, #tpu.memory_space<hbm>> -> memref<1x106x96xi16, #tpu.memory_space<hbm>>
      %dma_start3A_74 = tpu.memref_squeeze %dma_start3A_73 : memref<1x106x96xi16, #tpu.memory_space<hbm>> -> memref<106x96xi16, #tpu.memory_space<hbm>>
      %dma_start3A_75 = arith.constant 0 : i32
      %dma_start3A_76 = arith.constant 0 : i32
      %dma_start3A_77 = tpu.memref_slice %arg3[%add3A, %dma_start3A_75, %dma_start3A_76] : memref<32x106x96xi16, #tpu.memory_space<hbm>> -> memref<1x106x96xi16, #tpu.memory_space<hbm>>
      %dma_start3A_78 = tpu.memref_squeeze %dma_start3A_77 : memref<1x106x96xi16, #tpu.memory_space<hbm>> -> memref<106x96xi16, #tpu.memory_space<hbm>>
      tpu.enqueue_dma source(%dma_start3A_78 : memref<106x96xi16, #tpu.memory_space<hbm>>) target(%arg7 : memref<106x96xi16, #tpu.memory_space<vmem>>) target_semaphore(%run_scoped3A : memref<!tpu.dma_semaphore, #tpu.memory_space<semaphore_mem>>)
      %dma_wait3A_79 = arith.constant 0 : i32
      %dma_wait3A_80 = arith.constant 0 : i32
      %dma_wait3A_81 = tpu.memref_slice %arg3[%add3A, %dma_wait3A_79, %dma_wait3A_80] : memref<32x106x96xi16, #tpu.memory_space<hbm>> -> memref<1x106x96xi16, #tpu.memory_space<hbm>>
      %dma_wait3A_82 = tpu.memref_squeeze %dma_wait3A_81 : memref<1x106x96xi16, #tpu.memory_space<hbm>> -> memref<106x96xi16, #tpu.memory_space<hbm>>
      %dma_wait3A_83 = arith.constant 0 : i32
      %dma_wait3A_84 = arith.constant 0 : i32
      %dma_wait3A_85 = tpu.memref_slice %arg3[%add3A, %dma_wait3A_83, %dma_wait3A_84] : memref<32x106x96xi16, #tpu.memory_space<hbm>> -> memref<1x106x96xi16, #tpu.memory_space<hbm>>
      %dma_wait3A_86 = tpu.memref_squeeze %dma_wait3A_85 : memref<1x106x96xi16, #tpu.memory_space<hbm>> -> memref<106x96xi16, #tpu.memory_space<hbm>>
      tpu.wait_dma2 semaphore(%run_scoped3A : memref<!tpu.dma_semaphore, #tpu.memory_space<semaphore_mem>>) src(%dma_wait3A_86 : memref<106x96xi16, #tpu.memory_space<hbm>>) dst(%arg7 : memref<106x96xi16, #tpu.memory_space<vmem>>)
      tpu.yield
    }) : () -> ()
    "tpu.region"() ({
      %run_scoped3A = tpu.sem_alloc : memref<!tpu.dma_semaphore, #tpu.memory_space<semaphore_mem>>
      %dma_start3A_71 = arith.constant 0 : i32
      %dma_start3A_72 = arith.constant 0 : i32
      %dma_start3A_73 = tpu.memref_slice %arg4[%add3A, %dma_start3A_71, %dma_start3A_72] : memref<32x106x96xi16, #tpu.memory_space<hbm>> -> memref<1x106x96xi16, #tpu.memory_space<hbm>>
      %dma_start3A_74 = tpu.memref_squeeze %dma_start3A_73 : memref<1x106x96xi16, #tpu.memory_space<hbm>> -> memref<106x96xi16, #tpu.memory_space<hbm>>
      %dma_start3A_75 = arith.constant 0 : i32
      %dma_start3A_76 = arith.constant 0 : i32
      %dma_start3A_77 = tpu.memref_slice %arg4[%add3A, %dma_start3A_75, %dma_start3A_76] : memref<32x106x96xi16, #tpu.memory_space<hbm>> -> memref<1x106x96xi16, #tpu.memory_space<hbm>>
      %dma_start3A_78 = tpu.memref_squeeze %dma_start3A_77 : memref<1x106x96xi16, #tpu.memory_space<hbm>> -> memref<106x96xi16, #tpu.memory_space<hbm>>
      tpu.enqueue_dma source(%dma_start3A_78 : memref<106x96xi16, #tpu.memory_space<hbm>>) target(%arg8 : memref<106x96xi16, #tpu.memory_space<vmem>>) target_semaphore(%run_scoped3A : memref<!tpu.dma_semaphore, #tpu.memory_space<semaphore_mem>>)
      %dma_wait3A_79 = arith.constant 0 : i32
      %dma_wait3A_80 = arith.constant 0 : i32
      %dma_wait3A_81 = tpu.memref_slice %arg4[%add3A, %dma_wait3A_79, %dma_wait3A_80] : memref<32x106x96xi16, #tpu.memory_space<hbm>> -> memref<1x106x96xi16, #tpu.memory_space<hbm>>
      %dma_wait3A_82 = tpu.memref_squeeze %dma_wait3A_81 : memref<1x106x96xi16, #tpu.memory_space<hbm>> -> memref<106x96xi16, #tpu.memory_space<hbm>>
      %dma_wait3A_83 = arith.constant 0 : i32
      %dma_wait3A_84 = arith.constant 0 : i32
      %dma_wait3A_85 = tpu.memref_slice %arg4[%add3A, %dma_wait3A_83, %dma_wait3A_84] : memref<32x106x96xi16, #tpu.memory_space<hbm>> -> memref<1x106x96xi16, #tpu.memory_space<hbm>>
      %dma_wait3A_86 = tpu.memref_squeeze %dma_wait3A_85 : memref<1x106x96xi16, #tpu.memory_space<hbm>> -> memref<106x96xi16, #tpu.memory_space<hbm>>
      tpu.wait_dma2 semaphore(%run_scoped3A : memref<!tpu.dma_semaphore, #tpu.memory_space<semaphore_mem>>) src(%dma_wait3A_86 : memref<106x96xi16, #tpu.memory_space<hbm>>) dst(%arg8 : memref<106x96xi16, #tpu.memory_space<vmem>>)
      tpu.yield
    }) : () -> ()
    %scan3A = arith.constant 0 : i32
    %scan3A_1 = arith.constant 0 : i32
    %scan3A_2 = arith.constant 96 : i32
    %scan3A_3 = arith.addi %scan3A_1, %scan3A_2 : i32
    %scan3A_4 = arith.constant 1 : i32
    scf.for %scan3A_71 = %scan3A_1 to %scan3A_3 step %scan3A_4  : i32 {
      %broadcast_in_dim3A = arith.constant 0.000000e+00 : f32
      %broadcast_in_dim3A_72 = vector.broadcast %broadcast_in_dim3A : f32 to vector<16xf32>
      %swap3A_73 = arith.index_cast %scan3A_71 : i32 to index
      %swap3A_74 = arith.constant 0 : index
      %swap3A_75 = tpu.vector_load %arg15[%swap3A_73, %swap3A_74] {strides = array<i32>} : memref<96x128xf32, #tpu.memory_space<vmem>>, vector<16xf32>,
      tpu.vector_store %arg15[%swap3A_73, %swap3A_74], %broadcast_in_dim3A_72 {strides = array<i32>} : memref<96x128xf32, #tpu.memory_space<vmem>>, vector<16xf32>,
      %broadcast_in_dim3A_76 = arith.constant 0.000000e+00 : f32
      %broadcast_in_dim3A_77 = vector.broadcast %broadcast_in_dim3A_76 : f32 to vector<16xf32>
      %swap3A_78 = arith.index_cast %scan3A_71 : i32 to index
      %swap3A_79 = arith.constant 16 : index
      %swap3A_80 = tpu.vector_load %arg15[%swap3A_78, %swap3A_79] {strides = array<i32>} : memref<96x128xf32, #tpu.memory_space<vmem>>, vector<16xf32>,
      tpu.vector_store %arg15[%swap3A_78, %swap3A_79], %broadcast_in_dim3A_77 {strides = array<i32>} : memref<96x128xf32, #tpu.memory_space<vmem>>, vector<16xf32>,
      %broadcast_in_dim3A_81 = arith.constant 0.000000e+00 : f32
      %broadcast_in_dim3A_82 = vector.broadcast %broadcast_in_dim3A_81 : f32 to vector<16xf32>
      %swap3A_83 = arith.index_cast %scan3A_71 : i32 to index
      %swap3A_84 = arith.constant 32 : index
      %swap3A_85 = tpu.vector_load %arg15[%swap3A_83, %swap3A_84] {strides = array<i32>} : memref<96x128xf32, #tpu.memory_space<vmem>>, vector<16xf32>,
      tpu.vector_store %arg15[%swap3A_83, %swap3A_84], %broadcast_in_dim3A_82 {strides = array<i32>} : memref<96x128xf32, #tpu.memory_space<vmem>>, vector<16xf32>,
      %broadcast_in_dim3A_86 = arith.constant 0.000000e+00 : f32
      %broadcast_in_dim3A_87 = vector.broadcast %broadcast_in_dim3A_86 : f32 to vector<16xf32>
      %swap3A_88 = arith.index_cast %scan3A_71 : i32 to index
      %swap3A_89 = arith.constant 48 : index
      %swap3A_90 = tpu.vector_load %arg15[%swap3A_88, %swap3A_89] {strides = array<i32>} : memref<96x128xf32, #tpu.memory_space<vmem>>, vector<16xf32>,
      tpu.vector_store %arg15[%swap3A_88, %swap3A_89], %broadcast_in_dim3A_87 {strides = array<i32>} : memref<96x128xf32, #tpu.memory_space<vmem>>, vector<16xf32>,
      %broadcast_in_dim3A_91 = arith.constant 0.000000e+00 : f32
      %broadcast_in_dim3A_92 = vector.broadcast %broadcast_in_dim3A_91 : f32 to vector<16xf32>
      %swap3A_93 = arith.index_cast %scan3A_71 : i32 to index
      %swap3A_94 = arith.constant 64 : index
      %swap3A_95 = tpu.vector_load %arg15[%swap3A_93, %swap3A_94] {strides = array<i32>} : memref<96x128xf32, #tpu.memory_space<vmem>>, vector<16xf32>,
      tpu.vector_store %arg15[%swap3A_93, %swap3A_94], %broadcast_in_dim3A_92 {strides = array<i32>} : memref<96x128xf32, #tpu.memory_space<vmem>>, vector<16xf32>,
      %broadcast_in_dim3A_96 = arith.constant 0.000000e+00 : f32
      %broadcast_in_dim3A_97 = vector.broadcast %broadcast_in_dim3A_96 : f32 to vector<16xf32>
      %swap3A_98 = arith.index_cast %scan3A_71 : i32 to index
      %swap3A_99 = arith.constant 80 : index
      %swap3A_100 = tpu.vector_load %arg15[%swap3A_98, %swap3A_99] {strides = array<i32>} : memref<96x128xf32, #tpu.memory_space<vmem>>, vector<16xf32>,
      tpu.vector_store %arg15[%swap3A_98, %swap3A_99], %broadcast_in_dim3A_97 {strides = array<i32>} : memref<96x128xf32, #tpu.memory_space<vmem>>, vector<16xf32>,
      %broadcast_in_dim3A_101 = arith.constant 0.000000e+00 : f32
      %broadcast_in_dim3A_102 = vector.broadcast %broadcast_in_dim3A_101 : f32 to vector<16xf32>
      %swap3A_103 = arith.index_cast %scan3A_71 : i32 to index
      %swap3A_104 = arith.constant 96 : index
      %swap3A_105 = tpu.vector_load %arg15[%swap3A_103, %swap3A_104] {strides = array<i32>} : memref<96x128xf32, #tpu.memory_space<vmem>>, vector<16xf32>,
      tpu.vector_store %arg15[%swap3A_103, %swap3A_104], %broadcast_in_dim3A_102 {strides = array<i32>} : memref<96x128xf32, #tpu.memory_space<vmem>>, vector<16xf32>,
      %broadcast_in_dim3A_106 = arith.constant 0.000000e+00 : f32
      %broadcast_in_dim3A_107 = vector.broadcast %broadcast_in_dim3A_106 : f32 to vector<16xf32>
      %swap3A_108 = arith.index_cast %scan3A_71 : i32 to index
      %swap3A_109 = arith.constant 112 : index
      %swap3A_110 = tpu.vector_load %arg15[%swap3A_108, %swap3A_109] {strides = array<i32>} : memref<96x128xf32, #tpu.memory_space<vmem>>, vector<16xf32>,
      tpu.vector_store %arg15[%swap3A_108, %swap3A_109], %broadcast_in_dim3A_107 {strides = array<i32>} : memref<96x128xf32, #tpu.memory_space<vmem>>, vector<16xf32>,
    }
    %scan3A_5 = arith.constant 96 : i32
    %mul3A_6 = arith.constant 626 : i32
    %mul3A_7 = arith.muli %arg1, %mul3A_6 : i32
    %add3A_8 = arith.constant 0 : i32
    %add3A_9 = arith.addi %mul3A_7, %add3A_8 : i32
    "tpu.region"() ({
      %run_scoped3A = tpu.sem_alloc : memref<!tpu.dma_semaphore, #tpu.memory_space<semaphore_mem>>
      %dma_start3A_71 = arith.constant 0 : i32
      %dma_start3A_72 = tpu.memref_slice %arg6[%add3A_9, %dma_start3A_71] : memref<10016x128xf32, #tpu.memory_space<vmem_shared>> -> memref<96x128xf32, #tpu.memory_space<vmem_shared>>
      %dma_start3A_73 = arith.constant 0 : i32
      %dma_start3A_74 = tpu.memref_slice %arg6[%add3A_9, %dma_start3A_73] : memref<10016x128xf32, #tpu.memory_space<vmem_shared>> -> memref<96x128xf32, #tpu.memory_space<vmem_shared>>
      tpu.enqueue_dma source(%arg15 : memref<96x128xf32, #tpu.memory_space<vmem>>) target(%dma_start3A_74 : memref<96x128xf32, #tpu.memory_space<vmem_shared>>) target_semaphore(%run_scoped3A : memref<!tpu.dma_semaphore, #tpu.memory_space<semaphore_mem>>)
      %dma_wait3A_75 = arith.constant 0 : i32
      %dma_wait3A_76 = tpu.memref_slice %arg6[%add3A_9, %dma_wait3A_75] : memref<10016x128xf32, #tpu.memory_space<vmem_shared>> -> memref<96x128xf32, #tpu.memory_space<vmem_shared>>
      %dma_wait3A_77 = arith.constant 0 : i32
      %dma_wait3A_78 = tpu.memref_slice %arg6[%add3A_9, %dma_wait3A_77] : memref<10016x128xf32, #tpu.memory_space<vmem_shared>> -> memref<96x128xf32, #tpu.memory_space<vmem_shared>>
      tpu.wait_dma2 semaphore(%run_scoped3A : memref<!tpu.dma_semaphore, #tpu.memory_space<semaphore_mem>>) src(%arg15 : memref<96x128xf32, #tpu.memory_space<vmem>>) dst(%dma_wait3A_78 : memref<96x128xf32, #tpu.memory_space<vmem_shared>>)
      tpu.yield
    }) : () -> ()
    %add3A_10 = arith.constant 96 : i32
    %add3A_11 = arith.addi %mul3A_7, %add3A_10 : i32
    "tpu.region"() ({
      %run_scoped3A = tpu.sem_alloc : memref<!tpu.dma_semaphore, #tpu.memory_space<semaphore_mem>>
      %dma_start3A_71 = arith.constant 0 : i32
      %dma_start3A_72 = tpu.memref_slice %arg6[%add3A_11, %dma_start3A_71] : memref<10016x128xf32, #tpu.memory_space<vmem_shared>> -> memref<96x128xf32, #tpu.memory_space<vmem_shared>>
      %dma_start3A_73 = arith.constant 0 : i32
      %dma_start3A_74 = tpu.memref_slice %arg6[%add3A_11, %dma_start3A_73] : memref<10016x128xf32, #tpu.memory_space<vmem_shared>> -> memref<96x128xf32, #tpu.memory_space<vmem_shared>>
      tpu.enqueue_dma source(%arg15 : memref<96x128xf32, #tpu.memory_space<vmem>>) target(%dma_start3A_74 : memref<96x128xf32, #tpu.memory_space<vmem_shared>>) target_semaphore(%run_scoped3A : memref<!tpu.dma_semaphore, #tpu.memory_space<semaphore_mem>>)
      %dma_wait3A_75 = arith.constant 0 : i32
      %dma_wait3A_76 = tpu.memref_slice %arg6[%add3A_11, %dma_wait3A_75] : memref<10016x128xf32, #tpu.memory_space<vmem_shared>> -> memref<96x128xf32, #tpu.memory_space<vmem_shared>>
      %dma_wait3A_77 = arith.constant 0 : i32
      %dma_wait3A_78 = tpu.memref_slice %arg6[%add3A_11, %dma_wait3A_77] : memref<10016x128xf32, #tpu.memory_space<vmem_shared>> -> memref<96x128xf32, #tpu.memory_space<vmem_shared>>
      tpu.wait_dma2 semaphore(%run_scoped3A : memref<!tpu.dma_semaphore, #tpu.memory_space<semaphore_mem>>) src(%arg15 : memref<96x128xf32, #tpu.memory_space<vmem>>) dst(%dma_wait3A_78 : memref<96x128xf32, #tpu.memory_space<vmem_shared>>)
      tpu.yield
    }) : () -> ()
    %add3A_12 = arith.constant 192 : i32
    %add3A_13 = arith.addi %mul3A_7, %add3A_12 : i32
    "tpu.region"() ({
      %run_scoped3A = tpu.sem_alloc : memref<!tpu.dma_semaphore, #tpu.memory_space<semaphore_mem>>
      %dma_start3A_71 = arith.constant 0 : i32
      %dma_start3A_72 = tpu.memref_slice %arg6[%add3A_13, %dma_start3A_71] : memref<10016x128xf32, #tpu.memory_space<vmem_shared>> -> memref<96x128xf32, #tpu.memory_space<vmem_shared>>
      %dma_start3A_73 = arith.constant 0 : i32
      %dma_start3A_74 = tpu.memref_slice %arg6[%add3A_13, %dma_start3A_73] : memref<10016x128xf32, #tpu.memory_space<vmem_shared>> -> memref<96x128xf32, #tpu.memory_space<vmem_shared>>
      tpu.enqueue_dma source(%arg15 : memref<96x128xf32, #tpu.memory_space<vmem>>) target(%dma_start3A_74 : memref<96x128xf32, #tpu.memory_space<vmem_shared>>) target_semaphore(%run_scoped3A : memref<!tpu.dma_semaphore, #tpu.memory_space<semaphore_mem>>)
      %dma_wait3A_75 = arith.constant 0 : i32
      %dma_wait3A_76 = tpu.memref_slice %arg6[%add3A_13, %dma_wait3A_75] : memref<10016x128xf32, #tpu.memory_space<vmem_shared>> -> memref<96x128xf32, #tpu.memory_space<vmem_shared>>
      %dma_wait3A_77 = arith.constant 0 : i32
      %dma_wait3A_78 = tpu.memref_slice %arg6[%add3A_13, %dma_wait3A_77] : memref<10016x128xf32, #tpu.memory_space<vmem_shared>> -> memref<96x128xf32, #tpu.memory_space<vmem_shared>>
      tpu.wait_dma2 semaphore(%run_scoped3A : memref<!tpu.dma_semaphore, #tpu.memory_space<semaphore_mem>>) src(%arg15 : memref<96x128xf32, #tpu.memory_space<vmem>>) dst(%dma_wait3A_78 : memref<96x128xf32, #tpu.memory_space<vmem_shared>>)
      tpu.yield
    }) : () -> ()
    %add3A_14 = arith.constant 288 : i32
    %add3A_15 = arith.addi %mul3A_7, %add3A_14 : i32
    "tpu.region"() ({
      %run_scoped3A = tpu.sem_alloc : memref<!tpu.dma_semaphore, #tpu.memory_space<semaphore_mem>>
      %dma_start3A_71 = arith.constant 0 : i32
      %dma_start3A_72 = tpu.memref_slice %arg6[%add3A_15, %dma_start3A_71] : memref<10016x128xf32, #tpu.memory_space<vmem_shared>> -> memref<96x128xf32, #tpu.memory_space<vmem_shared>>
      %dma_start3A_73 = arith.constant 0 : i32
      %dma_start3A_74 = tpu.memref_slice %arg6[%add3A_15, %dma_start3A_73] : memref<10016x128xf32, #tpu.memory_space<vmem_shared>> -> memref<96x128xf32, #tpu.memory_space<vmem_shared>>
      tpu.enqueue_dma source(%arg15 : memref<96x128xf32, #tpu.memory_space<vmem>>) target(%dma_start3A_74 : memref<96x128xf32, #tpu.memory_space<vmem_shared>>) target_semaphore(%run_scoped3A : memref<!tpu.dma_semaphore, #tpu.memory_space<semaphore_mem>>)
      %dma_wait3A_75 = arith.constant 0 : i32
      %dma_wait3A_76 = tpu.memref_slice %arg6[%add3A_15, %dma_wait3A_75] : memref<10016x128xf32, #tpu.memory_space<vmem_shared>> -> memref<96x128xf32, #tpu.memory_space<vmem_shared>>
      %dma_wait3A_77 = arith.constant 0 : i32
      %dma_wait3A_78 = tpu.memref_slice %arg6[%add3A_15, %dma_wait3A_77] : memref<10016x128xf32, #tpu.memory_space<vmem_shared>> -> memref<96x128xf32, #tpu.memory_space<vmem_shared>>
      tpu.wait_dma2 semaphore(%run_scoped3A : memref<!tpu.dma_semaphore, #tpu.memory_space<semaphore_mem>>) src(%arg15 : memref<96x128xf32, #tpu.memory_space<vmem>>) dst(%dma_wait3A_78 : memref<96x128xf32, #tpu.memory_space<vmem_shared>>)
      tpu.yield
    }) : () -> ()
    %add3A_16 = arith.constant 384 : i32
    %add3A_17 = arith.addi %mul3A_7, %add3A_16 : i32
    "tpu.region"() ({
      %run_scoped3A = tpu.sem_alloc : memref<!tpu.dma_semaphore, #tpu.memory_space<semaphore_mem>>
      %dma_start3A_71 = arith.constant 0 : i32
      %dma_start3A_72 = tpu.memref_slice %arg6[%add3A_17, %dma_start3A_71] : memref<10016x128xf32, #tpu.memory_space<vmem_shared>> -> memref<96x128xf32, #tpu.memory_space<vmem_shared>>
      %dma_start3A_73 = arith.constant 0 : i32
      %dma_start3A_74 = tpu.memref_slice %arg6[%add3A_17, %dma_start3A_73] : memref<10016x128xf32, #tpu.memory_space<vmem_shared>> -> memref<96x128xf32, #tpu.memory_space<vmem_shared>>
      tpu.enqueue_dma source(%arg15 : memref<96x128xf32, #tpu.memory_space<vmem>>) target(%dma_start3A_74 : memref<96x128xf32, #tpu.memory_space<vmem_shared>>) target_semaphore(%run_scoped3A : memref<!tpu.dma_semaphore, #tpu.memory_space<semaphore_mem>>)
      %dma_wait3A_75 = arith.constant 0 : i32
      %dma_wait3A_76 = tpu.memref_slice %arg6[%add3A_17, %dma_wait3A_75] : memref<10016x128xf32, #tpu.memory_space<vmem_shared>> -> memref<96x128xf32, #tpu.memory_space<vmem_shared>>
      %dma_wait3A_77 = arith.constant 0 : i32
      %dma_wait3A_78 = tpu.memref_slice %arg6[%add3A_17, %dma_wait3A_77] : memref<10016x128xf32, #tpu.memory_space<vmem_shared>> -> memref<96x128xf32, #tpu.memory_space<vmem_shared>>
      tpu.wait_dma2 semaphore(%run_scoped3A : memref<!tpu.dma_semaphore, #tpu.memory_space<semaphore_mem>>) src(%arg15 : memref<96x128xf32, #tpu.memory_space<vmem>>) dst(%dma_wait3A_78 : memref<96x128xf32, #tpu.memory_space<vmem_shared>>)
      tpu.yield
    }) : () -> ()
    %add3A_18 = arith.constant 480 : i32
    %add3A_19 = arith.addi %mul3A_7, %add3A_18 : i32
    "tpu.region"() ({
      %run_scoped3A = tpu.sem_alloc : memref<!tpu.dma_semaphore, #tpu.memory_space<semaphore_mem>>
      %dma_start3A_71 = arith.constant 0 : i32
      %dma_start3A_72 = tpu.memref_slice %arg6[%add3A_19, %dma_start3A_71] : memref<10016x128xf32, #tpu.memory_space<vmem_shared>> -> memref<96x128xf32, #tpu.memory_space<vmem_shared>>
      %dma_start3A_73 = arith.constant 0 : i32
      %dma_start3A_74 = tpu.memref_slice %arg6[%add3A_19, %dma_start3A_73] : memref<10016x128xf32, #tpu.memory_space<vmem_shared>> -> memref<96x128xf32, #tpu.memory_space<vmem_shared>>
      tpu.enqueue_dma source(%arg15 : memref<96x128xf32, #tpu.memory_space<vmem>>) target(%dma_start3A_74 : memref<96x128xf32, #tpu.memory_space<vmem_shared>>) target_semaphore(%run_scoped3A : memref<!tpu.dma_semaphore, #tpu.memory_space<semaphore_mem>>)
      %dma_wait3A_75 = arith.constant 0 : i32
      %dma_wait3A_76 = tpu.memref_slice %arg6[%add3A_19, %dma_wait3A_75] : memref<10016x128xf32, #tpu.memory_space<vmem_shared>> -> memref<96x128xf32, #tpu.memory_space<vmem_shared>>
      %dma_wait3A_77 = arith.constant 0 : i32
      %dma_wait3A_78 = tpu.memref_slice %arg6[%add3A_19, %dma_wait3A_77] : memref<10016x128xf32, #tpu.memory_space<vmem_shared>> -> memref<96x128xf32, #tpu.memory_space<vmem_shared>>
      tpu.wait_dma2 semaphore(%run_scoped3A : memref<!tpu.dma_semaphore, #tpu.memory_space<semaphore_mem>>) src(%arg15 : memref<96x128xf32, #tpu.memory_space<vmem>>) dst(%dma_wait3A_78 : memref<96x128xf32, #tpu.memory_space<vmem_shared>>)
      tpu.yield
    }) : () -> ()
    %add3A_20 = arith.constant 576 : i32
    %add3A_21 = arith.addi %mul3A_7, %add3A_20 : i32
    "tpu.region"() ({
      %run_scoped3A = tpu.sem_alloc : memref<!tpu.dma_semaphore, #tpu.memory_space<semaphore_mem>>
      %dma_start3A_71 = arith.constant 0 : i32
      %dma_start3A_72 = arith.constant 0 : i32
      %dma_start3A_73 = tpu.memref_slice %arg15[%dma_start3A_71, %dma_start3A_72] : memref<96x128xf32, #tpu.memory_space<vmem>> -> memref<50x128xf32, #tpu.memory_space<vmem>>
      %dma_start3A_74 = arith.constant 0 : i32
      %dma_start3A_75 = tpu.memref_slice %arg6[%add3A_21, %dma_start3A_74] : memref<10016x128xf32, #tpu.memory_space<vmem_shared>> -> memref<50x128xf32, #tpu.memory_space<vmem_shared>>
      %dma_start3A_76 = arith.constant 0 : i32
      %dma_start3A_77 = tpu.memref_slice %arg6[%add3A_21, %dma_start3A_76] : memref<10016x128xf32, #tpu.memory_space<vmem_shared>> -> memref<50x128xf32, #tpu.memory_space<vmem_shared>>
      %dma_start3A_78 = arith.constant 0 : i32
      %dma_start3A_79 = arith.constant 0 : i32
      %dma_start3A_80 = tpu.memref_slice %arg15[%dma_start3A_78, %dma_start3A_79] : memref<96x128xf32, #tpu.memory_space<vmem>> -> memref<50x128xf32, #tpu.memory_space<vmem>>
      tpu.enqueue_dma source(%dma_start3A_80 : memref<50x128xf32, #tpu.memory_space<vmem>>) target(%dma_start3A_77 : memref<50x128xf32, #tpu.memory_space<vmem_shared>>) target_semaphore(%run_scoped3A : memref<!tpu.dma_semaphore, #tpu.memory_space<semaphore_mem>>)
      %dma_wait3A_81 = arith.constant 0 : i32
      %dma_wait3A_82 = arith.constant 0 : i32
      %dma_wait3A_83 = tpu.memref_slice %arg15[%dma_wait3A_81, %dma_wait3A_82] : memref<96x128xf32, #tpu.memory_space<vmem>> -> memref<50x128xf32, #tpu.memory_space<vmem>>
      %dma_wait3A_84 = arith.constant 0 : i32
      %dma_wait3A_85 = tpu.memref_slice %arg6[%add3A_21, %dma_wait3A_84] : memref<10016x128xf32, #tpu.memory_space<vmem_shared>> -> memref<50x128xf32, #tpu.memory_space<vmem_shared>>
      %dma_wait3A_86 = arith.constant 0 : i32
      %dma_wait3A_87 = tpu.memref_slice %arg6[%add3A_21, %dma_wait3A_86] : memref<10016x128xf32, #tpu.memory_space<vmem_shared>> -> memref<50x128xf32, #tpu.memory_space<vmem_shared>>
      %dma_wait3A_88 = arith.constant 0 : i32
      %dma_wait3A_89 = arith.constant 0 : i32
      %dma_wait3A_90 = tpu.memref_slice %arg15[%dma_wait3A_88, %dma_wait3A_89] : memref<96x128xf32, #tpu.memory_space<vmem>> -> memref<50x128xf32, #tpu.memory_space<vmem>>
      tpu.wait_dma2 semaphore(%run_scoped3A : memref<!tpu.dma_semaphore, #tpu.memory_space<semaphore_mem>>) src(%dma_wait3A_90 : memref<50x128xf32, #tpu.memory_space<vmem>>) dst(%dma_wait3A_87 : memref<50x128xf32, #tpu.memory_space<vmem_shared>>)
      tpu.yield
    }) : () -> ()
    %barrier3A = arith.constant 0 : index
    tpu.barrier barrier_id(%barrier3A)
    %get3A = arith.constant 0 : i32
    %get3A_22 = arith.index_cast %get3A : i32 to index
    %get3A_23 = arith.constant 0 : index
    %get3A_24 = tpu.vector_load %arg7[%get3A_22, %get3A_23] {strides = array<i32>} : memref<106x96xi16, #tpu.memory_space<vmem>>, vector<32xi16>,
    %unpack3A = tpu.unpack_subelements %get3A_24, 0 {pack_format = #tpu.pack_format<interleaved>} : vector<32xi16> -> vector<16xi32>
    %unpack3A_25 = tpu.unpack_subelements %get3A_24, 1 {pack_format = #tpu.pack_format<interleaved>} : vector<32xi16> -> vector<16xi32>
    %swap3A = arith.constant 0 : index
    %swap3A_26 = tpu.vector_load %arg9[%swap3A] {strides = array<i32>} : memref<96xi32, #tpu.memory_space<vmem>>, vector<16xi32>,
    tpu.vector_store %arg9[%swap3A], %unpack3A {strides = array<i32>} : memref<96xi32, #tpu.memory_space<vmem>>, vector<16xi32>,
    %swap3A_27 = arith.constant 16 : index
    %swap3A_28 = tpu.vector_load %arg9[%swap3A_27] {strides = array<i32>} : memref<96xi32, #tpu.memory_space<vmem>>, vector<16xi32>,
    tpu.vector_store %arg9[%swap3A_27], %unpack3A_25 {strides = array<i32>} : memref<96xi32, #tpu.memory_space<vmem>>, vector<16xi32>,
    %get3A_29 = arith.constant 0 : i32
    %get3A_30 = arith.index_cast %get3A_29 : i32 to index
    %get3A_31 = arith.constant 32 : index
    %get3A_32 = tpu.vector_load %arg7[%get3A_30, %get3A_31] {strides = array<i32>} : memref<106x96xi16, #tpu.memory_space<vmem>>, vector<32xi16>,
    %unpack3A_33 = tpu.unpack_subelements %get3A_32, 0 {pack_format = #tpu.pack_format<interleaved>} : vector<32xi16> -> vector<16xi32>
    %unpack3A_34 = tpu.unpack_subelements %get3A_32, 1 {pack_format = #tpu.pack_format<interleaved>} : vector<32xi16> -> vector<16xi32>
    %swap3A_35 = arith.constant 32 : index
    %swap3A_36 = tpu.vector_load %arg9[%swap3A_35] {strides = array<i32>} : memref<96xi32, #tpu.memory_space<vmem>>, vector<16xi32>,
    tpu.vector_store %arg9[%swap3A_35], %unpack3A_33 {strides = array<i32>} : memref<96xi32, #tpu.memory_space<vmem>>, vector<16xi32>,
    %swap3A_37 = arith.constant 48 : index
    %swap3A_38 = tpu.vector_load %arg9[%swap3A_37] {strides = array<i32>} : memref<96xi32, #tpu.memory_space<vmem>>, vector<16xi32>,
    tpu.vector_store %arg9[%swap3A_37], %unpack3A_34 {strides = array<i32>} : memref<96xi32, #tpu.memory_space<vmem>>, vector<16xi32>,
    %get3A_39 = arith.constant 0 : i32
    %get3A_40 = arith.index_cast %get3A_39 : i32 to index
    %get3A_41 = arith.constant 64 : index
    %get3A_42 = tpu.vector_load %arg7[%get3A_40, %get3A_41] {strides = array<i32>} : memref<106x96xi16, #tpu.memory_space<vmem>>, vector<32xi16>,
    %unpack3A_43 = tpu.unpack_subelements %get3A_42, 0 {pack_format = #tpu.pack_format<interleaved>} : vector<32xi16> -> vector<16xi32>
    %unpack3A_44 = tpu.unpack_subelements %get3A_42, 1 {pack_format = #tpu.pack_format<interleaved>} : vector<32xi16> -> vector<16xi32>
    %swap3A_45 = arith.constant 64 : index
    %swap3A_46 = tpu.vector_load %arg9[%swap3A_45] {strides = array<i32>} : memref<96xi32, #tpu.memory_space<vmem>>, vector<16xi32>,
    tpu.vector_store %arg9[%swap3A_45], %unpack3A_43 {strides = array<i32>} : memref<96xi32, #tpu.memory_space<vmem>>, vector<16xi32>,
    %swap3A_47 = arith.constant 80 : index
    %swap3A_48 = tpu.vector_load %arg9[%swap3A_47] {strides = array<i32>} : memref<96xi32, #tpu.memory_space<vmem>>, vector<16xi32>,
    tpu.vector_store %arg9[%swap3A_47], %unpack3A_44 {strides = array<i32>} : memref<96xi32, #tpu.memory_space<vmem>>, vector<16xi32>,
    %dma_start3A = arith.constant 0 : i32
    %dma_start3A_49 = arith.constant 0 : i32
    %dma_start3A_50 = tpu.memref_slice %arg2[%dma_start3A, %dma_start3A_49] : memref<10000x128xbf16, #tpu.memory_space<hbm>> -> memref<10000x128xbf16, #tpu.memory_space<hbm>>
    tpu.enqueue_indirect_dma source(%dma_start3A_50 : memref<10000x128xbf16, #tpu.memory_space<hbm>>) target(%arg13 : memref<96x128xbf16, #tpu.memory_space<vmem>>) offsets(%arg9 : memref<96xi32, #tpu.memory_space<vmem>>) semaphore(%arg17 : memref<!tpu.dma_semaphore, #tpu.memory_space<semaphore_mem>>)
    %scan3A_51 = arith.constant 0 : i32
    %scan3A_52 = arith.constant 0 : i32
    %scan3A_53 = arith.constant 53 : i32
    %scan3A_54 = arith.addi %scan3A_52, %scan3A_53 : i32
    %scan3A_55 = arith.constant 1 : i32
    scf.for %scan3A_71 = %scan3A_52 to %scan3A_54 step %scan3A_55  : i32 {
      %mul3A_72 = arith.constant 2 : i32
      %mul3A_73 = arith.muli %mul3A_72, %scan3A_71 : i32
      %add3A_74 = arith.constant 1 : i32
      %add3A_75 = arith.addi %mul3A_73, %add3A_74 : i32
      %get3A_76 = arith.index_cast %add3A_75 : i32 to index
      %get3A_77 = arith.constant 0 : index
      %get3A_78 = tpu.vector_load %arg7[%get3A_76, %get3A_77] {strides = array<i32>} : memref<106x96xi16, #tpu.memory_space<vmem>>, vector<32xi16>,
      %unpack3A_79 = tpu.unpack_subelements %get3A_78, 0 {pack_format = #tpu.pack_format<interleaved>} : vector<32xi16> -> vector<16xi32>
      %unpack3A_80 = tpu.unpack_subelements %get3A_78, 1 {pack_format = #tpu.pack_format<interleaved>} : vector<32xi16> -> vector<16xi32>
      %swap3A_81 = arith.constant 0 : index
      %swap3A_82 = tpu.vector_load %arg10[%swap3A_81] {strides = array<i32>} : memref<96xi32, #tpu.memory_space<vmem>>, vector<16xi32>,
      tpu.vector_store %arg10[%swap3A_81], %unpack3A_79 {strides = array<i32>} : memref<96xi32, #tpu.memory_space<vmem>>, vector<16xi32>,
      %swap3A_83 = arith.constant 16 : index
      %swap3A_84 = tpu.vector_load %arg10[%swap3A_83] {strides = array<i32>} : memref<96xi32, #tpu.memory_space<vmem>>, vector<16xi32>,
      tpu.vector_store %arg10[%swap3A_83], %unpack3A_80 {strides = array<i32>} : memref<96xi32, #tpu.memory_space<vmem>>, vector<16xi32>,
      %get3A_85 = arith.index_cast %add3A_75 : i32 to index
      %get3A_86 = arith.constant 32 : index
      %get3A_87 = tpu.vector_load %arg7[%get3A_85, %get3A_86] {strides = array<i32>} : memref<106x96xi16, #tpu.memory_space<vmem>>, vector<32xi16>,
      %unpack3A_88 = tpu.unpack_subelements %get3A_87, 0 {pack_format = #tpu.pack_format<interleaved>} : vector<32xi16> -> vector<16xi32>
      %unpack3A_89 = tpu.unpack_subelements %get3A_87, 1 {pack_format = #tpu.pack_format<interleaved>} : vector<32xi16> -> vector<16xi32>
      %swap3A_90 = arith.constant 32 : index
      %swap3A_91 = tpu.vector_load %arg10[%swap3A_90] {strides = array<i32>} : memref<96xi32, #tpu.memory_space<vmem>>, vector<16xi32>,
      tpu.vector_store %arg10[%swap3A_90], %unpack3A_88 {strides = array<i32>} : memref<96xi32, #tpu.memory_space<vmem>>, vector<16xi32>,
      %swap3A_92 = arith.constant 48 : index
      %swap3A_93 = tpu.vector_load %arg10[%swap3A_92] {strides = array<i32>} : memref<96xi32, #tpu.memory_space<vmem>>, vector<16xi32>,
      tpu.vector_store %arg10[%swap3A_92], %unpack3A_89 {strides = array<i32>} : memref<96xi32, #tpu.memory_space<vmem>>, vector<16xi32>,
      %get3A_94 = arith.index_cast %add3A_75 : i32 to index
      %get3A_95 = arith.constant 64 : index
      %get3A_96 = tpu.vector_load %arg7[%get3A_94, %get3A_95] {strides = array<i32>} : memref<106x96xi16, #tpu.memory_space<vmem>>, vector<32xi16>,
      %unpack3A_97 = tpu.unpack_subelements %get3A_96, 0 {pack_format = #tpu.pack_format<interleaved>} : vector<32xi16> -> vector<16xi32>
      %unpack3A_98 = tpu.unpack_subelements %get3A_96, 1 {pack_format = #tpu.pack_format<interleaved>} : vector<32xi16> -> vector<16xi32>
      %swap3A_99 = arith.constant 64 : index
      %swap3A_100 = tpu.vector_load %arg10[%swap3A_99] {strides = array<i32>} : memref<96xi32, #tpu.memory_space<vmem>>, vector<16xi32>,
      tpu.vector_store %arg10[%swap3A_99], %unpack3A_97 {strides = array<i32>} : memref<96xi32, #tpu.memory_space<vmem>>, vector<16xi32>,
      %swap3A_101 = arith.constant 80 : index
      %swap3A_102 = tpu.vector_load %arg10[%swap3A_101] {strides = array<i32>} : memref<96xi32, #tpu.memory_space<vmem>>, vector<16xi32>,
      tpu.vector_store %arg10[%swap3A_101], %unpack3A_98 {strides = array<i32>} : memref<96xi32, #tpu.memory_space<vmem>>, vector<16xi32>,
      %dma_start3A_103 = arith.constant 0 : i32
      %dma_start3A_104 = arith.constant 0 : i32
      %dma_start3A_105 = tpu.memref_slice %arg2[%dma_start3A_103, %dma_start3A_104] : memref<10000x128xbf16, #tpu.memory_space<hbm>> -> memref<10000x128xbf16, #tpu.memory_space<hbm>>
      tpu.enqueue_indirect_dma source(%dma_start3A_105 : memref<10000x128xbf16, #tpu.memory_space<hbm>>) target(%arg14 : memref<96x128xbf16, #tpu.memory_space<vmem>>) offsets(%arg10 : memref<96xi32, #tpu.memory_space<vmem>>) semaphore(%arg18 : memref<!tpu.dma_semaphore, #tpu.memory_space<semaphore_mem>>)
      %dma_wait3A_106 = arith.constant 0 : i32
      %dma_wait3A_107 = arith.constant 0 : i32
      %dma_wait3A_108 = tpu.memref_slice %arg2[%dma_wait3A_106, %dma_wait3A_107] : memref<10000x128xbf16, #tpu.memory_space<hbm>> -> memref<96x128xbf16, #tpu.memory_space<hbm>>
      %dma_wait3A_109 = arith.constant 0 : i32
      %dma_wait3A_110 = arith.constant 0 : i32
      %dma_wait3A_111 = tpu.memref_slice %arg2[%dma_wait3A_109, %dma_wait3A_110] : memref<10000x128xbf16, #tpu.memory_space<hbm>> -> memref<96x128xbf16, #tpu.memory_space<hbm>>
      tpu.wait_dma2 semaphore(%arg17 : memref<!tpu.dma_semaphore, #tpu.memory_space<semaphore_mem>>) src(%dma_wait3A_111 : memref<96x128xbf16, #tpu.memory_space<hbm>>) dst(%arg13 : memref<96x128xbf16, #tpu.memory_space<vmem>>)
      %gt3A = arith.constant 0 : i32
      %gt3A_112 = arith.cmpi sgt, %scan3A_71, %gt3A : i32
      %convert_element_type3A = arith.extui %gt3A_112 : i1 to i32
      %cond3A = arith.constant 0 : i32
      %cond3A_113 = arith.cmpi ne, %convert_element_type3A, %cond3A : i32
      scf.if %cond3A_113 {
        %dma_wait3A_205 = arith.constant 0 : i32
        %dma_wait3A_206 = arith.constant 0 : i32
        %dma_wait3A_207 = tpu.memref_slice %arg6[%dma_wait3A_205, %dma_wait3A_206] : memref<10016x128xf32, #tpu.memory_space<vmem_shared>> -> memref<96x128xf32, #tpu.memory_space<vmem_shared>>
        %dma_wait3A_208 = arith.constant 0 : i32
        %dma_wait3A_209 = arith.constant 0 : i32
        %dma_wait3A_210 = tpu.memref_slice %arg6[%dma_wait3A_208, %dma_wait3A_209] : memref<10016x128xf32, #tpu.memory_space<vmem_shared>> -> memref<96x128xf32, #tpu.memory_space<vmem_shared>>
        tpu.wait_dma2 semaphore(%arg19 : memref<!tpu.dma_semaphore, #tpu.memory_space<semaphore_mem>>) src(%arg15 : memref<96x128xf32, #tpu.memory_space<vmem>>) dst(%dma_wait3A_210 : memref<96x128xf32, #tpu.memory_space<vmem_shared>>)
      } else {
      }
      %scan3A_114 = arith.constant 0 : i32
      %scan3A_115 = arith.constant 0 : i32
      %scan3A_116 = arith.constant 96 : i32
      %scan3A_117 = arith.addi %scan3A_115, %scan3A_116 : i32
      %scan3A_118 = arith.constant 1 : i32
      scf.for %scan3A_205 = %scan3A_115 to %scan3A_117 step %scan3A_118  : i32 {
        %get3A_206 = arith.index_cast %scan3A_205 : i32 to index
        %get3A_207 = arith.constant 0 : index
        %get3A_208 = tpu.vector_load %arg13[%get3A_206, %get3A_207] {strides = array<i32>} : memref<96x128xbf16, #tpu.memory_space<vmem>>, vector<32xbf16>,
        %unpack3A_209 = tpu.unpack_subelements %get3A_208, 0 {pack_format = #tpu.pack_format<interleaved>} : vector<32xbf16> -> vector<16xf32>
        %unpack3A_210 = tpu.unpack_subelements %get3A_208, 1 {pack_format = #tpu.pack_format<interleaved>} : vector<32xbf16> -> vector<16xf32>
        %swap3A_211 = arith.index_cast %scan3A_205 : i32 to index
        %swap3A_212 = arith.constant 0 : index
        %swap3A_213 = tpu.vector_load %arg15[%swap3A_211, %swap3A_212] {strides = array<i32>} : memref<96x128xf32, #tpu.memory_space<vmem>>, vector<16xf32>,
        tpu.vector_store %arg15[%swap3A_211, %swap3A_212], %unpack3A_209 {strides = array<i32>} : memref<96x128xf32, #tpu.memory_space<vmem>>, vector<16xf32>,
        %swap3A_214 = arith.index_cast %scan3A_205 : i32 to index
        %swap3A_215 = arith.constant 16 : index
        %swap3A_216 = tpu.vector_load %arg15[%swap3A_214, %swap3A_215] {strides = array<i32>} : memref<96x128xf32, #tpu.memory_space<vmem>>, vector<16xf32>,
        tpu.vector_store %arg15[%swap3A_214, %swap3A_215], %unpack3A_210 {strides = array<i32>} : memref<96x128xf32, #tpu.memory_space<vmem>>, vector<16xf32>,
        %get3A_217 = arith.index_cast %scan3A_205 : i32 to index
        %get3A_218 = arith.constant 32 : index
        %get3A_219 = tpu.vector_load %arg13[%get3A_217, %get3A_218] {strides = array<i32>} : memref<96x128xbf16, #tpu.memory_space<vmem>>, vector<32xbf16>,
        %unpack3A_220 = tpu.unpack_subelements %get3A_219, 0 {pack_format = #tpu.pack_format<interleaved>} : vector<32xbf16> -> vector<16xf32>
        %unpack3A_221 = tpu.unpack_subelements %get3A_219, 1 {pack_format = #tpu.pack_format<interleaved>} : vector<32xbf16> -> vector<16xf32>
        %swap3A_222 = arith.index_cast %scan3A_205 : i32 to index
        %swap3A_223 = arith.constant 32 : index
        %swap3A_224 = tpu.vector_load %arg15[%swap3A_222, %swap3A_223] {strides = array<i32>} : memref<96x128xf32, #tpu.memory_space<vmem>>, vector<16xf32>,
        tpu.vector_store %arg15[%swap3A_222, %swap3A_223], %unpack3A_220 {strides = array<i32>} : memref<96x128xf32, #tpu.memory_space<vmem>>, vector<16xf32>,
        %swap3A_225 = arith.index_cast %scan3A_205 : i32 to index
        %swap3A_226 = arith.constant 48 : index
        %swap3A_227 = tpu.vector_load %arg15[%swap3A_225, %swap3A_226] {strides = array<i32>} : memref<96x128xf32, #tpu.memory_space<vmem>>, vector<16xf32>,
        tpu.vector_store %arg15[%swap3A_225, %swap3A_226], %unpack3A_221 {strides = array<i32>} : memref<96x128xf32, #tpu.memory_space<vmem>>, vector<16xf32>,
        %get3A_228 = arith.index_cast %scan3A_205 : i32 to index
        %get3A_229 = arith.constant 64 : index
        %get3A_230 = tpu.vector_load %arg13[%get3A_228, %get3A_229] {strides = array<i32>} : memref<96x128xbf16, #tpu.memory_space<vmem>>, vector<32xbf16>,
        %unpack3A_231 = tpu.unpack_subelements %get3A_230, 0 {pack_format = #tpu.pack_format<interleaved>} : vector<32xbf16> -> vector<16xf32>
        %unpack3A_232 = tpu.unpack_subelements %get3A_230, 1 {pack_format = #tpu.pack_format<interleaved>} : vector<32xbf16> -> vector<16xf32>
        %swap3A_233 = arith.index_cast %scan3A_205 : i32 to index
        %swap3A_234 = arith.constant 64 : index
        %swap3A_235 = tpu.vector_load %arg15[%swap3A_233, %swap3A_234] {strides = array<i32>} : memref<96x128xf32, #tpu.memory_space<vmem>>, vector<16xf32>,
        tpu.vector_store %arg15[%swap3A_233, %swap3A_234], %unpack3A_231 {strides = array<i32>} : memref<96x128xf32, #tpu.memory_space<vmem>>, vector<16xf32>,
        %swap3A_236 = arith.index_cast %scan3A_205 : i32 to index
        %swap3A_237 = arith.constant 80 : index
        %swap3A_238 = tpu.vector_load %arg15[%swap3A_236, %swap3A_237] {strides = array<i32>} : memref<96x128xf32, #tpu.memory_space<vmem>>, vector<16xf32>,
        tpu.vector_store %arg15[%swap3A_236, %swap3A_237], %unpack3A_232 {strides = array<i32>} : memref<96x128xf32, #tpu.memory_space<vmem>>, vector<16xf32>,
        %get3A_239 = arith.index_cast %scan3A_205 : i32 to index
        %get3A_240 = arith.constant 96 : index
        %get3A_241 = tpu.vector_load %arg13[%get3A_239, %get3A_240] {strides = array<i32>} : memref<96x128xbf16, #tpu.memory_space<vmem>>, vector<32xbf16>,
        %unpack3A_242 = tpu.unpack_subelements %get3A_241, 0 {pack_format = #tpu.pack_format<interleaved>} : vector<32xbf16> -> vector<16xf32>
        %unpack3A_243 = tpu.unpack_subelements %get3A_241, 1 {pack_format = #tpu.pack_format<interleaved>} : vector<32xbf16> -> vector<16xf32>
        %swap3A_244 = arith.index_cast %scan3A_205 : i32 to index
        %swap3A_245 = arith.constant 96 : index
        %swap3A_246 = tpu.vector_load %arg15[%swap3A_244, %swap3A_245] {strides = array<i32>} : memref<96x128xf32, #tpu.memory_space<vmem>>, vector<16xf32>,
        tpu.vector_store %arg15[%swap3A_244, %swap3A_245], %unpack3A_242 {strides = array<i32>} : memref<96x128xf32, #tpu.memory_space<vmem>>, vector<16xf32>,
        %swap3A_247 = arith.index_cast %scan3A_205 : i32 to index
        %swap3A_248 = arith.constant 112 : index
        %swap3A_249 = tpu.vector_load %arg15[%swap3A_247, %swap3A_248] {strides = array<i32>} : memref<96x128xf32, #tpu.memory_space<vmem>>, vector<16xf32>,
        tpu.vector_store %arg15[%swap3A_247, %swap3A_248], %unpack3A_243 {strides = array<i32>} : memref<96x128xf32, #tpu.memory_space<vmem>>, vector<16xf32>,
      }
      %scan3A_119 = arith.constant 96 : i32
      %get3A_120 = arith.index_cast %mul3A_73 : i32 to index
      %get3A_121 = arith.constant 0 : index
      %get3A_122 = tpu.vector_load %arg8[%get3A_120, %get3A_121] {strides = array<i32>} : memref<106x96xi16, #tpu.memory_space<vmem>>, vector<32xi16>,
      %unpack3A_123 = tpu.unpack_subelements %get3A_122, 0 {pack_format = #tpu.pack_format<interleaved>} : vector<32xi16> -> vector<16xi32>
      %unpack3A_124 = tpu.unpack_subelements %get3A_122, 1 {pack_format = #tpu.pack_format<interleaved>} : vector<32xi16> -> vector<16xi32>
      %swap3A_125 = arith.constant 0 : index
      %swap3A_126 = tpu.vector_load %arg11[%swap3A_125] {strides = array<i32>} : memref<96xi32, #tpu.memory_space<vmem>>, vector<16xi32>,
      tpu.vector_store %arg11[%swap3A_125], %unpack3A_123 {strides = array<i32>} : memref<96xi32, #tpu.memory_space<vmem>>, vector<16xi32>,
      %swap3A_127 = arith.constant 16 : index
      %swap3A_128 = tpu.vector_load %arg11[%swap3A_127] {strides = array<i32>} : memref<96xi32, #tpu.memory_space<vmem>>, vector<16xi32>,
      tpu.vector_store %arg11[%swap3A_127], %unpack3A_124 {strides = array<i32>} : memref<96xi32, #tpu.memory_space<vmem>>, vector<16xi32>,
      %get3A_129 = arith.index_cast %mul3A_73 : i32 to index
      %get3A_130 = arith.constant 32 : index
      %get3A_131 = tpu.vector_load %arg8[%get3A_129, %get3A_130] {strides = array<i32>} : memref<106x96xi16, #tpu.memory_space<vmem>>, vector<32xi16>,
      %unpack3A_132 = tpu.unpack_subelements %get3A_131, 0 {pack_format = #tpu.pack_format<interleaved>} : vector<32xi16> -> vector<16xi32>
      %unpack3A_133 = tpu.unpack_subelements %get3A_131, 1 {pack_format = #tpu.pack_format<interleaved>} : vector<32xi16> -> vector<16xi32>
      %swap3A_134 = arith.constant 32 : index
      %swap3A_135 = tpu.vector_load %arg11[%swap3A_134] {strides = array<i32>} : memref<96xi32, #tpu.memory_space<vmem>>, vector<16xi32>,
      tpu.vector_store %arg11[%swap3A_134], %unpack3A_132 {strides = array<i32>} : memref<96xi32, #tpu.memory_space<vmem>>, vector<16xi32>,
      %swap3A_136 = arith.constant 48 : index
      %swap3A_137 = tpu.vector_load %arg11[%swap3A_136] {strides = array<i32>} : memref<96xi32, #tpu.memory_space<vmem>>, vector<16xi32>,
      tpu.vector_store %arg11[%swap3A_136], %unpack3A_133 {strides = array<i32>} : memref<96xi32, #tpu.memory_space<vmem>>, vector<16xi32>,
      %get3A_138 = arith.index_cast %mul3A_73 : i32 to index
      %get3A_139 = arith.constant 64 : index
      %get3A_140 = tpu.vector_load %arg8[%get3A_138, %get3A_139] {strides = array<i32>} : memref<106x96xi16, #tpu.memory_space<vmem>>, vector<32xi16>,
      %unpack3A_141 = tpu.unpack_subelements %get3A_140, 0 {pack_format = #tpu.pack_format<interleaved>} : vector<32xi16> -> vector<16xi32>
      %unpack3A_142 = tpu.unpack_subelements %get3A_140, 1 {pack_format = #tpu.pack_format<interleaved>} : vector<32xi16> -> vector<16xi32>
      %swap3A_143 = arith.constant 64 : index
      %swap3A_144 = tpu.vector_load %arg11[%swap3A_143] {strides = array<i32>} : memref<96xi32, #tpu.memory_space<vmem>>, vector<16xi32>,
      tpu.vector_store %arg11[%swap3A_143], %unpack3A_141 {strides = array<i32>} : memref<96xi32, #tpu.memory_space<vmem>>, vector<16xi32>,
      %swap3A_145 = arith.constant 80 : index
      %swap3A_146 = tpu.vector_load %arg11[%swap3A_145] {strides = array<i32>} : memref<96xi32, #tpu.memory_space<vmem>>, vector<16xi32>,
      tpu.vector_store %arg11[%swap3A_145], %unpack3A_142 {strides = array<i32>} : memref<96xi32, #tpu.memory_space<vmem>>, vector<16xi32>,
      %dma_start3A_147 = arith.constant 0 : i32
      %dma_start3A_148 = arith.constant 0 : i32
      %dma_start3A_149 = tpu.memref_slice %arg6[%dma_start3A_147, %dma_start3A_148] : memref<10016x128xf32, #tpu.memory_space<vmem_shared>> -> memref<10016x128xf32, #tpu.memory_space<vmem_shared>>
      tpu.enqueue_indirect_dma source(%arg15 : memref<96x128xf32, #tpu.memory_space<vmem>>) target(%dma_start3A_149 : memref<10016x128xf32, #tpu.memory_space<vmem_shared>>) offsets(%arg11 : memref<96xi32, #tpu.memory_space<vmem>>) semaphore(%arg19 : memref<!tpu.dma_semaphore, #tpu.memory_space<semaphore_mem>>) {add = true}
      %add3A_150 = arith.constant 1 : i32
      %add3A_151 = arith.addi %scan3A_71, %add3A_150 : i32
      %lt3A = arith.constant 53 : i32
      %lt3A_152 = arith.cmpi slt, %add3A_151, %lt3A : i32
      %convert_element_type3A_153 = arith.extui %lt3A_152 : i1 to i32
      %cond3A_154 = arith.constant 0 : i32
      %cond3A_155 = arith.cmpi ne, %convert_element_type3A_153, %cond3A_154 : i32
      scf.if %cond3A_155 {
        %add3A_205 = arith.constant 2 : i32
        %add3A_206 = arith.addi %mul3A_73, %add3A_205 : i32
        %get3A_207 = arith.index_cast %add3A_206 : i32 to index
        %get3A_208 = arith.constant 0 : index
        %get3A_209 = tpu.vector_load %arg7[%get3A_207, %get3A_208] {strides = array<i32>} : memref<106x96xi16, #tpu.memory_space<vmem>>, vector<32xi16>,
        %unpack3A_210 = tpu.unpack_subelements %get3A_209, 0 {pack_format = #tpu.pack_format<interleaved>} : vector<32xi16> -> vector<16xi32>
        %unpack3A_211 = tpu.unpack_subelements %get3A_209, 1 {pack_format = #tpu.pack_format<interleaved>} : vector<32xi16> -> vector<16xi32>
        %swap3A_212 = arith.constant 0 : index
        %swap3A_213 = tpu.vector_load %arg9[%swap3A_212] {strides = array<i32>} : memref<96xi32, #tpu.memory_space<vmem>>, vector<16xi32>,
        tpu.vector_store %arg9[%swap3A_212], %unpack3A_210 {strides = array<i32>} : memref<96xi32, #tpu.memory_space<vmem>>, vector<16xi32>,
        %swap3A_214 = arith.constant 16 : index
        %swap3A_215 = tpu.vector_load %arg9[%swap3A_214] {strides = array<i32>} : memref<96xi32, #tpu.memory_space<vmem>>, vector<16xi32>,
        tpu.vector_store %arg9[%swap3A_214], %unpack3A_211 {strides = array<i32>} : memref<96xi32, #tpu.memory_space<vmem>>, vector<16xi32>,
        %get3A_216 = arith.index_cast %add3A_206 : i32 to index
        %get3A_217 = arith.constant 32 : index
        %get3A_218 = tpu.vector_load %arg7[%get3A_216, %get3A_217] {strides = array<i32>} : memref<106x96xi16, #tpu.memory_space<vmem>>, vector<32xi16>,
        %unpack3A_219 = tpu.unpack_subelements %get3A_218, 0 {pack_format = #tpu.pack_format<interleaved>} : vector<32xi16> -> vector<16xi32>
        %unpack3A_220 = tpu.unpack_subelements %get3A_218, 1 {pack_format = #tpu.pack_format<interleaved>} : vector<32xi16> -> vector<16xi32>
        %swap3A_221 = arith.constant 32 : index
        %swap3A_222 = tpu.vector_load %arg9[%swap3A_221] {strides = array<i32>} : memref<96xi32, #tpu.memory_space<vmem>>, vector<16xi32>,
        tpu.vector_store %arg9[%swap3A_221], %unpack3A_219 {strides = array<i32>} : memref<96xi32, #tpu.memory_space<vmem>>, vector<16xi32>,
        %swap3A_223 = arith.constant 48 : index
        %swap3A_224 = tpu.vector_load %arg9[%swap3A_223] {strides = array<i32>} : memref<96xi32, #tpu.memory_space<vmem>>, vector<16xi32>,
        tpu.vector_store %arg9[%swap3A_223], %unpack3A_220 {strides = array<i32>} : memref<96xi32, #tpu.memory_space<vmem>>, vector<16xi32>,
        %get3A_225 = arith.index_cast %add3A_206 : i32 to index
        %get3A_226 = arith.constant 64 : index
        %get3A_227 = tpu.vector_load %arg7[%get3A_225, %get3A_226] {strides = array<i32>} : memref<106x96xi16, #tpu.memory_space<vmem>>, vector<32xi16>,
        %unpack3A_228 = tpu.unpack_subelements %get3A_227, 0 {pack_format = #tpu.pack_format<interleaved>} : vector<32xi16> -> vector<16xi32>
        %unpack3A_229 = tpu.unpack_subelements %get3A_227, 1 {pack_format = #tpu.pack_format<interleaved>} : vector<32xi16> -> vector<16xi32>
        %swap3A_230 = arith.constant 64 : index
        %swap3A_231 = tpu.vector_load %arg9[%swap3A_230] {strides = array<i32>} : memref<96xi32, #tpu.memory_space<vmem>>, vector<16xi32>,
        tpu.vector_store %arg9[%swap3A_230], %unpack3A_228 {strides = array<i32>} : memref<96xi32, #tpu.memory_space<vmem>>, vector<16xi32>,
        %swap3A_232 = arith.constant 80 : index
        %swap3A_233 = tpu.vector_load %arg9[%swap3A_232] {strides = array<i32>} : memref<96xi32, #tpu.memory_space<vmem>>, vector<16xi32>,
        tpu.vector_store %arg9[%swap3A_232], %unpack3A_229 {strides = array<i32>} : memref<96xi32, #tpu.memory_space<vmem>>, vector<16xi32>,
        %dma_start3A_234 = arith.constant 0 : i32
        %dma_start3A_235 = arith.constant 0 : i32
        %dma_start3A_236 = tpu.memref_slice %arg2[%dma_start3A_234, %dma_start3A_235] : memref<10000x128xbf16, #tpu.memory_space<hbm>> -> memref<10000x128xbf16, #tpu.memory_space<hbm>>
        tpu.enqueue_indirect_dma source(%dma_start3A_236 : memref<10000x128xbf16, #tpu.memory_space<hbm>>) target(%arg13 : memref<96x128xbf16, #tpu.memory_space<vmem>>) offsets(%arg9 : memref<96xi32, #tpu.memory_space<vmem>>) semaphore(%arg17 : memref<!tpu.dma_semaphore, #tpu.memory_space<semaphore_mem>>)
      } else {
      }
      %dma_wait3A_156 = arith.constant 0 : i32
      %dma_wait3A_157 = arith.constant 0 : i32
      %dma_wait3A_158 = tpu.memref_slice %arg2[%dma_wait3A_156, %dma_wait3A_157] : memref<10000x128xbf16, #tpu.memory_space<hbm>> -> memref<96x128xbf16, #tpu.memory_space<hbm>>
      %dma_wait3A_159 = arith.constant 0 : i32
      %dma_wait3A_160 = arith.constant 0 : i32
      %dma_wait3A_161 = tpu.memref_slice %arg2[%dma_wait3A_159, %dma_wait3A_160] : memref<10000x128xbf16, #tpu.memory_space<hbm>> -> memref<96x128xbf16, #tpu.memory_space<hbm>>
      tpu.wait_dma2 semaphore(%arg18 : memref<!tpu.dma_semaphore, #tpu.memory_space<semaphore_mem>>) src(%dma_wait3A_161 : memref<96x128xbf16, #tpu.memory_space<hbm>>) dst(%arg14 : memref<96x128xbf16, #tpu.memory_space<vmem>>)
      %gt3A_162 = arith.constant 0 : i32
      %gt3A_163 = arith.cmpi sgt, %scan3A_71, %gt3A_162 : i32
      %convert_element_type3A_164 = arith.extui %gt3A_163 : i1 to i32
      %cond3A_165 = arith.constant 0 : i32
      %cond3A_166 = arith.cmpi ne, %convert_element_type3A_164, %cond3A_165 : i32
      scf.if %cond3A_166 {
        %dma_wait3A_205 = arith.constant 0 : i32
        %dma_wait3A_206 = arith.constant 0 : i32
        %dma_wait3A_207 = tpu.memref_slice %arg6[%dma_wait3A_205, %dma_wait3A_206] : memref<10016x128xf32, #tpu.memory_space<vmem_shared>> -> memref<96x128xf32, #tpu.memory_space<vmem_shared>>
        %dma_wait3A_208 = arith.constant 0 : i32
        %dma_wait3A_209 = arith.constant 0 : i32
        %dma_wait3A_210 = tpu.memref_slice %arg6[%dma_wait3A_208, %dma_wait3A_209] : memref<10016x128xf32, #tpu.memory_space<vmem_shared>> -> memref<96x128xf32, #tpu.memory_space<vmem_shared>>
        tpu.wait_dma2 semaphore(%arg20 : memref<!tpu.dma_semaphore, #tpu.memory_space<semaphore_mem>>) src(%arg16 : memref<96x128xf32, #tpu.memory_space<vmem>>) dst(%dma_wait3A_210 : memref<96x128xf32, #tpu.memory_space<vmem_shared>>)
      } else {
      }
      %scan3A_167 = arith.constant 0 : i32
      %scan3A_168 = arith.constant 0 : i32
      %scan3A_169 = arith.constant 96 : i32
      %scan3A_170 = arith.addi %scan3A_168, %scan3A_169 : i32
      %scan3A_171 = arith.constant 1 : i32
      scf.for %scan3A_205 = %scan3A_168 to %scan3A_170 step %scan3A_171  : i32 {
        %get3A_206 = arith.index_cast %scan3A_205 : i32 to index
        %get3A_207 = arith.constant 0 : index
        %get3A_208 = tpu.vector_load %arg14[%get3A_206, %get3A_207] {strides = array<i32>} : memref<96x128xbf16, #tpu.memory_space<vmem>>, vector<32xbf16>,
        %unpack3A_209 = tpu.unpack_subelements %get3A_208, 0 {pack_format = #tpu.pack_format<interleaved>} : vector<32xbf16> -> vector<16xf32>
        %unpack3A_210 = tpu.unpack_subelements %get3A_208, 1 {pack_format = #tpu.pack_format<interleaved>} : vector<32xbf16> -> vector<16xf32>
        %swap3A_211 = arith.index_cast %scan3A_205 : i32 to index
        %swap3A_212 = arith.constant 0 : index
        %swap3A_213 = tpu.vector_load %arg16[%swap3A_211, %swap3A_212] {strides = array<i32>} : memref<96x128xf32, #tpu.memory_space<vmem>>, vector<16xf32>,
        tpu.vector_store %arg16[%swap3A_211, %swap3A_212], %unpack3A_209 {strides = array<i32>} : memref<96x128xf32, #tpu.memory_space<vmem>>, vector<16xf32>,
        %swap3A_214 = arith.index_cast %scan3A_205 : i32 to index
        %swap3A_215 = arith.constant 16 : index
        %swap3A_216 = tpu.vector_load %arg16[%swap3A_214, %swap3A_215] {strides = array<i32>} : memref<96x128xf32, #tpu.memory_space<vmem>>, vector<16xf32>,
        tpu.vector_store %arg16[%swap3A_214, %swap3A_215], %unpack3A_210 {strides = array<i32>} : memref<96x128xf32, #tpu.memory_space<vmem>>, vector<16xf32>,
        %get3A_217 = arith.index_cast %scan3A_205 : i32 to index
        %get3A_218 = arith.constant 32 : index
        %get3A_219 = tpu.vector_load %arg14[%get3A_217, %get3A_218] {strides = array<i32>} : memref<96x128xbf16, #tpu.memory_space<vmem>>, vector<32xbf16>,
        %unpack3A_220 = tpu.unpack_subelements %get3A_219, 0 {pack_format = #tpu.pack_format<interleaved>} : vector<32xbf16> -> vector<16xf32>
        %unpack3A_221 = tpu.unpack_subelements %get3A_219, 1 {pack_format = #tpu.pack_format<interleaved>} : vector<32xbf16> -> vector<16xf32>
        %swap3A_222 = arith.index_cast %scan3A_205 : i32 to index
        %swap3A_223 = arith.constant 32 : index
        %swap3A_224 = tpu.vector_load %arg16[%swap3A_222, %swap3A_223] {strides = array<i32>} : memref<96x128xf32, #tpu.memory_space<vmem>>, vector<16xf32>,
        tpu.vector_store %arg16[%swap3A_222, %swap3A_223], %unpack3A_220 {strides = array<i32>} : memref<96x128xf32, #tpu.memory_space<vmem>>, vector<16xf32>,
        %swap3A_225 = arith.index_cast %scan3A_205 : i32 to index
        %swap3A_226 = arith.constant 48 : index
        %swap3A_227 = tpu.vector_load %arg16[%swap3A_225, %swap3A_226] {strides = array<i32>} : memref<96x128xf32, #tpu.memory_space<vmem>>, vector<16xf32>,
        tpu.vector_store %arg16[%swap3A_225, %swap3A_226], %unpack3A_221 {strides = array<i32>} : memref<96x128xf32, #tpu.memory_space<vmem>>, vector<16xf32>,
        %get3A_228 = arith.index_cast %scan3A_205 : i32 to index
        %get3A_229 = arith.constant 64 : index
        %get3A_230 = tpu.vector_load %arg14[%get3A_228, %get3A_229] {strides = array<i32>} : memref<96x128xbf16, #tpu.memory_space<vmem>>, vector<32xbf16>,
        %unpack3A_231 = tpu.unpack_subelements %get3A_230, 0 {pack_format = #tpu.pack_format<interleaved>} : vector<32xbf16> -> vector<16xf32>
        %unpack3A_232 = tpu.unpack_subelements %get3A_230, 1 {pack_format = #tpu.pack_format<interleaved>} : vector<32xbf16> -> vector<16xf32>
        %swap3A_233 = arith.index_cast %scan3A_205 : i32 to index
        %swap3A_234 = arith.constant 64 : index
        %swap3A_235 = tpu.vector_load %arg16[%swap3A_233, %swap3A_234] {strides = array<i32>} : memref<96x128xf32, #tpu.memory_space<vmem>>, vector<16xf32>,
        tpu.vector_store %arg16[%swap3A_233, %swap3A_234], %unpack3A_231 {strides = array<i32>} : memref<96x128xf32, #tpu.memory_space<vmem>>, vector<16xf32>,
        %swap3A_236 = arith.index_cast %scan3A_205 : i32 to index
        %swap3A_237 = arith.constant 80 : index
        %swap3A_238 = tpu.vector_load %arg16[%swap3A_236, %swap3A_237] {strides = array<i32>} : memref<96x128xf32, #tpu.memory_space<vmem>>, vector<16xf32>,
        tpu.vector_store %arg16[%swap3A_236, %swap3A_237], %unpack3A_232 {strides = array<i32>} : memref<96x128xf32, #tpu.memory_space<vmem>>, vector<16xf32>,
        %get3A_239 = arith.index_cast %scan3A_205 : i32 to index
        %get3A_240 = arith.constant 96 : index
        %get3A_241 = tpu.vector_load %arg14[%get3A_239, %get3A_240] {strides = array<i32>} : memref<96x128xbf16, #tpu.memory_space<vmem>>, vector<32xbf16>,
        %unpack3A_242 = tpu.unpack_subelements %get3A_241, 0 {pack_format = #tpu.pack_format<interleaved>} : vector<32xbf16> -> vector<16xf32>
        %unpack3A_243 = tpu.unpack_subelements %get3A_241, 1 {pack_format = #tpu.pack_format<interleaved>} : vector<32xbf16> -> vector<16xf32>
        %swap3A_244 = arith.index_cast %scan3A_205 : i32 to index
        %swap3A_245 = arith.constant 96 : index
        %swap3A_246 = tpu.vector_load %arg16[%swap3A_244, %swap3A_245] {strides = array<i32>} : memref<96x128xf32, #tpu.memory_space<vmem>>, vector<16xf32>,
        tpu.vector_store %arg16[%swap3A_244, %swap3A_245], %unpack3A_242 {strides = array<i32>} : memref<96x128xf32, #tpu.memory_space<vmem>>, vector<16xf32>,
        %swap3A_247 = arith.index_cast %scan3A_205 : i32 to index
        %swap3A_248 = arith.constant 112 : index
        %swap3A_249 = tpu.vector_load %arg16[%swap3A_247, %swap3A_248] {strides = array<i32>} : memref<96x128xf32, #tpu.memory_space<vmem>>, vector<16xf32>,
        tpu.vector_store %arg16[%swap3A_247, %swap3A_248], %unpack3A_243 {strides = array<i32>} : memref<96x128xf32, #tpu.memory_space<vmem>>, vector<16xf32>,
      }
      %scan3A_172 = arith.constant 96 : i32
      %add3A_173 = arith.constant 1 : i32
      %add3A_174 = arith.addi %mul3A_73, %add3A_173 : i32
      %get3A_175 = arith.index_cast %add3A_174 : i32 to index
      %get3A_176 = arith.constant 0 : index
      %get3A_177 = tpu.vector_load %arg8[%get3A_175, %get3A_176] {strides = array<i32>} : memref<106x96xi16, #tpu.memory_space<vmem>>, vector<32xi16>,
      %unpack3A_178 = tpu.unpack_subelements %get3A_177, 0 {pack_format = #tpu.pack_format<interleaved>} : vector<32xi16> -> vector<16xi32>
      %unpack3A_179 = tpu.unpack_subelements %get3A_177, 1 {pack_format = #tpu.pack_format<interleaved>} : vector<32xi16> -> vector<16xi32>
      %swap3A_180 = arith.constant 0 : index
      %swap3A_181 = tpu.vector_load %arg12[%swap3A_180] {strides = array<i32>} : memref<96xi32, #tpu.memory_space<vmem>>, vector<16xi32>,
      tpu.vector_store %arg12[%swap3A_180], %unpack3A_178 {strides = array<i32>} : memref<96xi32, #tpu.memory_space<vmem>>, vector<16xi32>,
      %swap3A_182 = arith.constant 16 : index
      %swap3A_183 = tpu.vector_load %arg12[%swap3A_182] {strides = array<i32>} : memref<96xi32, #tpu.memory_space<vmem>>, vector<16xi32>,
      tpu.vector_store %arg12[%swap3A_182], %unpack3A_179 {strides = array<i32>} : memref<96xi32, #tpu.memory_space<vmem>>, vector<16xi32>,
      %get3A_184 = arith.index_cast %add3A_174 : i32 to index
      %get3A_185 = arith.constant 32 : index
      %get3A_186 = tpu.vector_load %arg8[%get3A_184, %get3A_185] {strides = array<i32>} : memref<106x96xi16, #tpu.memory_space<vmem>>, vector<32xi16>,
      %unpack3A_187 = tpu.unpack_subelements %get3A_186, 0 {pack_format = #tpu.pack_format<interleaved>} : vector<32xi16> -> vector<16xi32>
      %unpack3A_188 = tpu.unpack_subelements %get3A_186, 1 {pack_format = #tpu.pack_format<interleaved>} : vector<32xi16> -> vector<16xi32>
      %swap3A_189 = arith.constant 32 : index
      %swap3A_190 = tpu.vector_load %arg12[%swap3A_189] {strides = array<i32>} : memref<96xi32, #tpu.memory_space<vmem>>, vector<16xi32>,
      tpu.vector_store %arg12[%swap3A_189], %unpack3A_187 {strides = array<i32>} : memref<96xi32, #tpu.memory_space<vmem>>, vector<16xi32>,
      %swap3A_191 = arith.constant 48 : index
      %swap3A_192 = tpu.vector_load %arg12[%swap3A_191] {strides = array<i32>} : memref<96xi32, #tpu.memory_space<vmem>>, vector<16xi32>,
      tpu.vector_store %arg12[%swap3A_191], %unpack3A_188 {strides = array<i32>} : memref<96xi32, #tpu.memory_space<vmem>>, vector<16xi32>,
      %get3A_193 = arith.index_cast %add3A_174 : i32 to index
      %get3A_194 = arith.constant 64 : index
      %get3A_195 = tpu.vector_load %arg8[%get3A_193, %get3A_194] {strides = array<i32>} : memref<106x96xi16, #tpu.memory_space<vmem>>, vector<32xi16>,
      %unpack3A_196 = tpu.unpack_subelements %get3A_195, 0 {pack_format = #tpu.pack_format<interleaved>} : vector<32xi16> -> vector<16xi32>
      %unpack3A_197 = tpu.unpack_subelements %get3A_195, 1 {pack_format = #tpu.pack_format<interleaved>} : vector<32xi16> -> vector<16xi32>
      %swap3A_198 = arith.constant 64 : index
      %swap3A_199 = tpu.vector_load %arg12[%swap3A_198] {strides = array<i32>} : memref<96xi32, #tpu.memory_space<vmem>>, vector<16xi32>,
      tpu.vector_store %arg12[%swap3A_198], %unpack3A_196 {strides = array<i32>} : memref<96xi32, #tpu.memory_space<vmem>>, vector<16xi32>,
      %swap3A_200 = arith.constant 80 : index
      %swap3A_201 = tpu.vector_load %arg12[%swap3A_200] {strides = array<i32>} : memref<96xi32, #tpu.memory_space<vmem>>, vector<16xi32>,
      tpu.vector_store %arg12[%swap3A_200], %unpack3A_197 {strides = array<i32>} : memref<96xi32, #tpu.memory_space<vmem>>, vector<16xi32>,
      %dma_start3A_202 = arith.constant 0 : i32
      %dma_start3A_203 = arith.constant 0 : i32
      %dma_start3A_204 = tpu.memref_slice %arg6[%dma_start3A_202, %dma_start3A_203] : memref<10016x128xf32, #tpu.memory_space<vmem_shared>> -> memref<10016x128xf32, #tpu.memory_space<vmem_shared>>
      tpu.enqueue_indirect_dma source(%arg16 : memref<96x128xf32, #tpu.memory_space<vmem>>) target(%dma_start3A_204 : memref<10016x128xf32, #tpu.memory_space<vmem_shared>>) offsets(%arg12 : memref<96xi32, #tpu.memory_space<vmem>>) semaphore(%arg20 : memref<!tpu.dma_semaphore, #tpu.memory_space<semaphore_mem>>) {add = true}
    }
    %scan3A_56 = arith.constant 53 : i32
    %dma_wait3A = arith.constant 0 : i32
    %dma_wait3A_57 = arith.constant 0 : i32
    %dma_wait3A_58 = tpu.memref_slice %arg6[%dma_wait3A, %dma_wait3A_57] : memref<10016x128xf32, #tpu.memory_space<vmem_shared>> -> memref<96x128xf32, #tpu.memory_space<vmem_shared>>
    %dma_wait3A_59 = arith.constant 0 : i32
    %dma_wait3A_60 = arith.constant 0 : i32
    %dma_wait3A_61 = tpu.memref_slice %arg6[%dma_wait3A_59, %dma_wait3A_60] : memref<10016x128xf32, #tpu.memory_space<vmem_shared>> -> memref<96x128xf32, #tpu.memory_space<vmem_shared>>
    tpu.wait_dma2 semaphore(%arg19 : memref<!tpu.dma_semaphore, #tpu.memory_space<semaphore_mem>>) src(%arg15 : memref<96x128xf32, #tpu.memory_space<vmem>>) dst(%dma_wait3A_61 : memref<96x128xf32, #tpu.memory_space<vmem_shared>>)
    %dma_wait3A_62 = arith.constant 0 : i32
    %dma_wait3A_63 = arith.constant 0 : i32
    %dma_wait3A_64 = tpu.memref_slice %arg6[%dma_wait3A_62, %dma_wait3A_63] : memref<10016x128xf32, #tpu.memory_space<vmem_shared>> -> memref<96x128xf32, #tpu.memory_space<vmem_shared>>
    %dma_wait3A_65 = arith.constant 0 : i32
    %dma_wait3A_66 = arith.constant 0 : i32
    %dma_wait3A_67 = tpu.memref_slice %arg6[%dma_wait3A_65, %dma_wait3A_66] : memref<10016x128xf32, #tpu.memory_space<vmem_shared>> -> memref<96x128xf32, #tpu.memory_space<vmem_shared>>
    tpu.wait_dma2 semaphore(%arg20 : memref<!tpu.dma_semaphore, #tpu.memory_space<semaphore_mem>>) src(%arg16 : memref<96x128xf32, #tpu.memory_space<vmem>>) dst(%dma_wait3A_67 : memref<96x128xf32, #tpu.memory_space<vmem_shared>>)
    %barrier3A_68 = arith.constant 0 : index
    tpu.barrier barrier_id(%barrier3A_68)
    %mul3A_69 = arith.constant 625 : i32
    %mul3A_70 = arith.muli %arg1, %mul3A_69 : i32
    "tpu.region"() ({
      %run_scoped3A = tpu.sem_alloc : memref<!tpu.dma_semaphore, #tpu.memory_space<semaphore_mem>>
      %dma_start3A_71 = arith.constant 0 : i32
      %dma_start3A_72 = tpu.memref_slice %arg5[%arg0, %mul3A_70, %dma_start3A_71] : memref<2x10000x128xf32, #tpu.memory_space<hbm>> -> memref<1x625x128xf32, #tpu.memory_space<hbm>>
      %dma_start3A_73 = tpu.memref_squeeze %dma_start3A_72 : memref<1x625x128xf32, #tpu.memory_space<hbm>> -> memref<625x128xf32, #tpu.memory_space<hbm>>
      %dma_start3A_74 = arith.constant 0 : i32
      %dma_start3A_75 = tpu.memref_slice %arg6[%mul3A_70, %dma_start3A_74] : memref<10016x128xf32, #tpu.memory_space<vmem_shared>> -> memref<625x128xf32, #tpu.memory_space<vmem_shared>>
      tpu.enqueue_dma source(%dma_start3A_75 : memref<625x128xf32, #tpu.memory_space<vmem_shared>>) target(%dma_start3A_73 : memref<625x128xf32, #tpu.memory_space<hbm>>) target_semaphore(%run_scoped3A : memref<!tpu.dma_semaphore, #tpu.memory_space<semaphore_mem>>)
      %dma_wait3A_76 = arith.constant 0 : i32
      %dma_wait3A_77 = tpu.memref_slice %arg5[%arg0, %mul3A_70, %dma_wait3A_76] : memref<2x10000x128xf32, #tpu.memory_space<hbm>> -> memref<1x625x128xf32, #tpu.memory_space<hbm>>
      %dma_wait3A_78 = tpu.memref_squeeze %dma_wait3A_77 : memref<1x625x128xf32, #tpu.memory_space<hbm>> -> memref<625x128xf32, #tpu.memory_space<hbm>>
      %dma_wait3A_79 = arith.constant 0 : i32
      %dma_wait3A_80 = tpu.memref_slice %arg6[%mul3A_70, %dma_wait3A_79] : memref<10016x128xf32, #tpu.memory_space<vmem_shared>> -> memref<625x128xf32, #tpu.memory_space<vmem_shared>>
      tpu.wait_dma2 semaphore(%run_scoped3A : memref<!tpu.dma_semaphore, #tpu.memory_space<semaphore_mem>>) src(%dma_wait3A_80 : memref<625x128xf32, #tpu.memory_space<vmem_shared>>) dst(%dma_wait3A_78 : memref<625x128xf32, #tpu.memory_space<hbm>>)
      tpu.yield
    }) : () -> ()
    return
  }
}

#map = affine_map<(d0, d1) -> (0, 0)>
#map1 = affine_map<(d0, d1) -> (0, 0, 0)>
module attributes {stable_mosaic.version = 14 : i64} {
  func.func @agg(%arg0: i32, %arg1: i32, %arg2: memref<10000x64xbf16, #tpu.memory_space<hbm>>, %arg3: memref<32x106x96xi32, #tpu.memory_space<hbm>>, %arg4: memref<32x106x96xi32, #tpu.memory_space<hbm>>, %arg5: memref<2x10000x64xf32, #tpu.memory_space<hbm>>, %arg6: memref<10016x64xf32, #tpu.memory_space<vmem_shared>>, %arg7: memref<106x96xi32, #tpu.memory_space<vmem>>, %arg8: memref<106x96xi32, #tpu.memory_space<vmem>>, %arg9: memref<96xi32, #tpu.memory_space<vmem>>, %arg10: memref<96xi32, #tpu.memory_space<vmem>>, %arg11: memref<96xi32, #tpu.memory_space<vmem>>, %arg12: memref<96xi32, #tpu.memory_space<vmem>>, %arg13: memref<96x64xbf16, #tpu.memory_space<vmem>>, %arg14: memref<96x64xbf16, #tpu.memory_space<vmem>>, %arg15: memref<96x64xf32, #tpu.memory_space<vmem>>, %arg16: memref<96x64xf32, #tpu.memory_space<vmem>>, %arg17: memref<!tpu.dma_semaphore, #tpu.memory_space<semaphore_mem>>, %arg18: memref<!tpu.dma_semaphore, #tpu.memory_space<semaphore_mem>>, %arg19: memref<!tpu.dma_semaphore, #tpu.memory_space<semaphore_mem>>, %arg20: memref<!tpu.dma_semaphore, #tpu.memory_space<semaphore_mem>>) attributes {dimension_semantics = [#tpu.dimension_semantics<core_parallel>, #tpu.dimension_semantics<subcore_parallel>], iteration_bounds = array<i64: 2, 16>, scalar_prefetch = 0 : i64, scratch_operands = 15 : i64, tpu.core_type = #tpu.core_type<sc_vector_subcore>, window_params = [{transform_indices = #map}, {transform_indices = #map1}, {transform_indices = #map1}, {transform_indices = #map1}]} {
    %mul3A = arith.constant 16 : i32
    %mul3A_0 = arith.muli %arg0, %mul3A : i32
    %add3A = arith.addi %mul3A_0, %arg1 : i32
    "tpu.region"() ({
      %run_scoped3A = tpu.sem_alloc : memref<!tpu.dma_semaphore, #tpu.memory_space<semaphore_mem>>
      %dma_start3A_48 = arith.constant 0 : i32
      %dma_start3A_49 = arith.constant 0 : i32
      %dma_start3A_50 = tpu.memref_slice %arg3[%add3A, %dma_start3A_48, %dma_start3A_49] : memref<32x106x96xi32, #tpu.memory_space<hbm>> -> memref<1x106x96xi32, #tpu.memory_space<hbm>>
      %dma_start3A_51 = tpu.memref_squeeze %dma_start3A_50 : memref<1x106x96xi32, #tpu.memory_space<hbm>> -> memref<106x96xi32, #tpu.memory_space<hbm>>
      %dma_start3A_52 = arith.constant 0 : i32
      %dma_start3A_53 = arith.constant 0 : i32
      %dma_start3A_54 = tpu.memref_slice %arg3[%add3A, %dma_start3A_52, %dma_start3A_53] : memref<32x106x96xi32, #tpu.memory_space<hbm>> -> memref<1x106x96xi32, #tpu.memory_space<hbm>>
      %dma_start3A_55 = tpu.memref_squeeze %dma_start3A_54 : memref<1x106x96xi32, #tpu.memory_space<hbm>> -> memref<106x96xi32, #tpu.memory_space<hbm>>
      tpu.enqueue_dma source(%dma_start3A_55 : memref<106x96xi32, #tpu.memory_space<hbm>>) target(%arg7 : memref<106x96xi32, #tpu.memory_space<vmem>>) target_semaphore(%run_scoped3A : memref<!tpu.dma_semaphore, #tpu.memory_space<semaphore_mem>>)
      %dma_wait3A_56 = arith.constant 0 : i32
      %dma_wait3A_57 = arith.constant 0 : i32
      %dma_wait3A_58 = tpu.memref_slice %arg3[%add3A, %dma_wait3A_56, %dma_wait3A_57] : memref<32x106x96xi32, #tpu.memory_space<hbm>> -> memref<1x106x96xi32, #tpu.memory_space<hbm>>
      %dma_wait3A_59 = tpu.memref_squeeze %dma_wait3A_58 : memref<1x106x96xi32, #tpu.memory_space<hbm>> -> memref<106x96xi32, #tpu.memory_space<hbm>>
      %dma_wait3A_60 = arith.constant 0 : i32
      %dma_wait3A_61 = arith.constant 0 : i32
      %dma_wait3A_62 = tpu.memref_slice %arg3[%add3A, %dma_wait3A_60, %dma_wait3A_61] : memref<32x106x96xi32, #tpu.memory_space<hbm>> -> memref<1x106x96xi32, #tpu.memory_space<hbm>>
      %dma_wait3A_63 = tpu.memref_squeeze %dma_wait3A_62 : memref<1x106x96xi32, #tpu.memory_space<hbm>> -> memref<106x96xi32, #tpu.memory_space<hbm>>
      tpu.wait_dma2 semaphore(%run_scoped3A : memref<!tpu.dma_semaphore, #tpu.memory_space<semaphore_mem>>) src(%dma_wait3A_63 : memref<106x96xi32, #tpu.memory_space<hbm>>) dst(%arg7 : memref<106x96xi32, #tpu.memory_space<vmem>>)
      tpu.yield
    }) : () -> ()
    "tpu.region"() ({
      %run_scoped3A = tpu.sem_alloc : memref<!tpu.dma_semaphore, #tpu.memory_space<semaphore_mem>>
      %dma_start3A_48 = arith.constant 0 : i32
      %dma_start3A_49 = arith.constant 0 : i32
      %dma_start3A_50 = tpu.memref_slice %arg4[%add3A, %dma_start3A_48, %dma_start3A_49] : memref<32x106x96xi32, #tpu.memory_space<hbm>> -> memref<1x106x96xi32, #tpu.memory_space<hbm>>
      %dma_start3A_51 = tpu.memref_squeeze %dma_start3A_50 : memref<1x106x96xi32, #tpu.memory_space<hbm>> -> memref<106x96xi32, #tpu.memory_space<hbm>>
      %dma_start3A_52 = arith.constant 0 : i32
      %dma_start3A_53 = arith.constant 0 : i32
      %dma_start3A_54 = tpu.memref_slice %arg4[%add3A, %dma_start3A_52, %dma_start3A_53] : memref<32x106x96xi32, #tpu.memory_space<hbm>> -> memref<1x106x96xi32, #tpu.memory_space<hbm>>
      %dma_start3A_55 = tpu.memref_squeeze %dma_start3A_54 : memref<1x106x96xi32, #tpu.memory_space<hbm>> -> memref<106x96xi32, #tpu.memory_space<hbm>>
      tpu.enqueue_dma source(%dma_start3A_55 : memref<106x96xi32, #tpu.memory_space<hbm>>) target(%arg8 : memref<106x96xi32, #tpu.memory_space<vmem>>) target_semaphore(%run_scoped3A : memref<!tpu.dma_semaphore, #tpu.memory_space<semaphore_mem>>)
      %dma_wait3A_56 = arith.constant 0 : i32
      %dma_wait3A_57 = arith.constant 0 : i32
      %dma_wait3A_58 = tpu.memref_slice %arg4[%add3A, %dma_wait3A_56, %dma_wait3A_57] : memref<32x106x96xi32, #tpu.memory_space<hbm>> -> memref<1x106x96xi32, #tpu.memory_space<hbm>>
      %dma_wait3A_59 = tpu.memref_squeeze %dma_wait3A_58 : memref<1x106x96xi32, #tpu.memory_space<hbm>> -> memref<106x96xi32, #tpu.memory_space<hbm>>
      %dma_wait3A_60 = arith.constant 0 : i32
      %dma_wait3A_61 = arith.constant 0 : i32
      %dma_wait3A_62 = tpu.memref_slice %arg4[%add3A, %dma_wait3A_60, %dma_wait3A_61] : memref<32x106x96xi32, #tpu.memory_space<hbm>> -> memref<1x106x96xi32, #tpu.memory_space<hbm>>
      %dma_wait3A_63 = tpu.memref_squeeze %dma_wait3A_62 : memref<1x106x96xi32, #tpu.memory_space<hbm>> -> memref<106x96xi32, #tpu.memory_space<hbm>>
      tpu.wait_dma2 semaphore(%run_scoped3A : memref<!tpu.dma_semaphore, #tpu.memory_space<semaphore_mem>>) src(%dma_wait3A_63 : memref<106x96xi32, #tpu.memory_space<hbm>>) dst(%arg8 : memref<106x96xi32, #tpu.memory_space<vmem>>)
      tpu.yield
    }) : () -> ()
    %scan3A = arith.constant 0 : i32
    %scan3A_1 = arith.constant 0 : i32
    %scan3A_2 = arith.constant 96 : i32
    %scan3A_3 = arith.addi %scan3A_1, %scan3A_2 : i32
    %scan3A_4 = arith.constant 1 : i32
    scf.for %scan3A_48 = %scan3A_1 to %scan3A_3 step %scan3A_4  : i32 {
      %broadcast_in_dim3A = arith.constant 0.000000e+00 : f32
      %broadcast_in_dim3A_49 = vector.broadcast %broadcast_in_dim3A : f32 to vector<16xf32>
      %swap3A = arith.index_cast %scan3A_48 : i32 to index
      %swap3A_50 = arith.constant 0 : index
      %swap3A_51 = tpu.vector_load %arg15[%swap3A, %swap3A_50] {strides = array<i32>} : memref<96x64xf32, #tpu.memory_space<vmem>>, vector<16xf32>,
      tpu.vector_store %arg15[%swap3A, %swap3A_50], %broadcast_in_dim3A_49 {strides = array<i32>} : memref<96x64xf32, #tpu.memory_space<vmem>>, vector<16xf32>,
      %broadcast_in_dim3A_52 = arith.constant 0.000000e+00 : f32
      %broadcast_in_dim3A_53 = vector.broadcast %broadcast_in_dim3A_52 : f32 to vector<16xf32>
      %swap3A_54 = arith.index_cast %scan3A_48 : i32 to index
      %swap3A_55 = arith.constant 16 : index
      %swap3A_56 = tpu.vector_load %arg15[%swap3A_54, %swap3A_55] {strides = array<i32>} : memref<96x64xf32, #tpu.memory_space<vmem>>, vector<16xf32>,
      tpu.vector_store %arg15[%swap3A_54, %swap3A_55], %broadcast_in_dim3A_53 {strides = array<i32>} : memref<96x64xf32, #tpu.memory_space<vmem>>, vector<16xf32>,
      %broadcast_in_dim3A_57 = arith.constant 0.000000e+00 : f32
      %broadcast_in_dim3A_58 = vector.broadcast %broadcast_in_dim3A_57 : f32 to vector<16xf32>
      %swap3A_59 = arith.index_cast %scan3A_48 : i32 to index
      %swap3A_60 = arith.constant 32 : index
      %swap3A_61 = tpu.vector_load %arg15[%swap3A_59, %swap3A_60] {strides = array<i32>} : memref<96x64xf32, #tpu.memory_space<vmem>>, vector<16xf32>,
      tpu.vector_store %arg15[%swap3A_59, %swap3A_60], %broadcast_in_dim3A_58 {strides = array<i32>} : memref<96x64xf32, #tpu.memory_space<vmem>>, vector<16xf32>,
      %broadcast_in_dim3A_62 = arith.constant 0.000000e+00 : f32
      %broadcast_in_dim3A_63 = vector.broadcast %broadcast_in_dim3A_62 : f32 to vector<16xf32>
      %swap3A_64 = arith.index_cast %scan3A_48 : i32 to index
      %swap3A_65 = arith.constant 48 : index
      %swap3A_66 = tpu.vector_load %arg15[%swap3A_64, %swap3A_65] {strides = array<i32>} : memref<96x64xf32, #tpu.memory_space<vmem>>, vector<16xf32>,
      tpu.vector_store %arg15[%swap3A_64, %swap3A_65], %broadcast_in_dim3A_63 {strides = array<i32>} : memref<96x64xf32, #tpu.memory_space<vmem>>, vector<16xf32>,
    }
    %scan3A_5 = arith.constant 96 : i32
    %mul3A_6 = arith.constant 626 : i32
    %mul3A_7 = arith.muli %arg1, %mul3A_6 : i32
    %add3A_8 = arith.constant 0 : i32
    %add3A_9 = arith.addi %mul3A_7, %add3A_8 : i32
    "tpu.region"() ({
      %run_scoped3A = tpu.sem_alloc : memref<!tpu.dma_semaphore, #tpu.memory_space<semaphore_mem>>
      %dma_start3A_48 = arith.constant 0 : i32
      %dma_start3A_49 = tpu.memref_slice %arg6[%add3A_9, %dma_start3A_48] : memref<10016x64xf32, #tpu.memory_space<vmem_shared>> -> memref<96x64xf32, #tpu.memory_space<vmem_shared>>
      %dma_start3A_50 = arith.constant 0 : i32
      %dma_start3A_51 = tpu.memref_slice %arg6[%add3A_9, %dma_start3A_50] : memref<10016x64xf32, #tpu.memory_space<vmem_shared>> -> memref<96x64xf32, #tpu.memory_space<vmem_shared>>
      tpu.enqueue_dma source(%arg15 : memref<96x64xf32, #tpu.memory_space<vmem>>) target(%dma_start3A_51 : memref<96x64xf32, #tpu.memory_space<vmem_shared>>) target_semaphore(%run_scoped3A : memref<!tpu.dma_semaphore, #tpu.memory_space<semaphore_mem>>)
      %dma_wait3A_52 = arith.constant 0 : i32
      %dma_wait3A_53 = tpu.memref_slice %arg6[%add3A_9, %dma_wait3A_52] : memref<10016x64xf32, #tpu.memory_space<vmem_shared>> -> memref<96x64xf32, #tpu.memory_space<vmem_shared>>
      %dma_wait3A_54 = arith.constant 0 : i32
      %dma_wait3A_55 = tpu.memref_slice %arg6[%add3A_9, %dma_wait3A_54] : memref<10016x64xf32, #tpu.memory_space<vmem_shared>> -> memref<96x64xf32, #tpu.memory_space<vmem_shared>>
      tpu.wait_dma2 semaphore(%run_scoped3A : memref<!tpu.dma_semaphore, #tpu.memory_space<semaphore_mem>>) src(%arg15 : memref<96x64xf32, #tpu.memory_space<vmem>>) dst(%dma_wait3A_55 : memref<96x64xf32, #tpu.memory_space<vmem_shared>>)
      tpu.yield
    }) : () -> ()
    %add3A_10 = arith.constant 96 : i32
    %add3A_11 = arith.addi %mul3A_7, %add3A_10 : i32
    "tpu.region"() ({
      %run_scoped3A = tpu.sem_alloc : memref<!tpu.dma_semaphore, #tpu.memory_space<semaphore_mem>>
      %dma_start3A_48 = arith.constant 0 : i32
      %dma_start3A_49 = tpu.memref_slice %arg6[%add3A_11, %dma_start3A_48] : memref<10016x64xf32, #tpu.memory_space<vmem_shared>> -> memref<96x64xf32, #tpu.memory_space<vmem_shared>>
      %dma_start3A_50 = arith.constant 0 : i32
      %dma_start3A_51 = tpu.memref_slice %arg6[%add3A_11, %dma_start3A_50] : memref<10016x64xf32, #tpu.memory_space<vmem_shared>> -> memref<96x64xf32, #tpu.memory_space<vmem_shared>>
      tpu.enqueue_dma source(%arg15 : memref<96x64xf32, #tpu.memory_space<vmem>>) target(%dma_start3A_51 : memref<96x64xf32, #tpu.memory_space<vmem_shared>>) target_semaphore(%run_scoped3A : memref<!tpu.dma_semaphore, #tpu.memory_space<semaphore_mem>>)
      %dma_wait3A_52 = arith.constant 0 : i32
      %dma_wait3A_53 = tpu.memref_slice %arg6[%add3A_11, %dma_wait3A_52] : memref<10016x64xf32, #tpu.memory_space<vmem_shared>> -> memref<96x64xf32, #tpu.memory_space<vmem_shared>>
      %dma_wait3A_54 = arith.constant 0 : i32
      %dma_wait3A_55 = tpu.memref_slice %arg6[%add3A_11, %dma_wait3A_54] : memref<10016x64xf32, #tpu.memory_space<vmem_shared>> -> memref<96x64xf32, #tpu.memory_space<vmem_shared>>
      tpu.wait_dma2 semaphore(%run_scoped3A : memref<!tpu.dma_semaphore, #tpu.memory_space<semaphore_mem>>) src(%arg15 : memref<96x64xf32, #tpu.memory_space<vmem>>) dst(%dma_wait3A_55 : memref<96x64xf32, #tpu.memory_space<vmem_shared>>)
      tpu.yield
    }) : () -> ()
    %add3A_12 = arith.constant 192 : i32
    %add3A_13 = arith.addi %mul3A_7, %add3A_12 : i32
    "tpu.region"() ({
      %run_scoped3A = tpu.sem_alloc : memref<!tpu.dma_semaphore, #tpu.memory_space<semaphore_mem>>
      %dma_start3A_48 = arith.constant 0 : i32
      %dma_start3A_49 = tpu.memref_slice %arg6[%add3A_13, %dma_start3A_48] : memref<10016x64xf32, #tpu.memory_space<vmem_shared>> -> memref<96x64xf32, #tpu.memory_space<vmem_shared>>
      %dma_start3A_50 = arith.constant 0 : i32
      %dma_start3A_51 = tpu.memref_slice %arg6[%add3A_13, %dma_start3A_50] : memref<10016x64xf32, #tpu.memory_space<vmem_shared>> -> memref<96x64xf32, #tpu.memory_space<vmem_shared>>
      tpu.enqueue_dma source(%arg15 : memref<96x64xf32, #tpu.memory_space<vmem>>) target(%dma_start3A_51 : memref<96x64xf32, #tpu.memory_space<vmem_shared>>) target_semaphore(%run_scoped3A : memref<!tpu.dma_semaphore, #tpu.memory_space<semaphore_mem>>)
      %dma_wait3A_52 = arith.constant 0 : i32
      %dma_wait3A_53 = tpu.memref_slice %arg6[%add3A_13, %dma_wait3A_52] : memref<10016x64xf32, #tpu.memory_space<vmem_shared>> -> memref<96x64xf32, #tpu.memory_space<vmem_shared>>
      %dma_wait3A_54 = arith.constant 0 : i32
      %dma_wait3A_55 = tpu.memref_slice %arg6[%add3A_13, %dma_wait3A_54] : memref<10016x64xf32, #tpu.memory_space<vmem_shared>> -> memref<96x64xf32, #tpu.memory_space<vmem_shared>>
      tpu.wait_dma2 semaphore(%run_scoped3A : memref<!tpu.dma_semaphore, #tpu.memory_space<semaphore_mem>>) src(%arg15 : memref<96x64xf32, #tpu.memory_space<vmem>>) dst(%dma_wait3A_55 : memref<96x64xf32, #tpu.memory_space<vmem_shared>>)
      tpu.yield
    }) : () -> ()
    %add3A_14 = arith.constant 288 : i32
    %add3A_15 = arith.addi %mul3A_7, %add3A_14 : i32
    "tpu.region"() ({
      %run_scoped3A = tpu.sem_alloc : memref<!tpu.dma_semaphore, #tpu.memory_space<semaphore_mem>>
      %dma_start3A_48 = arith.constant 0 : i32
      %dma_start3A_49 = tpu.memref_slice %arg6[%add3A_15, %dma_start3A_48] : memref<10016x64xf32, #tpu.memory_space<vmem_shared>> -> memref<96x64xf32, #tpu.memory_space<vmem_shared>>
      %dma_start3A_50 = arith.constant 0 : i32
      %dma_start3A_51 = tpu.memref_slice %arg6[%add3A_15, %dma_start3A_50] : memref<10016x64xf32, #tpu.memory_space<vmem_shared>> -> memref<96x64xf32, #tpu.memory_space<vmem_shared>>
      tpu.enqueue_dma source(%arg15 : memref<96x64xf32, #tpu.memory_space<vmem>>) target(%dma_start3A_51 : memref<96x64xf32, #tpu.memory_space<vmem_shared>>) target_semaphore(%run_scoped3A : memref<!tpu.dma_semaphore, #tpu.memory_space<semaphore_mem>>)
      %dma_wait3A_52 = arith.constant 0 : i32
      %dma_wait3A_53 = tpu.memref_slice %arg6[%add3A_15, %dma_wait3A_52] : memref<10016x64xf32, #tpu.memory_space<vmem_shared>> -> memref<96x64xf32, #tpu.memory_space<vmem_shared>>
      %dma_wait3A_54 = arith.constant 0 : i32
      %dma_wait3A_55 = tpu.memref_slice %arg6[%add3A_15, %dma_wait3A_54] : memref<10016x64xf32, #tpu.memory_space<vmem_shared>> -> memref<96x64xf32, #tpu.memory_space<vmem_shared>>
      tpu.wait_dma2 semaphore(%run_scoped3A : memref<!tpu.dma_semaphore, #tpu.memory_space<semaphore_mem>>) src(%arg15 : memref<96x64xf32, #tpu.memory_space<vmem>>) dst(%dma_wait3A_55 : memref<96x64xf32, #tpu.memory_space<vmem_shared>>)
      tpu.yield
    }) : () -> ()
    %add3A_16 = arith.constant 384 : i32
    %add3A_17 = arith.addi %mul3A_7, %add3A_16 : i32
    "tpu.region"() ({
      %run_scoped3A = tpu.sem_alloc : memref<!tpu.dma_semaphore, #tpu.memory_space<semaphore_mem>>
      %dma_start3A_48 = arith.constant 0 : i32
      %dma_start3A_49 = tpu.memref_slice %arg6[%add3A_17, %dma_start3A_48] : memref<10016x64xf32, #tpu.memory_space<vmem_shared>> -> memref<96x64xf32, #tpu.memory_space<vmem_shared>>
      %dma_start3A_50 = arith.constant 0 : i32
      %dma_start3A_51 = tpu.memref_slice %arg6[%add3A_17, %dma_start3A_50] : memref<10016x64xf32, #tpu.memory_space<vmem_shared>> -> memref<96x64xf32, #tpu.memory_space<vmem_shared>>
      tpu.enqueue_dma source(%arg15 : memref<96x64xf32, #tpu.memory_space<vmem>>) target(%dma_start3A_51 : memref<96x64xf32, #tpu.memory_space<vmem_shared>>) target_semaphore(%run_scoped3A : memref<!tpu.dma_semaphore, #tpu.memory_space<semaphore_mem>>)
      %dma_wait3A_52 = arith.constant 0 : i32
      %dma_wait3A_53 = tpu.memref_slice %arg6[%add3A_17, %dma_wait3A_52] : memref<10016x64xf32, #tpu.memory_space<vmem_shared>> -> memref<96x64xf32, #tpu.memory_space<vmem_shared>>
      %dma_wait3A_54 = arith.constant 0 : i32
      %dma_wait3A_55 = tpu.memref_slice %arg6[%add3A_17, %dma_wait3A_54] : memref<10016x64xf32, #tpu.memory_space<vmem_shared>> -> memref<96x64xf32, #tpu.memory_space<vmem_shared>>
      tpu.wait_dma2 semaphore(%run_scoped3A : memref<!tpu.dma_semaphore, #tpu.memory_space<semaphore_mem>>) src(%arg15 : memref<96x64xf32, #tpu.memory_space<vmem>>) dst(%dma_wait3A_55 : memref<96x64xf32, #tpu.memory_space<vmem_shared>>)
      tpu.yield
    }) : () -> ()
    %add3A_18 = arith.constant 480 : i32
    %add3A_19 = arith.addi %mul3A_7, %add3A_18 : i32
    "tpu.region"() ({
      %run_scoped3A = tpu.sem_alloc : memref<!tpu.dma_semaphore, #tpu.memory_space<semaphore_mem>>
      %dma_start3A_48 = arith.constant 0 : i32
      %dma_start3A_49 = tpu.memref_slice %arg6[%add3A_19, %dma_start3A_48] : memref<10016x64xf32, #tpu.memory_space<vmem_shared>> -> memref<96x64xf32, #tpu.memory_space<vmem_shared>>
      %dma_start3A_50 = arith.constant 0 : i32
      %dma_start3A_51 = tpu.memref_slice %arg6[%add3A_19, %dma_start3A_50] : memref<10016x64xf32, #tpu.memory_space<vmem_shared>> -> memref<96x64xf32, #tpu.memory_space<vmem_shared>>
      tpu.enqueue_dma source(%arg15 : memref<96x64xf32, #tpu.memory_space<vmem>>) target(%dma_start3A_51 : memref<96x64xf32, #tpu.memory_space<vmem_shared>>) target_semaphore(%run_scoped3A : memref<!tpu.dma_semaphore, #tpu.memory_space<semaphore_mem>>)
      %dma_wait3A_52 = arith.constant 0 : i32
      %dma_wait3A_53 = tpu.memref_slice %arg6[%add3A_19, %dma_wait3A_52] : memref<10016x64xf32, #tpu.memory_space<vmem_shared>> -> memref<96x64xf32, #tpu.memory_space<vmem_shared>>
      %dma_wait3A_54 = arith.constant 0 : i32
      %dma_wait3A_55 = tpu.memref_slice %arg6[%add3A_19, %dma_wait3A_54] : memref<10016x64xf32, #tpu.memory_space<vmem_shared>> -> memref<96x64xf32, #tpu.memory_space<vmem_shared>>
      tpu.wait_dma2 semaphore(%run_scoped3A : memref<!tpu.dma_semaphore, #tpu.memory_space<semaphore_mem>>) src(%arg15 : memref<96x64xf32, #tpu.memory_space<vmem>>) dst(%dma_wait3A_55 : memref<96x64xf32, #tpu.memory_space<vmem_shared>>)
      tpu.yield
    }) : () -> ()
    %add3A_20 = arith.constant 576 : i32
    %add3A_21 = arith.addi %mul3A_7, %add3A_20 : i32
    "tpu.region"() ({
      %run_scoped3A = tpu.sem_alloc : memref<!tpu.dma_semaphore, #tpu.memory_space<semaphore_mem>>
      %dma_start3A_48 = arith.constant 0 : i32
      %dma_start3A_49 = arith.constant 0 : i32
      %dma_start3A_50 = tpu.memref_slice %arg15[%dma_start3A_48, %dma_start3A_49] : memref<96x64xf32, #tpu.memory_space<vmem>> -> memref<50x64xf32, #tpu.memory_space<vmem>>
      %dma_start3A_51 = arith.constant 0 : i32
      %dma_start3A_52 = tpu.memref_slice %arg6[%add3A_21, %dma_start3A_51] : memref<10016x64xf32, #tpu.memory_space<vmem_shared>> -> memref<50x64xf32, #tpu.memory_space<vmem_shared>>
      %dma_start3A_53 = arith.constant 0 : i32
      %dma_start3A_54 = tpu.memref_slice %arg6[%add3A_21, %dma_start3A_53] : memref<10016x64xf32, #tpu.memory_space<vmem_shared>> -> memref<50x64xf32, #tpu.memory_space<vmem_shared>>
      %dma_start3A_55 = arith.constant 0 : i32
      %dma_start3A_56 = arith.constant 0 : i32
      %dma_start3A_57 = tpu.memref_slice %arg15[%dma_start3A_55, %dma_start3A_56] : memref<96x64xf32, #tpu.memory_space<vmem>> -> memref<50x64xf32, #tpu.memory_space<vmem>>
      tpu.enqueue_dma source(%dma_start3A_57 : memref<50x64xf32, #tpu.memory_space<vmem>>) target(%dma_start3A_54 : memref<50x64xf32, #tpu.memory_space<vmem_shared>>) target_semaphore(%run_scoped3A : memref<!tpu.dma_semaphore, #tpu.memory_space<semaphore_mem>>)
      %dma_wait3A_58 = arith.constant 0 : i32
      %dma_wait3A_59 = arith.constant 0 : i32
      %dma_wait3A_60 = tpu.memref_slice %arg15[%dma_wait3A_58, %dma_wait3A_59] : memref<96x64xf32, #tpu.memory_space<vmem>> -> memref<50x64xf32, #tpu.memory_space<vmem>>
      %dma_wait3A_61 = arith.constant 0 : i32
      %dma_wait3A_62 = tpu.memref_slice %arg6[%add3A_21, %dma_wait3A_61] : memref<10016x64xf32, #tpu.memory_space<vmem_shared>> -> memref<50x64xf32, #tpu.memory_space<vmem_shared>>
      %dma_wait3A_63 = arith.constant 0 : i32
      %dma_wait3A_64 = tpu.memref_slice %arg6[%add3A_21, %dma_wait3A_63] : memref<10016x64xf32, #tpu.memory_space<vmem_shared>> -> memref<50x64xf32, #tpu.memory_space<vmem_shared>>
      %dma_wait3A_65 = arith.constant 0 : i32
      %dma_wait3A_66 = arith.constant 0 : i32
      %dma_wait3A_67 = tpu.memref_slice %arg15[%dma_wait3A_65, %dma_wait3A_66] : memref<96x64xf32, #tpu.memory_space<vmem>> -> memref<50x64xf32, #tpu.memory_space<vmem>>
      tpu.wait_dma2 semaphore(%run_scoped3A : memref<!tpu.dma_semaphore, #tpu.memory_space<semaphore_mem>>) src(%dma_wait3A_67 : memref<50x64xf32, #tpu.memory_space<vmem>>) dst(%dma_wait3A_64 : memref<50x64xf32, #tpu.memory_space<vmem_shared>>)
      tpu.yield
    }) : () -> ()
    %barrier3A = arith.constant 0 : index
    tpu.barrier barrier_id(%barrier3A)
    %dma_start3A = arith.constant 0 : i32
    %dma_start3A_22 = arith.constant 0 : i32
    %dma_start3A_23 = tpu.memref_slice %arg7[%dma_start3A, %dma_start3A_22] : memref<106x96xi32, #tpu.memory_space<vmem>> -> memref<1x96xi32, #tpu.memory_space<vmem>>
    %dma_start3A_24 = tpu.memref_squeeze %dma_start3A_23 : memref<1x96xi32, #tpu.memory_space<vmem>> -> memref<96xi32, #tpu.memory_space<vmem>>
    %dma_start3A_25 = arith.constant 0 : i32
    %dma_start3A_26 = arith.constant 0 : i32
    %dma_start3A_27 = tpu.memref_slice %arg2[%dma_start3A_25, %dma_start3A_26] : memref<10000x64xbf16, #tpu.memory_space<hbm>> -> memref<10000x64xbf16, #tpu.memory_space<hbm>>
    tpu.enqueue_indirect_dma source(%dma_start3A_27 : memref<10000x64xbf16, #tpu.memory_space<hbm>>) target(%arg13 : memref<96x64xbf16, #tpu.memory_space<vmem>>) offsets(%dma_start3A_24 : memref<96xi32, #tpu.memory_space<vmem>>) semaphore(%arg17 : memref<!tpu.dma_semaphore, #tpu.memory_space<semaphore_mem>>)
    %scan3A_28 = arith.constant 0 : i32
    %scan3A_29 = arith.constant 0 : i32
    %scan3A_30 = arith.constant 53 : i32
    %scan3A_31 = arith.addi %scan3A_29, %scan3A_30 : i32
    %scan3A_32 = arith.constant 1 : i32
    scf.for %scan3A_48 = %scan3A_29 to %scan3A_31 step %scan3A_32  : i32 {
      %mul3A_49 = arith.constant 2 : i32
      %mul3A_50 = arith.muli %mul3A_49, %scan3A_48 : i32
      %add3A_51 = arith.constant 1 : i32
      %add3A_52 = arith.addi %mul3A_50, %add3A_51 : i32
      %dma_start3A_53 = arith.constant 0 : i32
      %dma_start3A_54 = tpu.memref_slice %arg7[%add3A_52, %dma_start3A_53] : memref<106x96xi32, #tpu.memory_space<vmem>> -> memref<1x96xi32, #tpu.memory_space<vmem>>
      %dma_start3A_55 = tpu.memref_squeeze %dma_start3A_54 : memref<1x96xi32, #tpu.memory_space<vmem>> -> memref<96xi32, #tpu.memory_space<vmem>>
      %dma_start3A_56 = arith.constant 0 : i32
      %dma_start3A_57 = arith.constant 0 : i32
      %dma_start3A_58 = tpu.memref_slice %arg2[%dma_start3A_56, %dma_start3A_57] : memref<10000x64xbf16, #tpu.memory_space<hbm>> -> memref<10000x64xbf16, #tpu.memory_space<hbm>>
      tpu.enqueue_indirect_dma source(%dma_start3A_58 : memref<10000x64xbf16, #tpu.memory_space<hbm>>) target(%arg14 : memref<96x64xbf16, #tpu.memory_space<vmem>>) offsets(%dma_start3A_55 : memref<96xi32, #tpu.memory_space<vmem>>) semaphore(%arg18 : memref<!tpu.dma_semaphore, #tpu.memory_space<semaphore_mem>>)
      %dma_wait3A_59 = arith.constant 0 : i32
      %dma_wait3A_60 = arith.constant 0 : i32
      %dma_wait3A_61 = tpu.memref_slice %arg2[%dma_wait3A_59, %dma_wait3A_60] : memref<10000x64xbf16, #tpu.memory_space<hbm>> -> memref<96x64xbf16, #tpu.memory_space<hbm>>
      %dma_wait3A_62 = arith.constant 0 : i32
      %dma_wait3A_63 = arith.constant 0 : i32
      %dma_wait3A_64 = tpu.memref_slice %arg2[%dma_wait3A_62, %dma_wait3A_63] : memref<10000x64xbf16, #tpu.memory_space<hbm>> -> memref<96x64xbf16, #tpu.memory_space<hbm>>
      tpu.wait_dma2 semaphore(%arg17 : memref<!tpu.dma_semaphore, #tpu.memory_space<semaphore_mem>>) src(%dma_wait3A_64 : memref<96x64xbf16, #tpu.memory_space<hbm>>) dst(%arg13 : memref<96x64xbf16, #tpu.memory_space<vmem>>)
      %gt3A = arith.constant 0 : i32
      %gt3A_65 = arith.cmpi sgt, %scan3A_48, %gt3A : i32
      %convert_element_type3A = arith.extui %gt3A_65 : i1 to i32
      %cond3A = arith.constant 0 : i32
      %cond3A_66 = arith.cmpi ne, %convert_element_type3A, %cond3A : i32
      scf.if %cond3A_66 {
        %dma_wait3A_110 = arith.constant 0 : i32
        %dma_wait3A_111 = arith.constant 0 : i32
        %dma_wait3A_112 = tpu.memref_slice %arg6[%dma_wait3A_110, %dma_wait3A_111] : memref<10016x64xf32, #tpu.memory_space<vmem_shared>> -> memref<96x64xf32, #tpu.memory_space<vmem_shared>>
        %dma_wait3A_113 = arith.constant 0 : i32
        %dma_wait3A_114 = arith.constant 0 : i32
        %dma_wait3A_115 = tpu.memref_slice %arg6[%dma_wait3A_113, %dma_wait3A_114] : memref<10016x64xf32, #tpu.memory_space<vmem_shared>> -> memref<96x64xf32, #tpu.memory_space<vmem_shared>>
        tpu.wait_dma2 semaphore(%arg19 : memref<!tpu.dma_semaphore, #tpu.memory_space<semaphore_mem>>) src(%arg15 : memref<96x64xf32, #tpu.memory_space<vmem>>) dst(%dma_wait3A_115 : memref<96x64xf32, #tpu.memory_space<vmem_shared>>)
      } else {
      }
      %scan3A_67 = arith.constant 0 : i32
      %scan3A_68 = arith.constant 0 : i32
      %scan3A_69 = arith.constant 96 : i32
      %scan3A_70 = arith.addi %scan3A_68, %scan3A_69 : i32
      %scan3A_71 = arith.constant 1 : i32
      scf.for %scan3A_110 = %scan3A_68 to %scan3A_70 step %scan3A_71  : i32 {
        %get3A = arith.index_cast %scan3A_110 : i32 to index
        %get3A_111 = arith.constant 0 : index
        %get3A_112 = tpu.vector_load %arg13[%get3A, %get3A_111] {strides = array<i32>} : memref<96x64xbf16, #tpu.memory_space<vmem>>, vector<32xbf16>,
        %unpack3A = tpu.unpack_subelements %get3A_112, 0 {pack_format = #tpu.pack_format<interleaved>} : vector<32xbf16> -> vector<16xf32>
        %unpack3A_113 = tpu.unpack_subelements %get3A_112, 1 {pack_format = #tpu.pack_format<interleaved>} : vector<32xbf16> -> vector<16xf32>
        %swap3A = arith.index_cast %scan3A_110 : i32 to index
        %swap3A_114 = arith.constant 0 : index
        %swap3A_115 = tpu.vector_load %arg15[%swap3A, %swap3A_114] {strides = array<i32>} : memref<96x64xf32, #tpu.memory_space<vmem>>, vector<16xf32>,
        tpu.vector_store %arg15[%swap3A, %swap3A_114], %unpack3A {strides = array<i32>} : memref<96x64xf32, #tpu.memory_space<vmem>>, vector<16xf32>,
        %swap3A_116 = arith.index_cast %scan3A_110 : i32 to index
        %swap3A_117 = arith.constant 16 : index
        %swap3A_118 = tpu.vector_load %arg15[%swap3A_116, %swap3A_117] {strides = array<i32>} : memref<96x64xf32, #tpu.memory_space<vmem>>, vector<16xf32>,
        tpu.vector_store %arg15[%swap3A_116, %swap3A_117], %unpack3A_113 {strides = array<i32>} : memref<96x64xf32, #tpu.memory_space<vmem>>, vector<16xf32>,
        %get3A_119 = arith.index_cast %scan3A_110 : i32 to index
        %get3A_120 = arith.constant 32 : index
        %get3A_121 = tpu.vector_load %arg13[%get3A_119, %get3A_120] {strides = array<i32>} : memref<96x64xbf16, #tpu.memory_space<vmem>>, vector<32xbf16>,
        %unpack3A_122 = tpu.unpack_subelements %get3A_121, 0 {pack_format = #tpu.pack_format<interleaved>} : vector<32xbf16> -> vector<16xf32>
        %unpack3A_123 = tpu.unpack_subelements %get3A_121, 1 {pack_format = #tpu.pack_format<interleaved>} : vector<32xbf16> -> vector<16xf32>
        %swap3A_124 = arith.index_cast %scan3A_110 : i32 to index
        %swap3A_125 = arith.constant 32 : index
        %swap3A_126 = tpu.vector_load %arg15[%swap3A_124, %swap3A_125] {strides = array<i32>} : memref<96x64xf32, #tpu.memory_space<vmem>>, vector<16xf32>,
        tpu.vector_store %arg15[%swap3A_124, %swap3A_125], %unpack3A_122 {strides = array<i32>} : memref<96x64xf32, #tpu.memory_space<vmem>>, vector<16xf32>,
        %swap3A_127 = arith.index_cast %scan3A_110 : i32 to index
        %swap3A_128 = arith.constant 48 : index
        %swap3A_129 = tpu.vector_load %arg15[%swap3A_127, %swap3A_128] {strides = array<i32>} : memref<96x64xf32, #tpu.memory_space<vmem>>, vector<16xf32>,
        tpu.vector_store %arg15[%swap3A_127, %swap3A_128], %unpack3A_123 {strides = array<i32>} : memref<96x64xf32, #tpu.memory_space<vmem>>, vector<16xf32>,
      }
      %scan3A_72 = arith.constant 96 : i32
      %dma_start3A_73 = arith.constant 0 : i32
      %dma_start3A_74 = tpu.memref_slice %arg8[%mul3A_50, %dma_start3A_73] : memref<106x96xi32, #tpu.memory_space<vmem>> -> memref<1x96xi32, #tpu.memory_space<vmem>>
      %dma_start3A_75 = tpu.memref_squeeze %dma_start3A_74 : memref<1x96xi32, #tpu.memory_space<vmem>> -> memref<96xi32, #tpu.memory_space<vmem>>
      %dma_start3A_76 = arith.constant 0 : i32
      %dma_start3A_77 = arith.constant 0 : i32
      %dma_start3A_78 = tpu.memref_slice %arg6[%dma_start3A_76, %dma_start3A_77] : memref<10016x64xf32, #tpu.memory_space<vmem_shared>> -> memref<10016x64xf32, #tpu.memory_space<vmem_shared>>
      tpu.enqueue_indirect_dma source(%arg15 : memref<96x64xf32, #tpu.memory_space<vmem>>) target(%dma_start3A_78 : memref<10016x64xf32, #tpu.memory_space<vmem_shared>>) offsets(%dma_start3A_75 : memref<96xi32, #tpu.memory_space<vmem>>) semaphore(%arg19 : memref<!tpu.dma_semaphore, #tpu.memory_space<semaphore_mem>>) {add = true}
      %add3A_79 = arith.constant 1 : i32
      %add3A_80 = arith.addi %scan3A_48, %add3A_79 : i32
      %lt3A = arith.constant 53 : i32
      %lt3A_81 = arith.cmpi slt, %add3A_80, %lt3A : i32
      %convert_element_type3A_82 = arith.extui %lt3A_81 : i1 to i32
      %cond3A_83 = arith.constant 0 : i32
      %cond3A_84 = arith.cmpi ne, %convert_element_type3A_82, %cond3A_83 : i32
      scf.if %cond3A_84 {
        %add3A_110 = arith.constant 2 : i32
        %add3A_111 = arith.addi %mul3A_50, %add3A_110 : i32
        %dma_start3A_112 = arith.constant 0 : i32
        %dma_start3A_113 = tpu.memref_slice %arg7[%add3A_111, %dma_start3A_112] : memref<106x96xi32, #tpu.memory_space<vmem>> -> memref<1x96xi32, #tpu.memory_space<vmem>>
        %dma_start3A_114 = tpu.memref_squeeze %dma_start3A_113 : memref<1x96xi32, #tpu.memory_space<vmem>> -> memref<96xi32, #tpu.memory_space<vmem>>
        %dma_start3A_115 = arith.constant 0 : i32
        %dma_start3A_116 = arith.constant 0 : i32
        %dma_start3A_117 = tpu.memref_slice %arg2[%dma_start3A_115, %dma_start3A_116] : memref<10000x64xbf16, #tpu.memory_space<hbm>> -> memref<10000x64xbf16, #tpu.memory_space<hbm>>
        tpu.enqueue_indirect_dma source(%dma_start3A_117 : memref<10000x64xbf16, #tpu.memory_space<hbm>>) target(%arg13 : memref<96x64xbf16, #tpu.memory_space<vmem>>) offsets(%dma_start3A_114 : memref<96xi32, #tpu.memory_space<vmem>>) semaphore(%arg17 : memref<!tpu.dma_semaphore, #tpu.memory_space<semaphore_mem>>)
      } else {
      }
      %dma_wait3A_85 = arith.constant 0 : i32
      %dma_wait3A_86 = arith.constant 0 : i32
      %dma_wait3A_87 = tpu.memref_slice %arg2[%dma_wait3A_85, %dma_wait3A_86] : memref<10000x64xbf16, #tpu.memory_space<hbm>> -> memref<96x64xbf16, #tpu.memory_space<hbm>>
      %dma_wait3A_88 = arith.constant 0 : i32
      %dma_wait3A_89 = arith.constant 0 : i32
      %dma_wait3A_90 = tpu.memref_slice %arg2[%dma_wait3A_88, %dma_wait3A_89] : memref<10000x64xbf16, #tpu.memory_space<hbm>> -> memref<96x64xbf16, #tpu.memory_space<hbm>>
      tpu.wait_dma2 semaphore(%arg18 : memref<!tpu.dma_semaphore, #tpu.memory_space<semaphore_mem>>) src(%dma_wait3A_90 : memref<96x64xbf16, #tpu.memory_space<hbm>>) dst(%arg14 : memref<96x64xbf16, #tpu.memory_space<vmem>>)
      %gt3A_91 = arith.constant 0 : i32
      %gt3A_92 = arith.cmpi sgt, %scan3A_48, %gt3A_91 : i32
      %convert_element_type3A_93 = arith.extui %gt3A_92 : i1 to i32
      %cond3A_94 = arith.constant 0 : i32
      %cond3A_95 = arith.cmpi ne, %convert_element_type3A_93, %cond3A_94 : i32
      scf.if %cond3A_95 {
        %dma_wait3A_110 = arith.constant 0 : i32
        %dma_wait3A_111 = arith.constant 0 : i32
        %dma_wait3A_112 = tpu.memref_slice %arg6[%dma_wait3A_110, %dma_wait3A_111] : memref<10016x64xf32, #tpu.memory_space<vmem_shared>> -> memref<96x64xf32, #tpu.memory_space<vmem_shared>>
        %dma_wait3A_113 = arith.constant 0 : i32
        %dma_wait3A_114 = arith.constant 0 : i32
        %dma_wait3A_115 = tpu.memref_slice %arg6[%dma_wait3A_113, %dma_wait3A_114] : memref<10016x64xf32, #tpu.memory_space<vmem_shared>> -> memref<96x64xf32, #tpu.memory_space<vmem_shared>>
        tpu.wait_dma2 semaphore(%arg20 : memref<!tpu.dma_semaphore, #tpu.memory_space<semaphore_mem>>) src(%arg16 : memref<96x64xf32, #tpu.memory_space<vmem>>) dst(%dma_wait3A_115 : memref<96x64xf32, #tpu.memory_space<vmem_shared>>)
      } else {
      }
      %scan3A_96 = arith.constant 0 : i32
      %scan3A_97 = arith.constant 0 : i32
      %scan3A_98 = arith.constant 96 : i32
      %scan3A_99 = arith.addi %scan3A_97, %scan3A_98 : i32
      %scan3A_100 = arith.constant 1 : i32
      scf.for %scan3A_110 = %scan3A_97 to %scan3A_99 step %scan3A_100  : i32 {
        %get3A = arith.index_cast %scan3A_110 : i32 to index
        %get3A_111 = arith.constant 0 : index
        %get3A_112 = tpu.vector_load %arg14[%get3A, %get3A_111] {strides = array<i32>} : memref<96x64xbf16, #tpu.memory_space<vmem>>, vector<32xbf16>,
        %unpack3A = tpu.unpack_subelements %get3A_112, 0 {pack_format = #tpu.pack_format<interleaved>} : vector<32xbf16> -> vector<16xf32>
        %unpack3A_113 = tpu.unpack_subelements %get3A_112, 1 {pack_format = #tpu.pack_format<interleaved>} : vector<32xbf16> -> vector<16xf32>
        %swap3A = arith.index_cast %scan3A_110 : i32 to index
        %swap3A_114 = arith.constant 0 : index
        %swap3A_115 = tpu.vector_load %arg16[%swap3A, %swap3A_114] {strides = array<i32>} : memref<96x64xf32, #tpu.memory_space<vmem>>, vector<16xf32>,
        tpu.vector_store %arg16[%swap3A, %swap3A_114], %unpack3A {strides = array<i32>} : memref<96x64xf32, #tpu.memory_space<vmem>>, vector<16xf32>,
        %swap3A_116 = arith.index_cast %scan3A_110 : i32 to index
        %swap3A_117 = arith.constant 16 : index
        %swap3A_118 = tpu.vector_load %arg16[%swap3A_116, %swap3A_117] {strides = array<i32>} : memref<96x64xf32, #tpu.memory_space<vmem>>, vector<16xf32>,
        tpu.vector_store %arg16[%swap3A_116, %swap3A_117], %unpack3A_113 {strides = array<i32>} : memref<96x64xf32, #tpu.memory_space<vmem>>, vector<16xf32>,
        %get3A_119 = arith.index_cast %scan3A_110 : i32 to index
        %get3A_120 = arith.constant 32 : index
        %get3A_121 = tpu.vector_load %arg14[%get3A_119, %get3A_120] {strides = array<i32>} : memref<96x64xbf16, #tpu.memory_space<vmem>>, vector<32xbf16>,
        %unpack3A_122 = tpu.unpack_subelements %get3A_121, 0 {pack_format = #tpu.pack_format<interleaved>} : vector<32xbf16> -> vector<16xf32>
        %unpack3A_123 = tpu.unpack_subelements %get3A_121, 1 {pack_format = #tpu.pack_format<interleaved>} : vector<32xbf16> -> vector<16xf32>
        %swap3A_124 = arith.index_cast %scan3A_110 : i32 to index
        %swap3A_125 = arith.constant 32 : index
        %swap3A_126 = tpu.vector_load %arg16[%swap3A_124, %swap3A_125] {strides = array<i32>} : memref<96x64xf32, #tpu.memory_space<vmem>>, vector<16xf32>,
        tpu.vector_store %arg16[%swap3A_124, %swap3A_125], %unpack3A_122 {strides = array<i32>} : memref<96x64xf32, #tpu.memory_space<vmem>>, vector<16xf32>,
        %swap3A_127 = arith.index_cast %scan3A_110 : i32 to index
        %swap3A_128 = arith.constant 48 : index
        %swap3A_129 = tpu.vector_load %arg16[%swap3A_127, %swap3A_128] {strides = array<i32>} : memref<96x64xf32, #tpu.memory_space<vmem>>, vector<16xf32>,
        tpu.vector_store %arg16[%swap3A_127, %swap3A_128], %unpack3A_123 {strides = array<i32>} : memref<96x64xf32, #tpu.memory_space<vmem>>, vector<16xf32>,
      }
      %scan3A_101 = arith.constant 96 : i32
      %add3A_102 = arith.constant 1 : i32
      %add3A_103 = arith.addi %mul3A_50, %add3A_102 : i32
      %dma_start3A_104 = arith.constant 0 : i32
      %dma_start3A_105 = tpu.memref_slice %arg8[%add3A_103, %dma_start3A_104] : memref<106x96xi32, #tpu.memory_space<vmem>> -> memref<1x96xi32, #tpu.memory_space<vmem>>
      %dma_start3A_106 = tpu.memref_squeeze %dma_start3A_105 : memref<1x96xi32, #tpu.memory_space<vmem>> -> memref<96xi32, #tpu.memory_space<vmem>>
      %dma_start3A_107 = arith.constant 0 : i32
      %dma_start3A_108 = arith.constant 0 : i32
      %dma_start3A_109 = tpu.memref_slice %arg6[%dma_start3A_107, %dma_start3A_108] : memref<10016x64xf32, #tpu.memory_space<vmem_shared>> -> memref<10016x64xf32, #tpu.memory_space<vmem_shared>>
      tpu.enqueue_indirect_dma source(%arg16 : memref<96x64xf32, #tpu.memory_space<vmem>>) target(%dma_start3A_109 : memref<10016x64xf32, #tpu.memory_space<vmem_shared>>) offsets(%dma_start3A_106 : memref<96xi32, #tpu.memory_space<vmem>>) semaphore(%arg20 : memref<!tpu.dma_semaphore, #tpu.memory_space<semaphore_mem>>) {add = true}
    }
    %scan3A_33 = arith.constant 53 : i32
    %dma_wait3A = arith.constant 0 : i32
    %dma_wait3A_34 = arith.constant 0 : i32
    %dma_wait3A_35 = tpu.memref_slice %arg6[%dma_wait3A, %dma_wait3A_34] : memref<10016x64xf32, #tpu.memory_space<vmem_shared>> -> memref<96x64xf32, #tpu.memory_space<vmem_shared>>
    %dma_wait3A_36 = arith.constant 0 : i32
    %dma_wait3A_37 = arith.constant 0 : i32
    %dma_wait3A_38 = tpu.memref_slice %arg6[%dma_wait3A_36, %dma_wait3A_37] : memref<10016x64xf32, #tpu.memory_space<vmem_shared>> -> memref<96x64xf32, #tpu.memory_space<vmem_shared>>
    tpu.wait_dma2 semaphore(%arg19 : memref<!tpu.dma_semaphore, #tpu.memory_space<semaphore_mem>>) src(%arg15 : memref<96x64xf32, #tpu.memory_space<vmem>>) dst(%dma_wait3A_38 : memref<96x64xf32, #tpu.memory_space<vmem_shared>>)
    %dma_wait3A_39 = arith.constant 0 : i32
    %dma_wait3A_40 = arith.constant 0 : i32
    %dma_wait3A_41 = tpu.memref_slice %arg6[%dma_wait3A_39, %dma_wait3A_40] : memref<10016x64xf32, #tpu.memory_space<vmem_shared>> -> memref<96x64xf32, #tpu.memory_space<vmem_shared>>
    %dma_wait3A_42 = arith.constant 0 : i32
    %dma_wait3A_43 = arith.constant 0 : i32
    %dma_wait3A_44 = tpu.memref_slice %arg6[%dma_wait3A_42, %dma_wait3A_43] : memref<10016x64xf32, #tpu.memory_space<vmem_shared>> -> memref<96x64xf32, #tpu.memory_space<vmem_shared>>
    tpu.wait_dma2 semaphore(%arg20 : memref<!tpu.dma_semaphore, #tpu.memory_space<semaphore_mem>>) src(%arg16 : memref<96x64xf32, #tpu.memory_space<vmem>>) dst(%dma_wait3A_44 : memref<96x64xf32, #tpu.memory_space<vmem_shared>>)
    %barrier3A_45 = arith.constant 0 : index
    tpu.barrier barrier_id(%barrier3A_45)
    %mul3A_46 = arith.constant 625 : i32
    %mul3A_47 = arith.muli %arg1, %mul3A_46 : i32
    "tpu.region"() ({
      %run_scoped3A = tpu.sem_alloc : memref<!tpu.dma_semaphore, #tpu.memory_space<semaphore_mem>>
      %dma_start3A_48 = arith.constant 0 : i32
      %dma_start3A_49 = tpu.memref_slice %arg5[%arg0, %mul3A_47, %dma_start3A_48] : memref<2x10000x64xf32, #tpu.memory_space<hbm>> -> memref<1x625x64xf32, #tpu.memory_space<hbm>>
      %dma_start3A_50 = tpu.memref_squeeze %dma_start3A_49 : memref<1x625x64xf32, #tpu.memory_space<hbm>> -> memref<625x64xf32, #tpu.memory_space<hbm>>
      %dma_start3A_51 = arith.constant 0 : i32
      %dma_start3A_52 = tpu.memref_slice %arg6[%mul3A_47, %dma_start3A_51] : memref<10016x64xf32, #tpu.memory_space<vmem_shared>> -> memref<625x64xf32, #tpu.memory_space<vmem_shared>>
      tpu.enqueue_dma source(%dma_start3A_52 : memref<625x64xf32, #tpu.memory_space<vmem_shared>>) target(%dma_start3A_50 : memref<625x64xf32, #tpu.memory_space<hbm>>) target_semaphore(%run_scoped3A : memref<!tpu.dma_semaphore, #tpu.memory_space<semaphore_mem>>)
      %dma_wait3A_53 = arith.constant 0 : i32
      %dma_wait3A_54 = tpu.memref_slice %arg5[%arg0, %mul3A_47, %dma_wait3A_53] : memref<2x10000x64xf32, #tpu.memory_space<hbm>> -> memref<1x625x64xf32, #tpu.memory_space<hbm>>
      %dma_wait3A_55 = tpu.memref_squeeze %dma_wait3A_54 : memref<1x625x64xf32, #tpu.memory_space<hbm>> -> memref<625x64xf32, #tpu.memory_space<hbm>>
      %dma_wait3A_56 = arith.constant 0 : i32
      %dma_wait3A_57 = tpu.memref_slice %arg6[%mul3A_47, %dma_wait3A_56] : memref<10016x64xf32, #tpu.memory_space<vmem_shared>> -> memref<625x64xf32, #tpu.memory_space<vmem_shared>>
      tpu.wait_dma2 semaphore(%run_scoped3A : memref<!tpu.dma_semaphore, #tpu.memory_space<semaphore_mem>>) src(%dma_wait3A_57 : memref<625x64xf32, #tpu.memory_space<vmem_shared>>) dst(%dma_wait3A_55 : memref<625x64xf32, #tpu.memory_space<hbm>>)
      tpu.yield
    }) : () -> ()
    return
  }
}

module attributes {stable_mosaic.version = 14 : i64} {
  func.func @_tc1_body(%arg0: i32, %arg1: memref<2000x128xf32, #tpu.memory_space<vmem>>, %arg2: memref<128x128xf32, #tpu.memory_space<vmem>>, %arg3: memref<2000x128xbf16, #tpu.memory_space<vmem>>) attributes {dimension_semantics = [#tpu.dimension_semantics<arbitrary>], iteration_bounds = array<i64: 5>, scalar_prefetch = 0 : i64, scratch_operands = 0 : i64, tpu.core_type = #tpu.core_type<tc>, window_params = [{transform_indices = @transform_0, window_bounds = array<i64: 2000, 128>}, {pipeline_mode = #tpu.pipeline_mode<synchronous>, transform_indices = @transform_1, window_bounds = array<i64: 128, 128>}, {transform_indices = @transform_2, window_bounds = array<i64: 2000, 128>}]} {
    %get3A = arith.constant 0 : index
    %get3A_0 = arith.constant 0 : index
    %get3A_1 = vector.load %arg1[%get3A, %get3A_0] : memref<2000x128xf32, #tpu.memory_space<vmem>>, vector<2000x128xf32>
    %get3A_2 = arith.constant 0 : index
    %get3A_3 = arith.constant 0 : index
    %get3A_4 = vector.load %arg2[%get3A_2, %get3A_3] : memref<128x128xf32, #tpu.memory_space<vmem>>, vector<128x128xf32>
    %dot_general3A = arith.constant dense<0.000000e+00> : vector<2000x128xf32>
    %dot_general3A_5 = tpu.matmul %get3A_1, %get3A_4, %dot_general3A {dimension_numbers = #tpu.dot_dimension_numbers<[1], [0], [0], [1], [0, 0, 1, 1], [], []>, transpose_lhs_hint = false} : vector<2000x128xf32>, vector<128x128xf32>, vector<2000x128xf32> -> vector<2000x128xf32>
    %convert_element_type3A = arith.truncf %dot_general3A_5 : vector<2000x128xf32> to vector<2000x128xbf16>
    %swap3A = arith.constant 0 : index
    %swap3A_6 = arith.constant 0 : index
    %swap3A_7 = vector.load %arg3[%swap3A, %swap3A_6] : memref<2000x128xbf16, #tpu.memory_space<vmem>>, vector<2000x128xbf16>
    tpu.vector_store %arg3[%swap3A, %swap3A_6], %convert_element_type3A {strides = array<i32>} : memref<2000x128xbf16, #tpu.memory_space<vmem>>, vector<2000x128xbf16>,
    return
  }
  func.func @transform_0(%arg0: i32) -> (i32, i32) {
    %c0_i32 = arith.constant 0 : i32
    %c0_i32_0 = arith.constant 0 : i32
    return %arg0, %c0_i32 : i32, i32
  }
  func.func @transform_1(%arg0: i32) -> (i32, i32) {
    %c0_i32 = arith.constant 0 : i32
    %c0_i32_0 = arith.constant 0 : i32
    %c0_i32_1 = arith.constant 0 : i32
    return %c0_i32, %c0_i32_0 : i32, i32
  }
  func.func @transform_2(%arg0: i32) -> (i32, i32) {
    %c0_i32 = arith.constant 0 : i32
    %c0_i32_0 = arith.constant 0 : i32
    return %arg0, %c0_i32 : i32, i32
  }
}

module attributes {stable_mosaic.version = 14 : i64} {
  func.func @_tc2_body(%arg0: i32, %arg1: memref<2000x144xf32, #tpu.memory_space<vmem>>, %arg2: memref<2000x144xf32, #tpu.memory_space<vmem>>, %arg3: memref<1x128xf32, #tpu.memory_space<vmem>>, %arg4: memref<128x128xf32, #tpu.memory_space<vmem>>, %arg5: memref<2000x128xbf16, #tpu.memory_space<vmem>>, %arg6: memref<2000x1xf32, #tpu.memory_space<vmem>>) attributes {dimension_semantics = [#tpu.dimension_semantics<arbitrary>], iteration_bounds = array<i64: 5>, scalar_prefetch = 0 : i64, scratch_operands = 0 : i64, tpu.core_type = #tpu.core_type<tc>, window_params = [{transform_indices = @transform_0, window_bounds = array<i64: 2000, 144>}, {transform_indices = @transform_1, window_bounds = array<i64: 2000, 144>}, {pipeline_mode = #tpu.pipeline_mode<synchronous>, transform_indices = @transform_2, window_bounds = array<i64: 1, 128>}, {pipeline_mode = #tpu.pipeline_mode<synchronous>, transform_indices = @transform_3, window_bounds = array<i64: 128, 128>}, {transform_indices = @transform_4, window_bounds = array<i64: 2000, 128>}, {transform_indices = @transform_5, window_bounds = array<i64: 2000, 1>}]} {
    %get3A = arith.constant 0 : index
    %get3A_0 = arith.constant 0 : index
    %get3A_1 = vector.load %arg1[%get3A, %get3A_0] : memref<2000x144xf32, #tpu.memory_space<vmem>>, vector<2000x144xf32>
    %get3A_2 = arith.constant 0 : index
    %get3A_3 = arith.constant 0 : index
    %get3A_4 = vector.load %arg2[%get3A_2, %get3A_3] : memref<2000x144xf32, #tpu.memory_space<vmem>>, vector<2000x144xf32>
    %slice3A = vector.extract_strided_slice %get3A_1 {offsets = [0, 128], sizes = [2000, 1], strides = [1, 1]} : vector<2000x144xf32> to vector<2000x1xf32>
    %slice3A_5 = vector.extract_strided_slice %get3A_4 {offsets = [0, 128], sizes = [2000, 1], strides = [1, 1]} : vector<2000x144xf32> to vector<2000x1xf32>
    %add3A = arith.addf %slice3A, %slice3A_5 : vector<2000x1xf32>
    %max3A = arith.constant 1.000000e+00 : f32
    %max3A_6 = vector.broadcast %max3A : f32 to vector<2000x1xf32>
    %max3A_7 = arith.maximumf %add3A, %max3A_6 : vector<2000x1xf32>
    %div3A = arith.constant 1.000000e+00 : f32
    %div3A_8 = vector.broadcast %div3A : f32 to vector<2000x1xf32>
    %div3A_9 = arith.divf %div3A_8, %max3A_7 : vector<2000x1xf32>
    %slice3A_10 = vector.extract_strided_slice %get3A_1 {offsets = [0, 0], sizes = [2000, 128], strides = [1, 1]} : vector<2000x144xf32> to vector<2000x128xf32>
    %slice3A_11 = vector.extract_strided_slice %get3A_4 {offsets = [0, 0], sizes = [2000, 128], strides = [1, 1]} : vector<2000x144xf32> to vector<2000x128xf32>
    %add3A_12 = arith.addf %slice3A_10, %slice3A_11 : vector<2000x128xf32>
    %mul3A = vector.broadcast %div3A_9 : vector<2000x1xf32> to vector<2000x128xf32>
    %mul3A_13 = arith.mulf %add3A_12, %mul3A : vector<2000x128xf32>
    %get3A_14 = arith.constant 0 : index
    %get3A_15 = arith.constant 0 : index
    %get3A_16 = vector.load %arg3[%get3A_14, %get3A_15] : memref<1x128xf32, #tpu.memory_space<vmem>>, vector<1x128xf32>
    %add3A_17 = vector.broadcast %get3A_16 : vector<1x128xf32> to vector<2000x128xf32>
    %add3A_18 = arith.addf %mul3A_13, %add3A_17 : vector<2000x128xf32>
    %max3A_19 = arith.constant 0.000000e+00 : f32
    %max3A_20 = vector.broadcast %max3A_19 : f32 to vector<2000x128xf32>
    %max3A_21 = arith.maximumf %add3A_18, %max3A_20 : vector<2000x128xf32>
    %get3A_22 = arith.constant 0 : index
    %get3A_23 = arith.constant 0 : index
    %get3A_24 = vector.load %arg4[%get3A_22, %get3A_23] : memref<128x128xf32, #tpu.memory_space<vmem>>, vector<128x128xf32>
    %dot_general3A = arith.constant dense<0.000000e+00> : vector<2000x128xf32>
    %dot_general3A_25 = tpu.matmul %max3A_21, %get3A_24, %dot_general3A {dimension_numbers = #tpu.dot_dimension_numbers<[1], [0], [0], [1], [0, 0, 1, 1], [], []>, transpose_lhs_hint = false} : vector<2000x128xf32>, vector<128x128xf32>, vector<2000x128xf32> -> vector<2000x128xf32>
    %convert_element_type3A = arith.truncf %dot_general3A_25 : vector<2000x128xf32> to vector<2000x128xbf16>
    %swap3A = arith.constant 0 : index
    %swap3A_26 = arith.constant 0 : index
    %swap3A_27 = vector.load %arg5[%swap3A, %swap3A_26] : memref<2000x128xbf16, #tpu.memory_space<vmem>>, vector<2000x128xbf16>
    tpu.vector_store %arg5[%swap3A, %swap3A_26], %convert_element_type3A {strides = array<i32>} : memref<2000x128xbf16, #tpu.memory_space<vmem>>, vector<2000x128xbf16>,
    %swap3A_28 = arith.constant 0 : index
    %swap3A_29 = arith.constant 0 : index
    %swap3A_30 = vector.load %arg6[%swap3A_28, %swap3A_29] : memref<2000x1xf32, #tpu.memory_space<vmem>>, vector<2000x1xf32>
    tpu.vector_store %arg6[%swap3A_28, %swap3A_29], %div3A_9 {strides = array<i32>} : memref<2000x1xf32, #tpu.memory_space<vmem>>, vector<2000x1xf32>,
    return
  }
  func.func @transform_0(%arg0: i32) -> (i32, i32) {
    %c0_i32 = arith.constant 0 : i32
    %c0_i32_0 = arith.constant 0 : i32
    return %arg0, %c0_i32 : i32, i32
  }
  func.func @transform_1(%arg0: i32) -> (i32, i32) {
    %c0_i32 = arith.constant 0 : i32
    %c0_i32_0 = arith.constant 0 : i32
    return %arg0, %c0_i32 : i32, i32
  }
  func.func @transform_2(%arg0: i32) -> (i32, i32) {
    %c0_i32 = arith.constant 0 : i32
    %c0_i32_0 = arith.constant 0 : i32
    %c0_i32_1 = arith.constant 0 : i32
    return %c0_i32, %c0_i32_0 : i32, i32
  }
  func.func @transform_3(%arg0: i32) -> (i32, i32) {
    %c0_i32 = arith.constant 0 : i32
    %c0_i32_0 = arith.constant 0 : i32
    %c0_i32_1 = arith.constant 0 : i32
    return %c0_i32, %c0_i32_0 : i32, i32
  }
  func.func @transform_4(%arg0: i32) -> (i32, i32) {
    %c0_i32 = arith.constant 0 : i32
    %c0_i32_0 = arith.constant 0 : i32
    return %arg0, %c0_i32 : i32, i32
  }
  func.func @transform_5(%arg0: i32) -> (i32, i32) {
    %c0_i32 = arith.constant 0 : i32
    %c0_i32_0 = arith.constant 0 : i32
    return %arg0, %c0_i32 : i32, i32
  }
}

module attributes {stable_mosaic.version = 14 : i64} {
  func.func @_tc3_body(%arg0: i32, %arg1: memref<2000x128xf32, #tpu.memory_space<vmem>>, %arg2: memref<2000x128xf32, #tpu.memory_space<vmem>>, %arg3: memref<2000x1xf32, #tpu.memory_space<vmem>>, %arg4: memref<1x128xf32, #tpu.memory_space<vmem>>, %arg5: memref<128x64xf32, #tpu.memory_space<vmem>>, %arg6: memref<2000x64xbf16, #tpu.memory_space<vmem>>) attributes {dimension_semantics = [#tpu.dimension_semantics<arbitrary>], iteration_bounds = array<i64: 5>, scalar_prefetch = 0 : i64, scratch_operands = 0 : i64, tpu.core_type = #tpu.core_type<tc>, window_params = [{transform_indices = @transform_0, window_bounds = array<i64: 2000, 128>}, {transform_indices = @transform_1, window_bounds = array<i64: 2000, 128>}, {transform_indices = @transform_2, window_bounds = array<i64: 2000, 1>}, {pipeline_mode = #tpu.pipeline_mode<synchronous>, transform_indices = @transform_3, window_bounds = array<i64: 1, 128>}, {pipeline_mode = #tpu.pipeline_mode<synchronous>, transform_indices = @transform_4, window_bounds = array<i64: 128, 64>}, {transform_indices = @transform_5, window_bounds = array<i64: 2000, 64>}]} {
    %get3A = arith.constant 0 : index
    %get3A_0 = arith.constant 0 : index
    %get3A_1 = vector.load %arg3[%get3A, %get3A_0] : memref<2000x1xf32, #tpu.memory_space<vmem>>, vector<2000x1xf32>
    %get3A_2 = arith.constant 0 : index
    %get3A_3 = arith.constant 0 : index
    %get3A_4 = vector.load %arg1[%get3A_2, %get3A_3] : memref<2000x128xf32, #tpu.memory_space<vmem>>, vector<2000x128xf32>
    %get3A_5 = arith.constant 0 : index
    %get3A_6 = arith.constant 0 : index
    %get3A_7 = vector.load %arg2[%get3A_5, %get3A_6] : memref<2000x128xf32, #tpu.memory_space<vmem>>, vector<2000x128xf32>
    %add3A = arith.addf %get3A_4, %get3A_7 : vector<2000x128xf32>
    %mul3A = vector.broadcast %get3A_1 : vector<2000x1xf32> to vector<2000x128xf32>
    %mul3A_8 = arith.mulf %add3A, %mul3A : vector<2000x128xf32>
    %get3A_9 = arith.constant 0 : index
    %get3A_10 = arith.constant 0 : index
    %get3A_11 = vector.load %arg4[%get3A_9, %get3A_10] : memref<1x128xf32, #tpu.memory_space<vmem>>, vector<1x128xf32>
    %add3A_12 = vector.broadcast %get3A_11 : vector<1x128xf32> to vector<2000x128xf32>
    %add3A_13 = arith.addf %mul3A_8, %add3A_12 : vector<2000x128xf32>
    %max3A = arith.constant 0.000000e+00 : f32
    %max3A_14 = vector.broadcast %max3A : f32 to vector<2000x128xf32>
    %max3A_15 = arith.maximumf %add3A_13, %max3A_14 : vector<2000x128xf32>
    %get3A_16 = arith.constant 0 : index
    %get3A_17 = arith.constant 0 : index
    %get3A_18 = vector.load %arg5[%get3A_16, %get3A_17] : memref<128x64xf32, #tpu.memory_space<vmem>>, vector<128x64xf32>
    %dot_general3A = arith.constant dense<0.000000e+00> : vector<2000x64xf32>
    %dot_general3A_19 = tpu.matmul %max3A_15, %get3A_18, %dot_general3A {dimension_numbers = #tpu.dot_dimension_numbers<[1], [0], [0], [1], [0, 0, 1, 1], [], []>, transpose_lhs_hint = false} : vector<2000x128xf32>, vector<128x64xf32>, vector<2000x64xf32> -> vector<2000x64xf32>
    %convert_element_type3A = arith.truncf %dot_general3A_19 : vector<2000x64xf32> to vector<2000x64xbf16>
    %swap3A = arith.constant 0 : index
    %swap3A_20 = arith.constant 0 : index
    %swap3A_21 = vector.load %arg6[%swap3A, %swap3A_20] : memref<2000x64xbf16, #tpu.memory_space<vmem>>, vector<2000x64xbf16>
    tpu.vector_store %arg6[%swap3A, %swap3A_20], %convert_element_type3A {strides = array<i32>} : memref<2000x64xbf16, #tpu.memory_space<vmem>>, vector<2000x64xbf16>,
    return
  }
  func.func @transform_0(%arg0: i32) -> (i32, i32) {
    %c0_i32 = arith.constant 0 : i32
    %c0_i32_0 = arith.constant 0 : i32
    return %arg0, %c0_i32 : i32, i32
  }
  func.func @transform_1(%arg0: i32) -> (i32, i32) {
    %c0_i32 = arith.constant 0 : i32
    %c0_i32_0 = arith.constant 0 : i32
    return %arg0, %c0_i32 : i32, i32
  }
  func.func @transform_2(%arg0: i32) -> (i32, i32) {
    %c0_i32 = arith.constant 0 : i32
    %c0_i32_0 = arith.constant 0 : i32
    return %arg0, %c0_i32 : i32, i32
  }
  func.func @transform_3(%arg0: i32) -> (i32, i32) {
    %c0_i32 = arith.constant 0 : i32
    %c0_i32_0 = arith.constant 0 : i32
    %c0_i32_1 = arith.constant 0 : i32
    return %c0_i32, %c0_i32_0 : i32, i32
  }
  func.func @transform_4(%arg0: i32) -> (i32, i32) {
    %c0_i32 = arith.constant 0 : i32
    %c0_i32_0 = arith.constant 0 : i32
    %c0_i32_1 = arith.constant 0 : i32
    return %c0_i32, %c0_i32_0 : i32, i32
  }
  func.func @transform_5(%arg0: i32) -> (i32, i32) {
    %c0_i32 = arith.constant 0 : i32
    %c0_i32_0 = arith.constant 0 : i32
    return %arg0, %c0_i32 : i32, i32
  }
}

module attributes {stable_mosaic.version = 14 : i64} {
  func.func @_tc4_body(%arg0: i32, %arg1: memref<2000x64xf32, #tpu.memory_space<vmem>>, %arg2: memref<2000x64xf32, #tpu.memory_space<vmem>>, %arg3: memref<2000x1xf32, #tpu.memory_space<vmem>>, %arg4: memref<1x64xf32, #tpu.memory_space<vmem>>, %arg5: memref<2000x64xf32, #tpu.memory_space<vmem>>) attributes {dimension_semantics = [#tpu.dimension_semantics<arbitrary>], iteration_bounds = array<i64: 5>, scalar_prefetch = 0 : i64, scratch_operands = 0 : i64, tpu.core_type = #tpu.core_type<tc>, window_params = [{transform_indices = @transform_0, window_bounds = array<i64: 2000, 64>}, {transform_indices = @transform_1, window_bounds = array<i64: 2000, 64>}, {transform_indices = @transform_2, window_bounds = array<i64: 2000, 1>}, {pipeline_mode = #tpu.pipeline_mode<synchronous>, transform_indices = @transform_3, window_bounds = array<i64: 1, 64>}, {transform_indices = @transform_4, window_bounds = array<i64: 2000, 64>}]} {
    %get3A = arith.constant 0 : index
    %get3A_0 = arith.constant 0 : index
    %get3A_1 = vector.load %arg1[%get3A, %get3A_0] : memref<2000x64xf32, #tpu.memory_space<vmem>>, vector<2000x64xf32>
    %get3A_2 = arith.constant 0 : index
    %get3A_3 = arith.constant 0 : index
    %get3A_4 = vector.load %arg2[%get3A_2, %get3A_3] : memref<2000x64xf32, #tpu.memory_space<vmem>>, vector<2000x64xf32>
    %add3A = arith.addf %get3A_1, %get3A_4 : vector<2000x64xf32>
    %get3A_5 = arith.constant 0 : index
    %get3A_6 = arith.constant 0 : index
    %get3A_7 = vector.load %arg3[%get3A_5, %get3A_6] : memref<2000x1xf32, #tpu.memory_space<vmem>>, vector<2000x1xf32>
    %mul3A = vector.broadcast %get3A_7 : vector<2000x1xf32> to vector<2000x64xf32>
    %mul3A_8 = arith.mulf %add3A, %mul3A : vector<2000x64xf32>
    %get3A_9 = arith.constant 0 : index
    %get3A_10 = arith.constant 0 : index
    %get3A_11 = vector.load %arg4[%get3A_9, %get3A_10] : memref<1x64xf32, #tpu.memory_space<vmem>>, vector<1x64xf32>
    %add3A_12 = vector.broadcast %get3A_11 : vector<1x64xf32> to vector<2000x64xf32>
    %add3A_13 = arith.addf %mul3A_8, %add3A_12 : vector<2000x64xf32>
    %swap3A = arith.constant 0 : index
    %swap3A_14 = arith.constant 0 : index
    %swap3A_15 = vector.load %arg5[%swap3A, %swap3A_14] : memref<2000x64xf32, #tpu.memory_space<vmem>>, vector<2000x64xf32>
    tpu.vector_store %arg5[%swap3A, %swap3A_14], %add3A_13 {strides = array<i32>} : memref<2000x64xf32, #tpu.memory_space<vmem>>, vector<2000x64xf32>,
    return
  }
  func.func @transform_0(%arg0: i32) -> (i32, i32) {
    %c0_i32 = arith.constant 0 : i32
    %c0_i32_0 = arith.constant 0 : i32
    return %arg0, %c0_i32 : i32, i32
  }
  func.func @transform_1(%arg0: i32) -> (i32, i32) {
    %c0_i32 = arith.constant 0 : i32
    %c0_i32_0 = arith.constant 0 : i32
    return %arg0, %c0_i32 : i32, i32
  }
  func.func @transform_2(%arg0: i32) -> (i32, i32) {
    %c0_i32 = arith.constant 0 : i32
    %c0_i32_0 = arith.constant 0 : i32
    return %arg0, %c0_i32 : i32, i32
  }
  func.func @transform_3(%arg0: i32) -> (i32, i32) {
    %c0_i32 = arith.constant 0 : i32
    %c0_i32_0 = arith.constant 0 : i32
    %c0_i32_1 = arith.constant 0 : i32
    return %c0_i32, %c0_i32_0 : i32, i32
  }
  func.func @transform_4(%arg0: i32) -> (i32, i32) {
    %c0_i32 = arith.constant 0 : i32
    %c0_i32_0 = arith.constant 0 : i32
    return %arg0, %c0_i32 : i32, i32
  }
}

</mosaic_0001>

<sc_bundles>
// kernel: kernel.12.cloned.1.call-start
scs
__scs_entry_jumppad:
0x0: {  	(pc) =	sbr.rel $0x88, $3  }
0x1: {  	(tag) =	ssettag $0x0;
	lr =	simm.s32 $0x1  }
0x2: {  	[smem:$0x3F99] =	sst lr;
	_ =	strace $0xD0000000  }
0x3: {  	_ = 	snop  }
0x4: {  	_ = 	snop  }
0x5: {  	_ = 	snop  }
0x6: {  	_ = 	snop  }
0x7: {  	_ = 	snop  }
__scs_overlays_trampoline_lowered:
0x8: {  	[smem:$0x3FA8] =	sst s0  }
0x9: {  	[smem:$0x3FA9] =	sst s1  }
0xa: {  	[smem:$0x3FAA] =	sst s2  }
0xb: {  	[smem:$0x3FAB] =	sst s3  }
0xc: {  	[smem:$0x3FAC] =	sst s4  }
0xd: {  	[smem:$0x3FAD] =	sst s5  }
0xe: {  	[smem:$0x3FAE] =	sst s6  }
0xf: {  	[smem:$0x3FAF] =	sst s7  }
0x10: {  	[smem:$0x3FB0] =	sst s8  }
0x11: {  	[smem:$0x3FB1] =	sst s9;
	s0 =	simm.s32 @!p0 $0x0  }
0x12: {  	s1 =	sld [smem:$0x3F97];
	s0 =	simm.s32 @p0 $0x1  }
0x13: {  	[smem:$0x3FB2] =	sst s0;
	s0 =	simm.s32 @!p1 $0x0  }
0x14: {  	s2 =	sld [smem:$0x3F96];
	s0 =	simm.s32 @p1 $0x1  }
0x15: {  	[smem:$0x3FB3] =	sst s0;
	s0 =	simm.s32 @!p2 $0x0  }
0x16: {  	s3 =	sld [smem:$0x3FDB];
	s0 =	simm.s32 @p2 $0x1  }
0x17: {  	s4 =	simm.s32 $0x1BF5;
	[smem:$0x3FB5] =	sst s0  }
0x18: {  	s0 =	sld [smem:$0x3F98];
	_ =	swait.ge [sflag:s4], $0x0  }
0x19: {  	s7 =	sld [smem:$0x3F99]  }
0x1a: {  	s8 =	sadd.s32 $0xFFFFE003, lr  }
0x1b: {  	s9 =	sadd.s32 $0xFFFFFEF7, lr;
	s5 =	simm.s32 $0xFFFFFFFF;
	p2 =	slt.u32 s8, $0xFFFFF086  }
0x1c: {  	p1 =	slt.u32 s9, $0xF7A;
	s5 =	simm.s32 @!p2 $0x0  }
0x1d: {  	s5 =	simm.s32 @p1 $0x1;
	p0 =	seq.s32 s7, s2  }
0x1e: {  	s7 =	smul.u32 @!p0 $0xF7A, s2;
	p2 =	seq.s32 @!p0 s5, $0x0  }
0x1f: {  	s9 =	smul.u32 $0xF7A, s1;
	s8 =	simm.s32 @!p0 $0x1BF5;
	p2 =	por !p2, p0  }
0x20: {  	[sflag:s8] =	ssyncset.s32 @!p0 $0xFFFFF086;
	s6 =	sadd.s32 @!p0 s3, s7;
	s7 =	simm.s32 @!p0 $0x108  }
0x21: {  	s3 =	sadd.s32 s3, s9;
	s6 =	sadd.s32 @!p0 $0x88, s6;
	s7 =	simm.s32 @p2 $0x1082  }
0x22: {  	[simem:s7], [sflag:s8] =	dma.local @!p0 [hbm:s6], $0xF7A  }
0x23: {  	s9 =	sor.u32 $0xD0000000, s2;
	s6 =	simm.s32 $0x108;
	_ =	swait.ge @!p0 [sflag:s8], $0x0  }
0x24: {  	s3 =	sadd.s32 $0x88, s3;
	s6 =	simm.s32 @!p1 $0x1082;
	[sflag:s4] =	ssyncset.s32 $0xFFFFF086  }
0x25: {  	[simem:s6], [sflag:s4] =	dma.local [hbm:s3], $0xF7A  }
0x26: {  	[smem:$0x3F99] =	sst s1;
	(tag) =	ssettag s2;
	_ =	strace s9  }
0x27: {  	s1 =	sld [smem:$0x3FA9]  }
0x28: {  	s2 =	sld [smem:$0x3FAA]  }
0x29: {  	s4 =	sld [smem:$0x3FAC]  }
0x2a: {  	p0 =	seq.s32 s5, $0x0;
	s5 =	sld [smem:$0x3FAD]  }
0x2b: {  	s6 =	sld [smem:$0x3FAE]  }
0x2c: {  	s7 =	sld [smem:$0x3FAF]  }
0x2d: {  	s3 =	simm.s32 $0x108;
	s8 =	sld [smem:$0x3FB0]  }
0x2e: {  	s3 =	simm.s32 @!p0 $0x1082;
	s9 =	sld [smem:$0x3FB1]  }
0x2f: {  	lr =	sadd.s32 s0, s3;
	s0 =	sld [smem:$0x3FA8]  }
0x30: {  	s3 =	sld [smem:$0x3FAB]  }
0x31: {  	[smem:$0x3FB4] =	sst s10  }
0x32: {  	s10 =	sld [smem:$0x3FB2];
	_ =	sdelay $0x3  }
0x33: {  	p0 =	seq.s32 s10, $0x1;
	s10 =	sld [smem:$0x3FB4];
	_ =	sdelay $0x3  }
0x34: {  	[smem:$0x3FB4] =	sst s10  }
0x35: {  	s10 =	sld [smem:$0x3FB3];
	_ =	sdelay $0x3  }
0x36: {  	p1 =	seq.s32 s10, $0x1;
	s10 =	sld [smem:$0x3FB4];
	_ =	sdelay $0x3  }
0x37: {  	[smem:$0x3FB4] =	sst s10  }
0x38: {  	s10 =	sld [smem:$0x3FB5]  }
0x39: {  	_ = 	snop;
	(pc) =	sbr.ind lr, $3  }
0x3a: {  	_ = 	snop  }
0x3b: {  	_ = 	snop  }
0x3c: {  	p2 =	seq.s32 s10, $0x1;
	s10 =	sld [smem:$0x3FB4]  }
0x3d: {  	_ =	shalt  }
0x3e: {  	_ =	shalt  }
0x3f: {  	_ =	shalt  }
0x40: {  	_ =	shalt  }
0x41: {  	_ =	shalt  }
0x42: {  	_ =	shalt  }
0x43: {  	_ =	shalt  }
0x44: {  	_ =	shalt  }
0x45: {  	_ =	shalt  }
0x46: {  	_ =	shalt  }
0x47: {  	_ =	shalt  }
0x48: {  	_ =	shalt  }
0x49: {  	_ =	shalt  }
0x4a: {  	_ =	shalt  }
0x4b: {  	_ =	shalt  }
0x4c: {  	_ =	shalt  }
0x4d: {  	_ =	shalt  }
0x4e: {  	_ =	shalt  }
0x4f: {  	_ =	shalt  }
0x50: {  	_ =	shalt  }
0x51: {  	_ =	shalt  }
0x52: {  	_ =	shalt  }
0x53: {  	_ =	shalt  }
0x54: {  	_ =	shalt  }
0x55: {  	_ =	shalt  }
0x56: {  	_ =	shalt  }
0x57: {  	_ =	shalt  }
0x58: {  	_ =	shalt  }
0x59: {  	_ =	shalt  }
0x5a: {  	_ =	shalt  }
0x5b: {  	_ =	shalt  }
0x5c: {  	_ =	shalt  }
0x5d: {  	_ =	shalt  }
0x5e: {  	_ =	shalt  }
0x5f: {  	_ =	shalt  }
0x60: {  	_ =	shalt  }
0x61: {  	_ =	shalt  }
0x62: {  	_ =	shalt  }
0x63: {  	_ =	shalt  }
0x64: {  	_ =	shalt  }
0x65: {  	_ =	shalt  }
0x66: {  	_ =	shalt  }
0x67: {  	_ =	shalt  }
0x68: {  	_ =	shalt  }
0x69: {  	_ =	shalt  }
0x6a: {  	_ =	shalt  }
0x6b: {  	_ =	shalt  }
0x6c: {  	_ =	shalt  }
0x6d: {  	_ =	shalt  }
0x6e: {  	_ =	shalt  }
0x6f: {  	_ =	shalt  }
0x70: {  	_ =	shalt  }
0x71: {  	_ =	shalt  }
0x72: {  	_ =	shalt  }
0x73: {  	_ =	shalt  }
0x74: {  	_ =	shalt  }
0x75: {  	_ =	shalt  }
0x76: {  	_ =	shalt  }
0x77: {  	_ =	shalt  }
0x78: {  	_ =	shalt  }
0x79: {  	_ =	shalt  }
0x7a: {  	_ =	shalt  }
0x7b: {  	_ =	shalt  }
0x7c: {  	_ =	shalt  }
0x7d: {  	_ =	shalt  }
0x7e: {  	_ =	shalt  }
0x7f: {  	_ =	shalt  }
0x80: {  	_ =	shalt  }
0x81: {  	_ =	shalt  }
0x82: {  	_ =	shalt  }
0x83: {  	_ =	shalt  }
0x84: {  	_ =	shalt  }
0x85: {  	_ =	shalt  }
0x86: {  	_ =	shalt  }
0x87: {  	_ =	shalt  }
.Lfunc_end0:
.L_simem_size_0:
called_computation.1_lowered:
.L_overlay_start_0:
0x88: {  	s2 =	sld [smem:$0x3FD9]  }
0x89: {  	s3 =	sld [smem:$0x3FFE];
	_ =	sdelay $0x1  }
0x8a: {  	s1 =	srdreg.scid  }
0x8b: {  	s0 =	sand.u32 $0x1, s1  }
0x8c: {  	s17 =	sshll.u32 s0, $0xA;
	s2 =	sadd.s32 s3, s2  }
0x8d: {  	s2 =	sadd.s32 s2, s17  }
0x8e: {  	[smem:$0x3FC0] =	sst s2  }
0x8f: {  	_ = 	snop  }
0x90: {  	s2 =	sld [smem:$0x3FD0];
	(tm) =	ssettm $0x1  }
0x91: {  	s18 =	sld [smem:$0x3FFB];
	_ =	sdelay $0x3  }
0x92: {  	_ =	strace s18  }
0x93: {  	s3 =	sld [smem:$0x3FFC];
	_ =	sdelay $0x3  }
0x94: {  	_ =	strace s3  }
0x95: {  	s3 =	sld [smem:$0x3FFD];
	_ =	sdelay $0x3  }
0x96: {  	_ =	strace s3  }
0x97: {  	_ =	strace $0x8FFFFFFF  }
0x98: {  	s19 =	sld [smem:$0x3FDB];
	_ =	sdelay $0x1  }
0x99: {  	s4 =	simm.s32 $_scs_section_size  }
0x9a: {  	s5 =	simm.s32 $_size__tile_overlayer_lowered;
	s6 =	simm.s32 $_tile_overlayer_lowered  }
0x9b: {  	s22 =	simm.s32 $0x1BFF;
	s21 =	sshll.u32 s6, $0x1;
	s3 =	sadd.s32 s4, s19  }
0x9c: {  	s7 =	simm.s32 $0x0;
	s20 =	sshll.u32 s5, $0x1;
	s5 =	sadd.s32 s21, s3  }
0x9d: {  	[timem:s7], [sflag:s22] =	dma.local [hbm:s5], s20  }
0x9e: {  	_ =	swait.ge [sflag:s22], s20  }
0x9f: {  	s4 =	ssub.s32 $0x0, s20;
	[sflag:s22] =	ssyncset.done $0x0  }
0xa0: {  	[sflag:s22] =	ssyncadd.s32 s4;
	_ =	sdelay $0x1  }
0xa1: {  	s23 =	simm.s32 $0x1B8B  }
0xa2: {  	_ =	swait.ge [sflag:s23], $0x1  }
0xa3: {  	[sflag:s23] =	ssyncset.done $0x0  }
0xa4: {  	s25 =	simm.s32 $0x1B8E;
	s24 =	sld [smem:$0x3FFE];
	[sflag:s23] =	ssyncadd.s32 $0xFFFFFFFF  }
0xa5: {  	s26 =	simm.s32 $execute0_lowered;
	[smem:$0x3FD2] =	sst s25  }
0xa6: {  	s5 =	sshll.u32 s26, $0x1;
	_ =	strace $0x80000049;
	[dreg:$0x1] =	wrdreg $0xFFFFFFFF  }
0xa7: {  	s28 =	simm.s32 $_size_execute0_lowered;
	s3 =	sadd.s32 s3, s5;
	[dreg:$0x0] =	wrdreg $0x0  }
0xa8: {  	s5 =	sshll.u32 s28, $0x1;
	[dreg:$0x2] =	wrdreg s3  }
0xa9: {  	[dreg:$0x3] =	wrdreg s5  }
0xaa: {  	[dreg:$0x4] =	wrdreg $0xC0  }
0xab: {  	_ =	task [dreg:s7], $0x5FFFF  }
0xac: {  	[dreg:$0x1] =	wrdreg $0xFFFFFFFF  }
0xad: {  	[dreg:$0x0] =	wrdreg $0x60  }
0xae: {  	[dreg:$0x2] =	wrdreg s2  }
0xaf: {  	[dreg:$0x3] =	wrdreg s24  }
0xb0: {  	[dreg:$0x4] =	wrdreg $0x0  }
0xb1: {  	[dreg:$0x5] =	wrdreg $0x9  }
0xb2: {  	_ =	task.clear_ibuf [dreg:s7], $0x6FFFF;
	_ =	strace $0x90000049  }
0xb3: {  	s29 =	simm.s32 $0x9;
	_ =	strace $0x8000004B  }
0xb4: {  	_ =	swait.ge [sflag:s29], $0x1  }
0xb5: {  	[sflag:s29] =	ssyncadd.s32 $0xFFFFFFFF  }
0xb6: {  	_ =	strace $0x9000004B  }
0xb7: {  	_ =	sfence  }
0xb8: {  	s30 =	sld [smem:$0x0];
	_ =	sdelay $0x2  }
0xb9: {  	s31 =	sshll.u32 s1, $0xD;
	s1 =	sshrl.u32 s1, $0x2  }
0xba: {  	s3 =	sand.u32 $0x4000, s31;
	s1 =	sadd.s32 s1, s30  }
0xbb: {  	s0 =	sor.u32 s3, s0;
	s1 =	sshll.u32 s1, $0x11  }
0xbc: {  	s0 =	sor.u32 s1, s0  }
0xbd: {  	s0 =	sadd.s32 $0x8F2B, s0  }
0xbe: {  	[sflag:s0] =	ssyncadd.remote.s32 $0x1  }
0xbf: {  	_ =	sfence.sel $0xFFFF  }
0xc0: {  	[dreg:$0x0] =	wrdreg $0xFFFFFFFF;
	(pc) =	sbr.abs _section_cstart, $3  }
0xc1: {  	[dreg:$0x1] =	wrdreg $0xFFFFFFFF  }
0xc2: {  	_ =	task.clear_ibuf [dreg:s7], $0x2FFFF;
	_ =	strace $0x9FFFFFFF  }
0xc3: {  	(tm) =	ssettm $0x7FFFFFFF  }
tec
execute0_lowered:
.L_overlay_start_1:
0x0: {  	(tag) =	ssettag $0x1  }
0x1: {  	s1 =	rddreg [dreg:$0x0]  }
0x2: {  	s0 =	rddreg [dreg:$0x1]  }
0x3: {  	s2 =	rddreg [dreg:$0x2]  }
0x4: {  	s3 =	srdreg.scid;
	s6 =	simm.s32 $0x0;
	s7 =	stileid.u32  }
0x5: {  	s17 =	simm.s32 $0x5;
	s28 =	simm.s32 $0x16180;
	s29 =	simm.s32 $0x2  }
0x6: {  	s30 =	simm.s32 $0x4;
	s31 =	simm.s32 $0x161E0;
	s16 =	simm.s32 $0x3  }
0x7: {  	s18 =	simm.s32 $0x0;
	s3 =	sand.u32 $0x1, s3;
	s19 =	smul.u32 $0x13880, s7  }
0x8: {  	[smem:$0x7FF] =	sst s6;
	s4 =	sshll.u32 s3, $0x4;
	s5 =	smul.u32 $0x138800, s3  }
0x9: {  	s3 =	ssub.s32 $0x2, s3;
	s4 =	sor.u32 s7, s4;
	s7 =	smul.u32 $0x4E400, s7  }
0xa: {  	_ =	strace $0x8000004A;
	s8 =	sshrl.u32 s3, $0x1;
	s4 =	smul.u32 $0x27C, s4  }
0xb: {  	s26 =	sadd.s32 s19, s2;
	s5 =	sadd.s32 s19, s5;
	s3 =	ssub.s32 s3, s8  }
0xc: {  	s19 =	simm.s32 $0x19240;
	s5 =	sshrl.u32 s5, $0x3;
	s4 =	sadd.s32 s4, s0  }
0xd: {  	s20 =	sshrl.u32 s7, $0x2;
	s15 =	smax.u32 s3, $0x1;
	s21 =	sadd.s32 $0x73000, s4  }
0xe: {  	s7 =	sadd.s32 s20, s2;
	s4 =	sadd.s32 $0x6E000, s4;
	[dreg:$0x4] =	wrdreg s21  }
0xf: {  	s0 =	sadd.s32 s5, s0;
	s22 =	sadd.s32 $0x3000, s7;
	[dreg:$0x5] =	wrdreg s4  }
0x10: {  	s20 =	simm.s32 $0x60;
	s23 =	sadd.s32 $0x6000, s7;
	[dreg:$0x6] =	wrdreg s22  }
0x11: {  	s24 =	sadd.s32 $0x9000, s7;
	s25 =	sadd.s32 $0xC000, s7;
	[dreg:$0x7] =	wrdreg s23  }
0x12: {  	s12 =	sadd.s32 $0xF000, s7;
	s13 =	sadd.s32 $0x12000, s7;
	[dreg:$0x8] =	wrdreg s24  }
0x13: {  	s14 =	sadd.s32 $0x16000, s0;
	s0 =	simm.s32 $0x1C240;
	[dreg:$0x9] =	wrdreg s25  }
0x14: {  	s21 =	simm.s32 $0x160C0;
	s22 =	simm.s32 $0x16240;
	s23 =	simm.s32 $0x16120  }
0x15: {  	v0 =	vimm.f32 $0.0e+00;
	s24 =	simm.s32 $0x17A40;
	s25 =	sshrl.u32 s26, $0x3;
	s26 =	simm.s32 $0x1  }
.LBB2_1:
0x16: {  	s3 =	simm.s32 $0x0;
	s4 =	rddreg [dreg:$0x4];
	s5 =	simm.s32 $0x13900  }
0x17: {  	[tilespmem:s5], [sflag:$0x5] =	stream.linear.gather [hbm4b:s4+s3], $0x13E0, $0x38;
	[tilespmem:$0x1F240] =	vst v63  }
0x18: {  	_ =	swait.ge [sflag:s17], $0x13E0  }
0x19: {  	[sflag:s17] =	ssyncset.done $0x0  }
0x1a: {  	s11 =	simm.s32 $0x14CE0;
	s10 =	rddreg [dreg:$0x5];
	[sflag:s17] =	ssyncadd.s32 $0xFFFFEC20  }
0x1b: {  	[tilespmem:s11], [sflag:$0x5] =	stream.linear.gather [hbm4b:s10+s3], $0x13E0, $0x38;
	[tilespmem:$0x1F240] =	vst v63  }
0x1c: {  	_ =	swait.ge [sflag:s17], $0x13E0  }
0x1d: {  	[sflag:s17] =	ssyncset.done $0x0  }
0x1e: {  	s4 =	simm.s32 $0x200;
	s3 =	simm.s32 $0x0;
	[sflag:s17] =	ssyncadd.s32 $0xFFFFEC20  }
.LBB2_2:
0x1f: {  	p0 =	sne.s32 s4, $0xBE00;
	[tilespmem:s3+$0x192B0] =	vst v0  }
0x20: {  	[tilespmem:s3+$0x19240] =	vst v0  }
0x21: {  	[tilespmem:s3+$0x19250] =	vst v0  }
.Ltmp0:
0x22: {  	[tilespmem:s3+$0x19260] =	vst v0;
	(pc) =	sbr.rel @p0 .LBB2_2-.Ltmp0, $4  }
0x23: {  	[tilespmem:s3+$0x19270] =	vst v0  }
0x24: {  	[tilespmem:s3+$0x19280] =	vst v0  }
0x25: {  	[tilespmem:s3+$0x19290] =	vst v0  }
0x26: {  	[tilespmem:s3+$0x192A0] =	vst v0;
	s3 =	sshra.s32 s4, $0x2;
	s4 =	sadd.s32 $0x200, s4  }
0x27: {  	[tilespmem:s3+$0x192B0] =	vst v0  }
0x28: {  	[tilespmem:s3+$0x19240] =	vst v0  }
0x29: {  	[tilespmem:s3+$0x19250] =	vst v0  }
0x2a: {  	[tilespmem:s3+$0x19260] =	vst v0  }
0x2b: {  	[tilespmem:s3+$0x19270] =	vst v0  }
0x2c: {  	[tilespmem:s3+$0x19280] =	vst v0  }
0x2d: {  	[tilespmem:s3+$0x19290] =	vst v0  }
0x2e: {  	[tilespmem:s3+$0x192A0] =	vst v0  }
0x2f: {  	[spmem:s7] =	stream.linear.scatter [tilespmem:s19], [sflag:$0x5], $0x3000, $0x38;
	[tilespmem:$0x1F240] =	vst v63  }
0x30: {  	_ =	swait.ge [sflag:s17], $0x3000  }
0x31: {  	[sflag:s17] =	ssyncset.done $0x0  }
0x32: {  	s8 =	rddreg [dreg:$0x6];
	[sflag:s17] =	ssyncadd.s32 $0xFFFFD000  }
0x33: {  	[spmem:s8] =	stream.linear.scatter [tilespmem:s19], [sflag:$0x5], $0x3000, $0x38;
	[tilespmem:$0x1F240] =	vst v63  }
0x34: {  	_ =	swait.ge [sflag:s17], $0x3000  }
0x35: {  	[sflag:s17] =	ssyncset.done $0x0  }
0x36: {  	s9 =	rddreg [dreg:$0x7];
	[sflag:s17] =	ssyncadd.s32 $0xFFFFD000  }
0x37: {  	[spmem:s9] =	stream.linear.scatter [tilespmem:s19], [sflag:$0x5], $0x3000, $0x38;
	[tilespmem:$0x1F240] =	vst v63  }
0x38: {  	_ =	swait.ge [sflag:s17], $0x3000  }
0x39: {  	[sflag:s17] =	ssyncset.done $0x0  }
0x3a: {  	s10 =	rddreg [dreg:$0x8];
	[sflag:s17] =	ssyncadd.s32 $0xFFFFD000  }
0x3b: {  	[spmem:s10] =	stream.linear.scatter [tilespmem:s19], [sflag:$0x5], $0x3000, $0x38;
	[tilespmem:$0x1F240] =	vst v63  }
0x3c: {  	_ =	swait.ge [sflag:s17], $0x3000  }
0x3d: {  	[sflag:s17] =	ssyncset.done $0x0  }
0x3e: {  	s11 =	rddreg [dreg:$0x9];
	[sflag:s17] =	ssyncadd.s32 $0xFFFFD000  }
0x3f: {  	[spmem:s11] =	stream.linear.scatter [tilespmem:s19], [sflag:$0x5], $0x3000, $0x38;
	[tilespmem:$0x1F240] =	vst v63  }
0x40: {  	_ =	swait.ge [sflag:s17], $0x3000  }
0x41: {  	[sflag:s17] =	ssyncset.done $0x0  }
0x42: {  	[sflag:s17] =	ssyncadd.s32 $0xFFFFD000  }
0x43: {  	[spmem:s12] =	stream.linear.scatter [tilespmem:s19], [sflag:$0x5], $0x3000, $0x38;
	[tilespmem:$0x1F240] =	vst v63  }
0x44: {  	_ =	swait.ge [sflag:s17], $0x3000  }
0x45: {  	[sflag:s17] =	ssyncset.done $0x0  }
0x46: {  	[sflag:s17] =	ssyncadd.s32 $0xFFFFD000  }
0x47: {  	[spmem:s13] =	stream.linear.scatter [tilespmem:s19], [sflag:$0x5], $0x1900, $0x38;
	[tilespmem:$0x1F240] =	vst v63  }
0x48: {  	_ =	swait.ge [sflag:s17], $0x1900  }
0x49: {  	[sflag:s17] =	ssyncset.done $0x0  }
0x4a: {  	[sflag:s17] =	ssyncadd.s32 $0xFFFFE700  }
0x4b: {  	[bflag:$0x0] =	sbarrier.arrive $0xFFFF  }
0x4c: {  	v1 =	vld [tilespmem:$0x13900];
	_ =	sdelay $0x1  }
0x4d: {  	v2 =	vld [tilespmem:$0x13910];
	_ =	sdelay $0x1  }
0x4e: {  	v3 =	vld [tilespmem:$0x13920]  }
0x4f: {  	v4 =	vunpack.i.l.s16.s32 v1  }
0x50: {  	v1 =	vunpack.i.u.s16.s32 v1;
	[tilespmem:$0x160C0] =	vst v4  }
0x51: {  	[tilespmem:$0x160D0] =	vst v1;
	v1 =	vunpack.i.l.s16.s32 v2  }
0x52: {  	[tilespmem:$0x160E0] =	vst v1;
	v1 =	vunpack.i.u.s16.s32 v2  }
0x53: {  	v2 =	vunpack.i.u.s16.s32 v3;
	[tilespmem:$0x160F0] =	vst v1  }
0x54: {  	v1 =	vunpack.i.l.s16.s32 v3;
	[tilespmem:$0x16110] =	vst v2  }
0x55: {  	s3 =	simm.s32 $0x0;
	[tilespmem:$0x16100] =	vst v1  }
0x56: {  	[tilespmem:s22], [sflag:$0x1] =	stream.indirect.gather [hbm4b:s1+s20], $0x40, s21, s20, $0xb8;
	[tilespmem:$0x1F240] =	vst v63  }
.LBB2_4:
0x57: {  	s8 =	smul.u32 $0xC0, s3;
	_ =	sdelay $0x1  }
0x58: {  	s4 =	sadd.s32 $0x60, s8  }
0x59: {  	s4 =	sshra.s32 s4, $0x1  }
0x5a: {  	v1 =	vld [tilespmem:s4+$0x13900];
	_ =	sdelay $0x4  }
0x5b: {  	v2 =	vunpack.i.l.s16.s32 v1  }
0x5c: {  	s5 =	sadd.s32 $0x80, s8;
	v1 =	vunpack.i.u.s16.s32 v1;
	[tilespmem:$0x16120] =	vst v2  }
0x5d: {  	s5 =	sshra.s32 s5, $0x1;
	[tilespmem:$0x16130] =	vst v1  }
0x5e: {  	v1 =	vld [tilespmem:s5+$0x13900];
	_ =	sdelay $0x4  }
0x5f: {  	v2 =	vunpack.i.l.s16.s32 v1  }
0x60: {  	s6 =	sadd.s32 $0xA0, s8;
	v1 =	vunpack.i.u.s16.s32 v1;
	[tilespmem:$0x16140] =	vst v2  }
0x61: {  	s6 =	sshra.s32 s6, $0x1;
	[tilespmem:$0x16150] =	vst v1  }
0x62: {  	v1 =	vld [tilespmem:s6+$0x13900];
	_ =	sdelay $0x4  }
0x63: {  	v2 =	vunpack.i.l.s16.s32 v1  }
0x64: {  	v1 =	vunpack.i.u.s16.s32 v1;
	[tilespmem:$0x16160] =	vst v2  }
0x65: {  	[tilespmem:$0x16170] =	vst v1  }
0x66: {  	[tilespmem:s24], [sflag:$0x2] =	stream.indirect.gather [hbm4b:s1+s20], $0x40, s23, s20, $0xb8;
	[tilespmem:$0x1F240] =	vst v63  }
0x67: {  	_ =	swait.ge [sflag:s26], $0x1800  }
0x68: {  	p0 =	seq.s32 s3, $0x0;
	[sflag:s26] =	ssyncset.done $0x0  }
0x69: {  	s9 =	simm.s32 @!p0 $0x3;
	[sflag:s26] =	ssyncadd.s32 $0xFFFFE800  }
0x6a: {  	_ =	swait.ge @!p0 [sflag:s9], $0x3000  }
0x6b: {  	[sflag:s9] =	ssyncset.done @!p0 $0x0  }
0x6c: {  	s10 =	simm.s32 $0x0;
	[sflag:s9] =	ssyncadd.s32 @!p0 $0xFFFFD000  }
0x6d: {  	v1 =	vld [tilespmem:s10+$0x16240];
	_ =	sdelay $0x4  }
0x6e: {  	s9 =	simm.s32 $0x19280;
	v2 =	vunpack.i.l.bf16.f32 v1  }
0x6f: {  	v1 =	vunpack.i.u.bf16.f32 v1;
	[tilespmem:s9+$0xFFFFFFC0] =	vst v2  }
0x70: {  	[tilespmem:s9+$0xFFFFFFD0] =	vst v1  }
0x71: {  	v1 =	vld [tilespmem:s10+$0x16250];
	_ =	sdelay $0x4  }
0x72: {  	v2 =	vunpack.i.l.bf16.f32 v1  }
0x73: {  	v1 =	vunpack.i.u.bf16.f32 v1;
	[tilespmem:s9+$0xFFFFFFE0] =	vst v2  }
0x74: {  	[tilespmem:s9+$0xFFFFFFF0] =	vst v1  }
0x75: {  	v1 =	vld [tilespmem:s10+$0x16260];
	_ =	sdelay $0x4  }
0x76: {  	v2 =	vunpack.i.u.bf16.f32 v1  }
0x77: {  	v1 =	vunpack.i.l.bf16.f32 v1;
	[tilespmem:s9+$0x10] =	vst v2  }
0x78: {  	[tilespmem:s9+$0x0] =	vst v1  }
0x79: {  	v1 =	vld [tilespmem:s10+$0x16270];
	_ =	sdelay $0x4  }
0x7a: {  	v2 =	vunpack.i.l.bf16.f32 v1  }
0x7b: {  	v1 =	vunpack.i.u.bf16.f32 v1;
	[tilespmem:s9+$0x20] =	vst v2  }
0x7c: {  	s10 =	simm.s32 $0x40;
	[tilespmem:s9+$0x30] =	vst v1  }
0x7d: {  	v1 =	vld [tilespmem:s10+$0x16240]  }
0x7e: {  	s11 =	simm.s32 $0x200  }
.LBB2_5:
0x7f: {  	p1 =	sne.s32 s11, $0x5F00;
	_ =	sdelay $0x2  }
0x80: {  	s9 =	sadd.s32 $0x80, s9;
	v2 =	vunpack.i.l.bf16.f32 v1  }
0x81: {  	v1 =	vunpack.i.u.bf16.f32 v1;
	[tilespmem:s9+$0xFFFFFFC0] =	vst v2  }
0x82: {  	[tilespmem:s9+$0xFFFFFFD0] =	vst v1  }
0x83: {  	v1 =	vld [tilespmem:s10+$0x16250];
	_ =	sdelay $0x4  }
0x84: {  	v2 =	vunpack.i.l.bf16.f32 v1  }
0x85: {  	v1 =	vunpack.i.u.bf16.f32 v1;
	[tilespmem:s9+$0xFFFFFFE0] =	vst v2  }
0x86: {  	[tilespmem:s9+$0xFFFFFFF0] =	vst v1  }
0x87: {  	v1 =	vld [tilespmem:s10+$0x16260];
	_ =	sdelay $0x4  }
0x88: {  	v2 =	vunpack.i.u.bf16.f32 v1;
	v1 =	vunpack.i.l.bf16.f32 v1  }
0x89: {  	[tilespmem:s9+$0x10] =	vst v2  }
0x8a: {  	[tilespmem:s9+$0x0] =	vst v1  }
0x8b: {  	v1 =	vld [tilespmem:s10+$0x16270];
	_ =	sdelay $0x4  }
.Ltmp1:
0x8c: {  	v2 =	vunpack.i.u.bf16.f32 v1;
	v1 =	vunpack.i.l.bf16.f32 v1;
	(pc) =	sbr.rel @p1 .LBB2_5-.Ltmp1, $4  }
0x8d: {  	[tilespmem:s9+$0x20] =	vst v1  }
0x8e: {  	s10 =	sshra.s32 s11, $0x2;
	[tilespmem:s9+$0x30] =	vst v2  }
0x8f: {  	v1 =	vld [tilespmem:s10+$0x16240]  }
0x90: {  	s11 =	sadd.s32 $0x100, s11  }
0x91: {  	_ =	sdelay $0x2  }
0x92: {  	s9 =	sadd.s32 $0x80, s9;
	v2 =	vunpack.i.l.bf16.f32 v1  }
0x93: {  	v1 =	vunpack.i.u.bf16.f32 v1;
	[tilespmem:s9+$0xFFFFFFC0] =	vst v2  }
0x94: {  	[tilespmem:s9+$0xFFFFFFD0] =	vst v1  }
0x95: {  	v1 =	vld [tilespmem:s10+$0x16250];
	_ =	sdelay $0x4  }
0x96: {  	v2 =	vunpack.i.l.bf16.f32 v1  }
0x97: {  	v1 =	vunpack.i.u.bf16.f32 v1;
	[tilespmem:s9+$0xFFFFFFE0] =	vst v2  }
0x98: {  	[tilespmem:s9+$0xFFFFFFF0] =	vst v1  }
0x99: {  	v1 =	vld [tilespmem:s10+$0x16260];
	_ =	sdelay $0x4  }
0x9a: {  	v2 =	vunpack.i.u.bf16.f32 v1  }
0x9b: {  	v1 =	vunpack.i.l.bf16.f32 v1;
	[tilespmem:s9+$0x10] =	vst v2  }
0x9c: {  	[tilespmem:s9+$0x0] =	vst v1  }
0x9d: {  	v1 =	vld [tilespmem:s10+$0x16270];
	_ =	sdelay $0x4  }
0x9e: {  	v2 =	vunpack.i.l.bf16.f32 v1  }
0x9f: {  	v1 =	vunpack.i.u.bf16.f32 v1;
	[tilespmem:s9+$0x20] =	vst v2  }
0xa0: {  	s8 =	sshra.s32 s8, $0x1;
	[tilespmem:s9+$0x30] =	vst v1  }
0xa1: {  	v1 =	vld [tilespmem:s8+$0x14CE0];
	_ =	sdelay $0x4  }
0xa2: {  	v2 =	vunpack.i.l.s16.s32 v1  }
0xa3: {  	v1 =	vunpack.i.u.s16.s32 v1;
	[tilespmem:$0x16180] =	vst v2  }
0xa4: {  	[tilespmem:$0x16190] =	vst v1  }
0xa5: {  	v1 =	vld [tilespmem:s8+$0x14CF0];
	_ =	sdelay $0x4  }
0xa6: {  	v2 =	vunpack.i.l.s16.s32 v1  }
0xa7: {  	v1 =	vunpack.i.u.s16.s32 v1;
	[tilespmem:$0x161A0] =	vst v2  }
0xa8: {  	[tilespmem:$0x161B0] =	vst v1  }
0xa9: {  	v1 =	vld [tilespmem:s8+$0x14D00];
	_ =	sdelay $0x2  }
0xaa: {  	p1 =	sne.s32 s3, $0x34  }
.Ltmp2:
0xab: {  	_ = 	snop;
	(pc) =	sbr.rel @p1 .LBB2_8-.Ltmp2, $4  }
0xac: {  	v2 =	vunpack.i.l.s16.s32 v1  }
0xad: {  	v1 =	vunpack.i.u.s16.s32 v1;
	[tilespmem:$0x161C0] =	vst v2  }
0xae: {  	[tilespmem:$0x161D0] =	vst v1  }
0xaf: {  	[spmem:s2] =	stream.indirect.scatter.add.f32 [tilespmem:s19], [sflag:$0x3], $0x80, s28, s20, $0xb8;
	[tilespmem:$0x1F240] =	vst v63  }
.Ltmp3:
0xb0: {  	(pc) =	sbr.rel .LBB2_9-.Ltmp3, $4  }
0xb1: {  	_ = 	snop  }
0xb2: {  	_ =	swait.ge [sflag:s29], $0x1800  }
0xb3: {  	[sflag:s29] =	ssyncset.done $0x0  }
0xb4: {  	[sflag:s29] =	ssyncadd.s32 $0xFFFFE800  }
.LBB2_8:
0xb5: {  	v1 =	vld [tilespmem:s8+$0x13960];
	_ =	sdelay $0x4  }
0xb6: {  	v2 =	vunpack.i.l.s16.s32 v1  }
0xb7: {  	v1 =	vunpack.i.u.s16.s32 v1;
	[tilespmem:$0x160C0] =	vst v2  }
0xb8: {  	[tilespmem:$0x160D0] =	vst v1  }
0xb9: {  	v1 =	vld [tilespmem:s8+$0x13970];
	_ =	sdelay $0x4  }
0xba: {  	v2 =	vunpack.i.l.s16.s32 v1  }
0xbb: {  	v1 =	vunpack.i.u.s16.s32 v1;
	[tilespmem:$0x160E0] =	vst v2  }
0xbc: {  	[tilespmem:$0x160F0] =	vst v1  }
0xbd: {  	v1 =	vld [tilespmem:s8+$0x13980];
	_ =	sdelay $0x4  }
0xbe: {  	v2 =	vunpack.i.l.s16.s32 v1  }
0xbf: {  	v1 =	vunpack.i.u.s16.s32 v1;
	[tilespmem:$0x16100] =	vst v2  }
.Ltmp4:
0xc0: {  	[tilespmem:$0x16110] =	vst v1;
	(pc) =	sbr.rel @p0 .LBB2_10-.Ltmp4, $4  }
0xc1: {  	[tilespmem:s22], [sflag:$0x1] =	stream.indirect.gather [hbm4b:s1+s20], $0x40, s21, s20, $0xb8;
	[tilespmem:$0x1F240] =	vst v63  }
0xc2: {  	_ =	swait.ge [sflag:s29], $0x1800  }
0xc3: {  	[sflag:s29] =	ssyncset.done $0x0  }
0xc4: {  	[sflag:s29] =	ssyncadd.s32 $0xFFFFE800  }
.LBB2_9:
0xc5: {  	_ =	swait.ge [sflag:s30], $0x3000  }
0xc6: {  	[sflag:s30] =	ssyncset.done $0x0  }
0xc7: {  	[sflag:s30] =	ssyncadd.s32 $0xFFFFD000  }
.LBB2_10:
0xc8: {  	s9 =	simm.s32 $0x0  }
0xc9: {  	v1 =	vld [tilespmem:s9+$0x17A40];
	_ =	sdelay $0x4  }
0xca: {  	s8 =	simm.s32 $0x1C280;
	v2 =	vunpack.i.l.bf16.f32 v1  }
0xcb: {  	v1 =	vunpack.i.u.bf16.f32 v1;
	[tilespmem:s8+$0xFFFFFFC0] =	vst v2  }
0xcc: {  	[tilespmem:s8+$0xFFFFFFD0] =	vst v1  }
0xcd: {  	v1 =	vld [tilespmem:s9+$0x17A50];
	_ =	sdelay $0x4  }
0xce: {  	v2 =	vunpack.i.l.bf16.f32 v1  }
0xcf: {  	v1 =	vunpack.i.u.bf16.f32 v1;
	[tilespmem:s8+$0xFFFFFFE0] =	vst v2  }
0xd0: {  	[tilespmem:s8+$0xFFFFFFF0] =	vst v1  }
0xd1: {  	v1 =	vld [tilespmem:s9+$0x17A60];
	_ =	sdelay $0x4  }
0xd2: {  	v2 =	vunpack.i.u.bf16.f32 v1  }
0xd3: {  	v1 =	vunpack.i.l.bf16.f32 v1;
	[tilespmem:s8+$0x10] =	vst v2  }
0xd4: {  	[tilespmem:s8+$0x0] =	vst v1  }
0xd5: {  	v1 =	vld [tilespmem:s9+$0x17A70];
	_ =	sdelay $0x4  }
0xd6: {  	v2 =	vunpack.i.l.bf16.f32 v1  }
0xd7: {  	v1 =	vunpack.i.u.bf16.f32 v1;
	[tilespmem:s8+$0x20] =	vst v2  }
0xd8: {  	s9 =	simm.s32 $0x40;
	[tilespmem:s8+$0x30] =	vst v1  }
0xd9: {  	v1 =	vld [tilespmem:s9+$0x17A40]  }
0xda: {  	s3 =	sadd.s32 $0x1, s3;
	s10 =	simm.s32 $0x200  }
.LBB2_11:
0xdb: {  	p0 =	sne.s32 s10, $0x5F00;
	_ =	sdelay $0x2  }
0xdc: {  	s8 =	sadd.s32 $0x80, s8;
	v2 =	vunpack.i.l.bf16.f32 v1  }
0xdd: {  	v1 =	vunpack.i.u.bf16.f32 v1;
	[tilespmem:s8+$0xFFFFFFC0] =	vst v2  }
0xde: {  	[tilespmem:s8+$0xFFFFFFD0] =	vst v1  }
0xdf: {  	v1 =	vld [tilespmem:s9+$0x17A50];
	_ =	sdelay $0x4  }
0xe0: {  	v2 =	vunpack.i.l.bf16.f32 v1  }
0xe1: {  	v1 =	vunpack.i.u.bf16.f32 v1;
	[tilespmem:s8+$0xFFFFFFE0] =	vst v2  }
0xe2: {  	[tilespmem:s8+$0xFFFFFFF0] =	vst v1  }
0xe3: {  	v1 =	vld [tilespmem:s9+$0x17A60];
	_ =	sdelay $0x4  }
0xe4: {  	v2 =	vunpack.i.u.bf16.f32 v1;
	v1 =	vunpack.i.l.bf16.f32 v1  }
0xe5: {  	[tilespmem:s8+$0x10] =	vst v2  }
0xe6: {  	[tilespmem:s8+$0x0] =	vst v1  }
0xe7: {  	v1 =	vld [tilespmem:s9+$0x17A70];
	_ =	sdelay $0x4  }
.Ltmp5:
0xe8: {  	v2 =	vunpack.i.u.bf16.f32 v1;
	v1 =	vunpack.i.l.bf16.f32 v1;
	(pc) =	sbr.rel @p0 .LBB2_11-.Ltmp5, $4  }
0xe9: {  	[tilespmem:s8+$0x20] =	vst v1  }
0xea: {  	s9 =	sshra.s32 s10, $0x2;
	[tilespmem:s8+$0x30] =	vst v2  }
0xeb: {  	v1 =	vld [tilespmem:s9+$0x17A40]  }
0xec: {  	s10 =	sadd.s32 $0x100, s10  }
0xed: {  	_ =	sdelay $0x2  }
0xee: {  	s8 =	sadd.s32 $0x80, s8;
	v2 =	vunpack.i.l.bf16.f32 v1  }
0xef: {  	v1 =	vunpack.i.u.bf16.f32 v1;
	[tilespmem:s8+$0xFFFFFFC0] =	vst v2  }
0xf0: {  	[tilespmem:s8+$0xFFFFFFD0] =	vst v1  }
0xf1: {  	v1 =	vld [tilespmem:s9+$0x17A50];
	_ =	sdelay $0x4  }
0xf2: {  	v2 =	vunpack.i.l.bf16.f32 v1  }
0xf3: {  	v1 =	vunpack.i.u.bf16.f32 v1;
	[tilespmem:s8+$0xFFFFFFE0] =	vst v2  }
0xf4: {  	[tilespmem:s8+$0xFFFFFFF0] =	vst v1  }
0xf5: {  	v1 =	vld [tilespmem:s9+$0x17A60];
	_ =	sdelay $0x4  }
0xf6: {  	v2 =	vunpack.i.u.bf16.f32 v1  }
0xf7: {  	v1 =	vunpack.i.l.bf16.f32 v1;
	[tilespmem:s8+$0x10] =	vst v2  }
0xf8: {  	[tilespmem:s8+$0x0] =	vst v1  }
0xf9: {  	v1 =	vld [tilespmem:s9+$0x17A70];
	_ =	sdelay $0x4  }
0xfa: {  	v2 =	vunpack.i.l.bf16.f32 v1  }
0xfb: {  	v1 =	vunpack.i.u.bf16.f32 v1;
	[tilespmem:s8+$0x20] =	vst v2  }
0xfc: {  	[tilespmem:s8+$0x30] =	vst v1  }
0xfd: {  	v1 =	vld [tilespmem:s4+$0x14CE0];
	_ =	sdelay $0x4  }
0xfe: {  	v2 =	vunpack.i.l.s16.s32 v1  }
0xff: {  	v1 =	vunpack.i.u.s16.s32 v1;
	[tilespmem:$0x161E0] =	vst v2  }
0x100: {  	[tilespmem:$0x161F0] =	vst v1  }
0x101: {  	v1 =	vld [tilespmem:s5+$0x14CE0];
	_ =	sdelay $0x4  }
0x102: {  	v2 =	vunpack.i.l.s16.s32 v1  }
0x103: {  	v1 =	vunpack.i.u.s16.s32 v1;
	[tilespmem:$0x16200] =	vst v2  }
0x104: {  	[tilespmem:$0x16210] =	vst v1  }
0x105: {  	v1 =	vld [tilespmem:s6+$0x14CE0];
	_ =	sdelay $0x2  }
0x106: {  	p0 =	sne.s32 s3, $0x35  }
.Ltmp6:
0x107: {  	_ = 	snop;
	(pc) =	sbr.rel @p0 .LBB2_4-.Ltmp6, $4  }
0x108: {  	v2 =	vunpack.i.l.s16.s32 v1  }
0x109: {  	v1 =	vunpack.i.u.s16.s32 v1;
	[tilespmem:$0x16220] =	vst v2  }
0x10a: {  	[tilespmem:$0x16230] =	vst v1  }
0x10b: {  	[spmem:s2] =	stream.indirect.scatter.add.f32 [tilespmem:s0], [sflag:$0x4], $0x80, s31, s20, $0xb8;
	[tilespmem:$0x1F240] =	vst v63  }
0x10c: {  	_ =	swait.ge [sflag:s16], $0x3000  }
0x10d: {  	[sflag:s16] =	ssyncset.done $0x0  }
0x10e: {  	[sflag:s16] =	ssyncadd.s32 $0xFFFFD000  }
0x10f: {  	_ =	swait.ge [sflag:s30], $0x3000  }
0x110: {  	s3 =	stileid.u32;
	s18 =	sadd.s32 $0x1, s18;
	[sflag:s30] =	ssyncset.done $0x0  }
0x111: {  	s3 =	sshll.u32 s3, $0x6;
	p0 =	sne.s32 s18, s15;
	[sflag:s30] =	ssyncadd.s32 $0xFFFFD000  }
.Ltmp7:
0x112: {  	s3 =	sor.u32 $0x1C05, s3;
	[bflag:$0x0] =	sbarrier.arrive $0xFFFF;
	(pc) =	sbr.rel @p0 .LBB2_1-.Ltmp7, $4  }
0x113: {  	[hbm:s14], [sflag:s3] =	dma.local [spmem:s25], $0x2710  }
0x114: {  	_ =	swait.ge [sflag:s17], $0x2710  }
0x115: {  	[sflag:s17] =	ssyncset.done $0x0  }
0x116: {  	[sflag:s17] =	ssyncadd.s32 $0xFFFFD8F0  }
0x117: {  	_ =	sfence.sel $0x180000  }
0x118: {  	[bflag:$0x0] =	sbarrier.arrive $0xFFFF  }
0x119: {  	_ =	strace $0x9000004A  }
0x11a: {  	s0 =	stileid.u32;
	[bflag:$0x2] =	sbarrier.arrive $0xFFFF  }
0x11b: {  	p0 =	sne.s32 s0, $0x0;
	s0 =	rddreg [dreg:$0x3]  }
0x11c: {  	s0 =	sadd.s32 @!p0 $0x100000, s0  }
0x11d: {  	[sflag:s0] =	ssyncadd.tile.s32 @!p0 $0x1;
	_ =	shalt  }
.Lfunc_end2:
_tile_overlayer_lowered:
.L_overlay_start_2:
0x11e: {  	(tag) =	ssettag $0x2  }
0x11f: {  	s0 =	rddreg [dreg:$0x0];
	s2 =	stileid.u32  }
0x120: {  	s1 =	rddreg [dreg:$0x1];
	p0 =	sne.s32 s2, $0x0  }
0x121: {  	s3 =	rddreg [dreg:$0x2];
	[bflag:$0x3] =	sbarrier.arrive $0xFFFF;
	s2 =	simm.s32 @!p0 $0x1C05  }
0x122: {  	[timem:s3], [sflag:s2] =	dma.local @!p0 [hbm:s0], s1  }
0x123: {  	s0 =	simm.s32 @!p0 $0x5  }
0x124: {  	_ =	swait.ge @!p0 [sflag:s0], s1  }
0x125: {  	s1 =	ssub.s32 @!p0 $0x0, s1;
	[sflag:s0] =	ssyncset.done @!p0 $0x0  }
0x126: {  	[sflag:s0] =	ssyncadd.s32 @!p0 s1  }
0x127: {  	[bflag:$0x3] =	sbarrier.arrive $0xFFFF  }
0x128: {  	_ =	shalt  }

// kernel: kernel.15.cloned.1.call-start
scs
__scs_entry_jumppad:
0x0: {  	(pc) =	sbr.rel $0x88, $3  }
0x1: {  	(tag) =	ssettag $0x0;
	lr =	simm.s32 $0x1  }
0x2: {  	[smem:$0x3F99] =	sst lr;
	_ =	strace $0xD0000000  }
0x3: {  	_ = 	snop  }
0x4: {  	_ = 	snop  }
0x5: {  	_ = 	snop  }
0x6: {  	_ = 	snop  }
0x7: {  	_ = 	snop  }
__scs_overlays_trampoline_lowered:
0x8: {  	[smem:$0x3FA8] =	sst s0  }
0x9: {  	[smem:$0x3FA9] =	sst s1  }
0xa: {  	[smem:$0x3FAA] =	sst s2  }
0xb: {  	[smem:$0x3FAB] =	sst s3  }
0xc: {  	[smem:$0x3FAC] =	sst s4  }
0xd: {  	[smem:$0x3FAD] =	sst s5  }
0xe: {  	[smem:$0x3FAE] =	sst s6  }
0xf: {  	[smem:$0x3FAF] =	sst s7  }
0x10: {  	[smem:$0x3FB0] =	sst s8  }
0x11: {  	[smem:$0x3FB1] =	sst s9;
	s0 =	simm.s32 @!p0 $0x0  }
0x12: {  	s1 =	sld [smem:$0x3F97];
	s0 =	simm.s32 @p0 $0x1  }
0x13: {  	[smem:$0x3FB2] =	sst s0;
	s0 =	simm.s32 @!p1 $0x0  }
0x14: {  	s2 =	sld [smem:$0x3F96];
	s0 =	simm.s32 @p1 $0x1  }
0x15: {  	[smem:$0x3FB3] =	sst s0;
	s0 =	simm.s32 @!p2 $0x0  }
0x16: {  	s3 =	sld [smem:$0x3FDB];
	s0 =	simm.s32 @p2 $0x1  }
0x17: {  	s4 =	simm.s32 $0x1BF5;
	[smem:$0x3FB5] =	sst s0  }
0x18: {  	s0 =	sld [smem:$0x3F98];
	_ =	swait.ge [sflag:s4], $0x0  }
0x19: {  	s7 =	sld [smem:$0x3F99]  }
0x1a: {  	s8 =	sadd.s32 $0xFFFFE003, lr  }
0x1b: {  	s9 =	sadd.s32 $0xFFFFFEF7, lr;
	s5 =	simm.s32 $0xFFFFFFFF;
	p2 =	slt.u32 s8, $0xFFFFF086  }
0x1c: {  	p1 =	slt.u32 s9, $0xF7A;
	s5 =	simm.s32 @!p2 $0x0  }
0x1d: {  	s5 =	simm.s32 @p1 $0x1;
	p0 =	seq.s32 s7, s2  }
0x1e: {  	s7 =	smul.u32 @!p0 $0xF7A, s2;
	p2 =	seq.s32 @!p0 s5, $0x0  }
0x1f: {  	s9 =	smul.u32 $0xF7A, s1;
	s8 =	simm.s32 @!p0 $0x1BF5;
	p2 =	por !p2, p0  }
0x20: {  	[sflag:s8] =	ssyncset.s32 @!p0 $0xFFFFF086;
	s6 =	sadd.s32 @!p0 s3, s7;
	s7 =	simm.s32 @!p0 $0x108  }
0x21: {  	s3 =	sadd.s32 s3, s9;
	s6 =	sadd.s32 @!p0 $0x88, s6;
	s7 =	simm.s32 @p2 $0x1082  }
0x22: {  	[simem:s7], [sflag:s8] =	dma.local @!p0 [hbm:s6], $0xF7A  }
0x23: {  	s9 =	sor.u32 $0xD0000000, s2;
	s6 =	simm.s32 $0x108;
	_ =	swait.ge @!p0 [sflag:s8], $0x0  }
0x24: {  	s3 =	sadd.s32 $0x88, s3;
	s6 =	simm.s32 @!p1 $0x1082;
	[sflag:s4] =	ssyncset.s32 $0xFFFFF086  }
0x25: {  	[simem:s6], [sflag:s4] =	dma.local [hbm:s3], $0xF7A  }
0x26: {  	[smem:$0x3F99] =	sst s1;
	(tag) =	ssettag s2;
	_ =	strace s9  }
0x27: {  	s1 =	sld [smem:$0x3FA9]  }
0x28: {  	s2 =	sld [smem:$0x3FAA]  }
0x29: {  	s4 =	sld [smem:$0x3FAC]  }
0x2a: {  	p0 =	seq.s32 s5, $0x0;
	s5 =	sld [smem:$0x3FAD]  }
0x2b: {  	s6 =	sld [smem:$0x3FAE]  }
0x2c: {  	s7 =	sld [smem:$0x3FAF]  }
0x2d: {  	s3 =	simm.s32 $0x108;
	s8 =	sld [smem:$0x3FB0]  }
0x2e: {  	s3 =	simm.s32 @!p0 $0x1082;
	s9 =	sld [smem:$0x3FB1]  }
0x2f: {  	lr =	sadd.s32 s0, s3;
	s0 =	sld [smem:$0x3FA8]  }
0x30: {  	s3 =	sld [smem:$0x3FAB]  }
0x31: {  	[smem:$0x3FB4] =	sst s10  }
0x32: {  	s10 =	sld [smem:$0x3FB2];
	_ =	sdelay $0x3  }
0x33: {  	p0 =	seq.s32 s10, $0x1;
	s10 =	sld [smem:$0x3FB4];
	_ =	sdelay $0x3  }
0x34: {  	[smem:$0x3FB4] =	sst s10  }
0x35: {  	s10 =	sld [smem:$0x3FB3];
	_ =	sdelay $0x3  }
0x36: {  	p1 =	seq.s32 s10, $0x1;
	s10 =	sld [smem:$0x3FB4];
	_ =	sdelay $0x3  }
0x37: {  	[smem:$0x3FB4] =	sst s10  }
0x38: {  	s10 =	sld [smem:$0x3FB5]  }
0x39: {  	_ = 	snop;
	(pc) =	sbr.ind lr, $3  }
0x3a: {  	_ = 	snop  }
0x3b: {  	_ = 	snop  }
0x3c: {  	p2 =	seq.s32 s10, $0x1;
	s10 =	sld [smem:$0x3FB4]  }
0x3d: {  	_ =	shalt  }
0x3e: {  	_ =	shalt  }
0x3f: {  	_ =	shalt  }
0x40: {  	_ =	shalt  }
0x41: {  	_ =	shalt  }
0x42: {  	_ =	shalt  }
0x43: {  	_ =	shalt  }
0x44: {  	_ =	shalt  }
0x45: {  	_ =	shalt  }
0x46: {  	_ =	shalt  }
0x47: {  	_ =	shalt  }
0x48: {  	_ =	shalt  }
0x49: {  	_ =	shalt  }
0x4a: {  	_ =	shalt  }
0x4b: {  	_ =	shalt  }
0x4c: {  	_ =	shalt  }
0x4d: {  	_ =	shalt  }
0x4e: {  	_ =	shalt  }
0x4f: {  	_ =	shalt  }
0x50: {  	_ =	shalt  }
0x51: {  	_ =	shalt  }
0x52: {  	_ =	shalt  }
0x53: {  	_ =	shalt  }
0x54: {  	_ =	shalt  }
0x55: {  	_ =	shalt  }
0x56: {  	_ =	shalt  }
0x57: {  	_ =	shalt  }
0x58: {  	_ =	shalt  }
0x59: {  	_ =	shalt  }
0x5a: {  	_ =	shalt  }
0x5b: {  	_ =	shalt  }
0x5c: {  	_ =	shalt  }
0x5d: {  	_ =	shalt  }
0x5e: {  	_ =	shalt  }
0x5f: {  	_ =	shalt  }
0x60: {  	_ =	shalt  }
0x61: {  	_ =	shalt  }
0x62: {  	_ =	shalt  }
0x63: {  	_ =	shalt  }
0x64: {  	_ =	shalt  }
0x65: {  	_ =	shalt  }
0x66: {  	_ =	shalt  }
0x67: {  	_ =	shalt  }
0x68: {  	_ =	shalt  }
0x69: {  	_ =	shalt  }
0x6a: {  	_ =	shalt  }
0x6b: {  	_ =	shalt  }
0x6c: {  	_ =	shalt  }
0x6d: {  	_ =	shalt  }
0x6e: {  	_ =	shalt  }
0x6f: {  	_ =	shalt  }
0x70: {  	_ =	shalt  }
0x71: {  	_ =	shalt  }
0x72: {  	_ =	shalt  }
0x73: {  	_ =	shalt  }
0x74: {  	_ =	shalt  }
0x75: {  	_ =	shalt  }
0x76: {  	_ =	shalt  }
0x77: {  	_ =	shalt  }
0x78: {  	_ =	shalt  }
0x79: {  	_ =	shalt  }
0x7a: {  	_ =	shalt  }
0x7b: {  	_ =	shalt  }
0x7c: {  	_ =	shalt  }
0x7d: {  	_ =	shalt  }
0x7e: {  	_ =	shalt  }
0x7f: {  	_ =	shalt  }
0x80: {  	_ =	shalt  }
0x81: {  	_ =	shalt  }
0x82: {  	_ =	shalt  }
0x83: {  	_ =	shalt  }
0x84: {  	_ =	shalt  }
0x85: {  	_ =	shalt  }
0x86: {  	_ =	shalt  }
0x87: {  	_ =	shalt  }
.Lfunc_end0:
.L_simem_size_0:
called_computation.2_lowered:
.L_overlay_start_0:
0x88: {  	s2 =	sld [smem:$0x3FD9]  }
0x89: {  	s3 =	sld [smem:$0x3FFE];
	_ =	sdelay $0x1  }
0x8a: {  	s1 =	srdreg.scid  }
0x8b: {  	s0 =	sand.u32 $0x1, s1  }
0x8c: {  	s17 =	sshll.u32 s0, $0xA;
	s2 =	sadd.s32 s3, s2  }
0x8d: {  	s2 =	sadd.s32 s2, s17  }
0x8e: {  	[smem:$0x3FC0] =	sst s2  }
0x8f: {  	_ = 	snop  }
0x90: {  	s2 =	sld [smem:$0x3FD0];
	(tm) =	ssettm $0x1  }
0x91: {  	s18 =	sld [smem:$0x3FFB];
	_ =	sdelay $0x3  }
0x92: {  	_ =	strace s18  }
0x93: {  	s3 =	sld [smem:$0x3FFC];
	_ =	sdelay $0x3  }
0x94: {  	_ =	strace s3  }
0x95: {  	s3 =	sld [smem:$0x3FFD];
	_ =	sdelay $0x3  }
0x96: {  	_ =	strace s3  }
0x97: {  	_ =	strace $0x8FFFFFFF  }
0x98: {  	s19 =	sld [smem:$0x3FDB];
	_ =	sdelay $0x1  }
0x99: {  	s4 =	simm.s32 $_scs_section_size  }
0x9a: {  	s5 =	simm.s32 $_size__tile_overlayer_lowered;
	s6 =	simm.s32 $_tile_overlayer_lowered  }
0x9b: {  	s22 =	simm.s32 $0x1BFF;
	s21 =	sshll.u32 s6, $0x1;
	s3 =	sadd.s32 s4, s19  }
0x9c: {  	s7 =	simm.s32 $0x0;
	s20 =	sshll.u32 s5, $0x1;
	s5 =	sadd.s32 s21, s3  }
0x9d: {  	[timem:s7], [sflag:s22] =	dma.local [hbm:s5], s20  }
0x9e: {  	_ =	swait.ge [sflag:s22], s20  }
0x9f: {  	s4 =	ssub.s32 $0x0, s20;
	[sflag:s22] =	ssyncset.done $0x0  }
0xa0: {  	[sflag:s22] =	ssyncadd.s32 s4;
	_ =	sdelay $0x1  }
0xa1: {  	s23 =	simm.s32 $0x1B8B  }
0xa2: {  	_ =	swait.ge [sflag:s23], $0x1  }
0xa3: {  	[sflag:s23] =	ssyncset.done $0x0  }
0xa4: {  	s25 =	simm.s32 $0x1B8E;
	s24 =	sld [smem:$0x3FFE];
	[sflag:s23] =	ssyncadd.s32 $0xFFFFFFFF  }
0xa5: {  	s26 =	simm.s32 $execute0_lowered;
	[smem:$0x3FD2] =	sst s25  }
0xa6: {  	s5 =	sshll.u32 s26, $0x1;
	_ =	strace $0x8000004C;
	[dreg:$0x1] =	wrdreg $0xFFFFFFFF  }
0xa7: {  	s28 =	simm.s32 $_size_execute0_lowered;
	s3 =	sadd.s32 s3, s5;
	[dreg:$0x0] =	wrdreg $0x0  }
0xa8: {  	s5 =	sshll.u32 s28, $0x1;
	[dreg:$0x2] =	wrdreg s3  }
0xa9: {  	[dreg:$0x3] =	wrdreg s5  }
0xaa: {  	[dreg:$0x4] =	wrdreg $0xC0  }
0xab: {  	_ =	task [dreg:s7], $0x5FFFF  }
0xac: {  	[dreg:$0x1] =	wrdreg $0xFFFFFFFF  }
0xad: {  	[dreg:$0x0] =	wrdreg $0x60  }
0xae: {  	[dreg:$0x2] =	wrdreg s2  }
0xaf: {  	[dreg:$0x3] =	wrdreg s24  }
0xb0: {  	[dreg:$0x4] =	wrdreg $0x0  }
0xb1: {  	[dreg:$0x5] =	wrdreg $0x9  }
0xb2: {  	_ =	task.clear_ibuf [dreg:s7], $0x6FFFF;
	_ =	strace $0x9000004C  }
0xb3: {  	s29 =	simm.s32 $0x9;
	_ =	strace $0x8000004E  }
0xb4: {  	_ =	swait.ge [sflag:s29], $0x1  }
0xb5: {  	[sflag:s29] =	ssyncadd.s32 $0xFFFFFFFF  }
0xb6: {  	_ =	strace $0x9000004E  }
0xb7: {  	_ =	sfence  }
0xb8: {  	s30 =	sld [smem:$0x0];
	_ =	sdelay $0x2  }
0xb9: {  	s31 =	sshll.u32 s1, $0xD;
	s1 =	sshrl.u32 s1, $0x2  }
0xba: {  	s3 =	sand.u32 $0x4000, s31;
	s1 =	sadd.s32 s1, s30  }
0xbb: {  	s0 =	sor.u32 s3, s0;
	s1 =	sshll.u32 s1, $0x11  }
0xbc: {  	s0 =	sor.u32 s1, s0  }
0xbd: {  	s0 =	sadd.s32 $0x8F2B, s0  }
0xbe: {  	[sflag:s0] =	ssyncadd.remote.s32 $0x1  }
0xbf: {  	_ =	sfence.sel $0xFFFF  }
0xc0: {  	[dreg:$0x0] =	wrdreg $0xFFFFFFFF;
	(pc) =	sbr.abs _section_cstart, $3  }
0xc1: {  	[dreg:$0x1] =	wrdreg $0xFFFFFFFF  }
0xc2: {  	_ =	task.clear_ibuf [dreg:s7], $0x2FFFF;
	_ =	strace $0x9FFFFFFF  }
0xc3: {  	(tm) =	ssettm $0x7FFFFFFF  }
tec
execute0_lowered:
.L_overlay_start_1:
0x0: {  	(tag) =	ssettag $0x1  }
0x1: {  	s1 =	rddreg [dreg:$0x0]  }
0x2: {  	s0 =	rddreg [dreg:$0x1]  }
0x3: {  	s3 =	rddreg [dreg:$0x2];
	s2 =	srdreg.scid  }
0x4: {  	s6 =	stileid.u32;
	s7 =	simm.s32 $0x0;
	s16 =	simm.s32 $0x9C80  }
0x5: {  	s17 =	simm.s32 $0x5;
	s19 =	simm.s32 $0x10400;
	s20 =	simm.s32 $0x60  }
0x6: {  	s21 =	simm.s32 $0xEC00;
	s22 =	simm.s32 $0xF800;
	s23 =	simm.s32 $0x1  }
0x7: {  	s24 =	simm.s32 $0x2;
	s28 =	simm.s32 $0x11C00;
	s29 =	simm.s32 $0x3  }
0x8: {  	s30 =	simm.s32 $0x0;
	s2 =	sand.u32 $0x1, s2;
	s15 =	smul.u32 $0x9C40, s6  }
0x9: {  	[smem:$0x7FF] =	sst s7;
	s4 =	sshll.u32 s2, $0x4;
	s5 =	smul.u32 $0x9C400, s2  }
0xa: {  	_ =	strace $0x8000004D;
	s2 =	ssub.s32 $0x2, s2;
	s4 =	sor.u32 s6, s4  }
0xb: {  	s6 =	smul.u32 $0x27200, s6;
	s25 =	sshrl.u32 s2, $0x1;
	s31 =	sadd.s32 s15, s3  }
0xc: {  	s4 =	smul.u32 $0x4F8, s4;
	s5 =	sadd.s32 s15, s5;
	s2 =	ssub.s32 s2, s25  }
0xd: {  	s25 =	sshrl.u32 s31, $0x3;
	s5 =	sshrl.u32 s5, $0x3;
	s6 =	sshrl.u32 s6, $0x2  }
0xe: {  	s15 =	smax.u32 s2, $0x1;
	s4 =	sadd.s32 s4, s0;
	s0 =	sadd.s32 s5, s0  }
0xf: {  	s6 =	sadd.s32 s6, s3;
	s26 =	sadd.s32 $0xC000, s4;
	s7 =	sadd.s32 $0x2000, s4  }
0x10: {  	s8 =	sadd.s32 $0x1800, s6;
	s9 =	sadd.s32 $0x3000, s6;
	s10 =	sadd.s32 $0x4800, s6  }
0x11: {  	s11 =	sadd.s32 $0x6000, s6;
	s12 =	sadd.s32 $0x7800, s6;
	s13 =	sadd.s32 $0x9000, s6  }
0x12: {  	v0 =	vimm.f32 $0.0e+00;
	s14 =	sadd.s32 $0x16000, s0;
	[dreg:$0x4] =	wrdreg s26;
	s26 =	simm.s32 $0x4  }
.LBB2_1:
0x13: {  	s0 =	simm.s32 $0x0;
	s2 =	rddreg [dreg:$0x4]  }
0x14: {  	[tilespmem:s16], [sflag:$0x5] =	stream.linear.gather [hbm4b:s2+s0], $0x27C0, $0x38;
	[tilespmem:$0x13400] =	vst v63  }
0x15: {  	_ =	swait.ge [sflag:s17], $0x27C0  }
0x16: {  	[sflag:s17] =	ssyncset.done $0x0  }
0x17: {  	s31 =	simm.s32 $0xC440;
	[sflag:s17] =	ssyncadd.s32 $0xFFFFD840  }
0x18: {  	[tilespmem:s31], [sflag:$0x5] =	stream.linear.gather [hbm4b:s7+s0], $0x27C0, $0x38;
	[tilespmem:$0x13400] =	vst v63  }
0x19: {  	_ =	swait.ge [sflag:s17], $0x27C0  }
0x1a: {  	[sflag:s17] =	ssyncset.done $0x0  }
0x1b: {  	s2 =	simm.s32 $0x100;
	s0 =	simm.s32 $0x0;
	[sflag:s17] =	ssyncadd.s32 $0xFFFFD840  }
.LBB2_2:
0x1c: {  	p0 =	sne.s32 s2, $0x5F00;
	[tilespmem:s0+$0x10430] =	vst v0;
	s4 =	smov.u32 s2;
	s2 =	sadd.s32 $0x100, s2  }
.Ltmp0:
0x1d: {  	[tilespmem:s0+$0x10420] =	vst v0;
	(pc) =	sbr.rel @p0 .LBB2_2-.Ltmp0, $3  }
0x1e: {  	[tilespmem:s0+$0x10400] =	vst v0  }
0x1f: {  	[tilespmem:s0+$0x10410] =	vst v0;
	_ =	sdelay $0x1  }
0x20: {  	s0 =	sshra.s32 s4, $0x2  }
0x21: {  	[tilespmem:s0+$0x10430] =	vst v0  }
0x22: {  	[tilespmem:s0+$0x10420] =	vst v0  }
0x23: {  	[tilespmem:s0+$0x10400] =	vst v0  }
0x24: {  	[tilespmem:s0+$0x10410] =	vst v0  }
0x25: {  	[spmem:s6] =	stream.linear.scatter [tilespmem:s19], [sflag:$0x5], $0x1800, $0x38;
	[tilespmem:$0x13400] =	vst v63  }
0x26: {  	_ =	swait.ge [sflag:s17], $0x1800  }
0x27: {  	[sflag:s17] =	ssyncset.done $0x0  }
0x28: {  	[sflag:s17] =	ssyncadd.s32 $0xFFFFE800  }
0x29: {  	[spmem:s8] =	stream.linear.scatter [tilespmem:s19], [sflag:$0x5], $0x1800, $0x38;
	[tilespmem:$0x13400] =	vst v63  }
0x2a: {  	_ =	swait.ge [sflag:s17], $0x1800  }
0x2b: {  	[sflag:s17] =	ssyncset.done $0x0  }
0x2c: {  	[sflag:s17] =	ssyncadd.s32 $0xFFFFE800  }
0x2d: {  	[spmem:s9] =	stream.linear.scatter [tilespmem:s19], [sflag:$0x5], $0x1800, $0x38;
	[tilespmem:$0x13400] =	vst v63  }
0x2e: {  	_ =	swait.ge [sflag:s17], $0x1800  }
0x2f: {  	[sflag:s17] =	ssyncset.done $0x0  }
0x30: {  	[sflag:s17] =	ssyncadd.s32 $0xFFFFE800  }
0x31: {  	[spmem:s10] =	stream.linear.scatter [tilespmem:s19], [sflag:$0x5], $0x1800, $0x38;
	[tilespmem:$0x13400] =	vst v63  }
0x32: {  	_ =	swait.ge [sflag:s17], $0x1800  }
0x33: {  	[sflag:s17] =	ssyncset.done $0x0  }
0x34: {  	[sflag:s17] =	ssyncadd.s32 $0xFFFFE800  }
0x35: {  	[spmem:s11] =	stream.linear.scatter [tilespmem:s19], [sflag:$0x5], $0x1800, $0x38;
	[tilespmem:$0x13400] =	vst v63  }
0x36: {  	_ =	swait.ge [sflag:s17], $0x1800  }
0x37: {  	[sflag:s17] =	ssyncset.done $0x0  }
0x38: {  	[sflag:s17] =	ssyncadd.s32 $0xFFFFE800  }
0x39: {  	[spmem:s12] =	stream.linear.scatter [tilespmem:s19], [sflag:$0x5], $0x1800, $0x38;
	[tilespmem:$0x13400] =	vst v63  }
0x3a: {  	_ =	swait.ge [sflag:s17], $0x1800  }
0x3b: {  	[sflag:s17] =	ssyncset.done $0x0  }
0x3c: {  	[sflag:s17] =	ssyncadd.s32 $0xFFFFE800  }
0x3d: {  	[spmem:s13] =	stream.linear.scatter [tilespmem:s19], [sflag:$0x5], $0xC80, $0x38;
	[tilespmem:$0x13400] =	vst v63  }
0x3e: {  	_ =	swait.ge [sflag:s17], $0xC80  }
0x3f: {  	[sflag:s17] =	ssyncset.done $0x0  }
0x40: {  	[sflag:s17] =	ssyncadd.s32 $0xFFFFF380  }
0x41: {  	s31 =	simm.s32 $0x0;
	[bflag:$0x0] =	sbarrier.arrive $0xFFFF  }
0x42: {  	[tilespmem:s21], [sflag:$0x1] =	stream.indirect.gather [hbm4b:s1+s20], $0x20, s16, s20, $0xb8;
	[tilespmem:$0x13400] =	vst v63  }
.LBB2_4:
0x43: {  	s0 =	smul.u32 $0xC0, s31;
	_ =	sdelay $0x1  }
0x44: {  	s2 =	sadd.s32 $0x9CE0, s0  }
0x45: {  	[tilespmem:s22], [sflag:$0x2] =	stream.indirect.gather [hbm4b:s1+s20], $0x20, s2, s20, $0xb8;
	[tilespmem:$0x13400] =	vst v63  }
0x46: {  	_ =	swait.ge [sflag:s23], $0xC00  }
0x47: {  	p0 =	seq.s32 s31, $0x0;
	[sflag:s23] =	ssyncset.done $0x0  }
0x48: {  	s2 =	simm.s32 @!p0 $0x3;
	[sflag:s23] =	ssyncadd.s32 $0xFFFFF400  }
0x49: {  	_ =	swait.ge @!p0 [sflag:s2], $0x1800  }
0x4a: {  	[sflag:s2] =	ssyncset.done @!p0 $0x0  }
0x4b: {  	s18 =	simm.s32 $0x0;
	[sflag:s2] =	ssyncadd.s32 @!p0 $0xFFFFE800  }
0x4c: {  	v1 =	vld [tilespmem:s18+$0xEC00];
	_ =	sdelay $0x4  }
0x4d: {  	s2 =	simm.s32 $0x10420;
	v2 =	vunpack.i.l.bf16.f32 v1  }
0x4e: {  	v1 =	vunpack.i.u.bf16.f32 v1;
	[tilespmem:s2+$0xFFFFFFE0] =	vst v2  }
0x4f: {  	[tilespmem:s2+$0xFFFFFFF0] =	vst v1  }
0x50: {  	s4 =	simm.s32 $0x80;
	s0 =	sadd.s32 $0x60, s0;
	v1 =	vld [tilespmem:s18+$0xEC10];
	s18 =	simm.s32 $0x10420  }
.LBB2_5:
0x51: {  	_ =	sdelay $0x2  }
0x52: {  	p1 =	sne.s32 s4, $0x2F80  }
0x53: {  	s2 =	sadd.s32 $0x40, s2;
	s5 =	smov.u32 s4;
	s4 =	sadd.s32 $0x80, s4;
	v2 =	vunpack.i.u.bf16.f32 v1;
	v1 =	vunpack.i.l.bf16.f32 v1  }
0x54: {  	[tilespmem:s18+$0x0] =	vst v1  }
0x55: {  	s5 =	sshra.s32 s5, $0x2;
	[tilespmem:s18+$0x10] =	vst v2;
	s18 =	smov.u32 s2  }
0x56: {  	v1 =	vld [tilespmem:s5+$0xEC00];
	_ =	sdelay $0x3  }
.Ltmp1:
0x57: {  	(pc) =	sbr.rel @p1 .LBB2_5-.Ltmp1, $4  }
0x58: {  	v2 =	vunpack.i.u.bf16.f32 v1;
	v1 =	vunpack.i.l.bf16.f32 v1  }
0x59: {  	[tilespmem:s2+$0xFFFFFFE0] =	vst v1  }
0x5a: {  	[tilespmem:s2+$0xFFFFFFF0] =	vst v2  }
0x5b: {  	v1 =	vld [tilespmem:s5+$0xEC10]  }
0x5c: {  	_ =	sdelay $0x1  }
0x5d: {  	s2 =	smul.u32 $0x300, s31;
	p1 =	sne.s32 s31, $0x34  }
.Ltmp2:
0x5e: {  	_ = 	snop;
	(pc) =	sbr.rel @p1 .LBB2_8-.Ltmp2, $4  }
0x5f: {  	v2 =	vunpack.i.l.bf16.f32 v1  }
0x60: {  	s2 =	sshra.s32 s2, $0x2;
	v1 =	vunpack.i.u.bf16.f32 v1;
	[tilespmem:s18+$0x0] =	vst v2  }
0x61: {  	s4 =	sadd.s32 $0xC440, s2;
	[tilespmem:s18+$0x10] =	vst v1  }
0x62: {  	[spmem:s3] =	stream.indirect.scatter.add.f32 [tilespmem:s19], [sflag:$0x3], $0x40, s4, s20, $0xb8;
	[tilespmem:$0x13400] =	vst v63  }
.Ltmp3:
0x63: {  	(pc) =	sbr.rel .LBB2_9-.Ltmp3, $4  }
0x64: {  	_ = 	snop  }
0x65: {  	_ =	swait.ge [sflag:s24], $0xC00  }
0x66: {  	[sflag:s24] =	ssyncset.done $0x0  }
0x67: {  	[sflag:s24] =	ssyncadd.s32 $0xFFFFF400  }
.LBB2_8:
.Ltmp4:
0x68: {  	s2 =	sadd.s32 $0x9D40, s2;
	(pc) =	sbr.rel @p0 .LBB2_10-.Ltmp4, $4  }
0x69: {  	[tilespmem:s21], [sflag:$0x1] =	stream.indirect.gather [hbm4b:s1+s20], $0x20, s2, s20, $0xb8;
	[tilespmem:$0x13400] =	vst v63  }
0x6a: {  	_ =	swait.ge [sflag:s24], $0xC00  }
0x6b: {  	[sflag:s24] =	ssyncset.done $0x0  }
0x6c: {  	[sflag:s24] =	ssyncadd.s32 $0xFFFFF400  }
.LBB2_9:
0x6d: {  	_ =	swait.ge [sflag:s26], $0x1800  }
0x6e: {  	[sflag:s26] =	ssyncset.done $0x0  }
0x6f: {  	[sflag:s26] =	ssyncadd.s32 $0xFFFFE800  }
.LBB2_10:
0x70: {  	s5 =	simm.s32 $0x0  }
0x71: {  	v1 =	vld [tilespmem:s5+$0xF800];
	_ =	sdelay $0x4  }
0x72: {  	s2 =	simm.s32 $0x11C20;
	v2 =	vunpack.i.l.bf16.f32 v1  }
0x73: {  	v1 =	vunpack.i.u.bf16.f32 v1;
	[tilespmem:s2+$0xFFFFFFE0] =	vst v2  }
0x74: {  	[tilespmem:s2+$0xFFFFFFF0] =	vst v1  }
0x75: {  	s31 =	sadd.s32 $0x1, s31;
	s4 =	simm.s32 $0x80;
	s18 =	simm.s32 $0x11C20;
	v1 =	vld [tilespmem:s5+$0xF810]  }
.LBB2_11:
0x76: {  	_ =	sdelay $0x2  }
0x77: {  	p0 =	sne.s32 s4, $0x2F80  }
0x78: {  	s2 =	sadd.s32 $0x40, s2;
	s5 =	smov.u32 s4;
	s4 =	sadd.s32 $0x80, s4;
	v2 =	vunpack.i.u.bf16.f32 v1;
	v1 =	vunpack.i.l.bf16.f32 v1  }
0x79: {  	[tilespmem:s18+$0x0] =	vst v1  }
0x7a: {  	s5 =	sshra.s32 s5, $0x2;
	[tilespmem:s18+$0x10] =	vst v2;
	s18 =	smov.u32 s2  }
0x7b: {  	v1 =	vld [tilespmem:s5+$0xF800];
	_ =	sdelay $0x3  }
.Ltmp5:
0x7c: {  	(pc) =	sbr.rel @p0 .LBB2_11-.Ltmp5, $4  }
0x7d: {  	v2 =	vunpack.i.u.bf16.f32 v1;
	v1 =	vunpack.i.l.bf16.f32 v1  }
0x7e: {  	[tilespmem:s2+$0xFFFFFFE0] =	vst v1  }
0x7f: {  	[tilespmem:s2+$0xFFFFFFF0] =	vst v2  }
0x80: {  	v1 =	vld [tilespmem:s5+$0xF810]  }
0x81: {  	_ =	sdelay $0x1  }
0x82: {  	p0 =	sne.s32 s31, $0x35  }
.Ltmp6:
0x83: {  	_ = 	snop;
	(pc) =	sbr.rel @p0 .LBB2_4-.Ltmp6, $4  }
0x84: {  	v2 =	vunpack.i.l.bf16.f32 v1  }
0x85: {  	v1 =	vunpack.i.u.bf16.f32 v1;
	[tilespmem:s18+$0x0] =	vst v2  }
0x86: {  	s0 =	sadd.s32 $0xC440, s0;
	[tilespmem:s18+$0x10] =	vst v1  }
0x87: {  	[spmem:s3] =	stream.indirect.scatter.add.f32 [tilespmem:s28], [sflag:$0x4], $0x40, s0, s20, $0xb8;
	[tilespmem:$0x13400] =	vst v63  }
0x88: {  	_ =	swait.ge [sflag:s29], $0x1800  }
0x89: {  	[sflag:s29] =	ssyncset.done $0x0  }
0x8a: {  	[sflag:s29] =	ssyncadd.s32 $0xFFFFE800  }
0x8b: {  	_ =	swait.ge [sflag:s26], $0x1800  }
0x8c: {  	s0 =	stileid.u32;
	s30 =	sadd.s32 $0x1, s30;
	[sflag:s26] =	ssyncset.done $0x0  }
0x8d: {  	s0 =	sshll.u32 s0, $0x6;
	p0 =	sne.s32 s30, s15;
	[sflag:s26] =	ssyncadd.s32 $0xFFFFE800  }
.Ltmp7:
0x8e: {  	s0 =	sor.u32 $0x1C05, s0;
	[bflag:$0x0] =	sbarrier.arrive $0xFFFF;
	(pc) =	sbr.rel @p0 .LBB2_1-.Ltmp7, $4  }
0x8f: {  	[hbm:s14], [sflag:s0] =	dma.local [spmem:s25], $0x1388  }
0x90: {  	_ =	swait.ge [sflag:s17], $0x1388  }
0x91: {  	[sflag:s17] =	ssyncset.done $0x0  }
0x92: {  	[sflag:s17] =	ssyncadd.s32 $0xFFFFEC78  }
0x93: {  	_ =	sfence.sel $0x180000  }
0x94: {  	[bflag:$0x0] =	sbarrier.arrive $0xFFFF  }
0x95: {  	_ =	strace $0x9000004D  }
0x96: {  	s0 =	stileid.u32;
	[bflag:$0x2] =	sbarrier.arrive $0xFFFF  }
0x97: {  	p0 =	sne.s32 s0, $0x0;
	s0 =	rddreg [dreg:$0x3]  }
0x98: {  	s0 =	sadd.s32 @!p0 $0x100000, s0  }
0x99: {  	[sflag:s0] =	ssyncadd.tile.s32 @!p0 $0x1;
	_ =	shalt  }
.Lfunc_end2:
_tile_overlayer_lowered:
.L_overlay_start_2:
0x9a: {  	(tag) =	ssettag $0x2  }
0x9b: {  	s0 =	rddreg [dreg:$0x0];
	s2 =	stileid.u32  }
0x9c: {  	s1 =	rddreg [dreg:$0x1];
	p0 =	sne.s32 s2, $0x0  }
0x9d: {  	s3 =	rddreg [dreg:$0x2];
	[bflag:$0x3] =	sbarrier.arrive $0xFFFF;
	s2 =	simm.s32 @!p0 $0x1C05  }
0x9e: {  	[timem:s3], [sflag:s2] =	dma.local @!p0 [hbm:s0], s1  }
0x9f: {  	s0 =	simm.s32 @!p0 $0x5  }
0xa0: {  	_ =	swait.ge @!p0 [sflag:s0], s1  }
0xa1: {  	s1 =	ssub.s32 @!p0 $0x0, s1;
	[sflag:s0] =	ssyncset.done @!p0 $0x0  }
0xa2: {  	[sflag:s0] =	ssyncadd.s32 @!p0 s1  }
0xa3: {  	[bflag:$0x3] =	sbarrier.arrive $0xFFFF  }
0xa4: {  	_ =	shalt  }

// kernel: kernel.9.cloned.1.call-start
scs
__scs_entry_jumppad:
0x0: {  	(pc) =	sbr.rel $0x88, $3  }
0x1: {  	(tag) =	ssettag $0x0;
	lr =	simm.s32 $0x1  }
0x2: {  	[smem:$0x3F99] =	sst lr;
	_ =	strace $0xD0000000  }
0x3: {  	_ = 	snop  }
0x4: {  	_ = 	snop  }
0x5: {  	_ = 	snop  }
0x6: {  	_ = 	snop  }
0x7: {  	_ = 	snop  }
__scs_overlays_trampoline_lowered:
0x8: {  	[smem:$0x3FA8] =	sst s0  }
0x9: {  	[smem:$0x3FA9] =	sst s1  }
0xa: {  	[smem:$0x3FAA] =	sst s2  }
0xb: {  	[smem:$0x3FAB] =	sst s3  }
0xc: {  	[smem:$0x3FAC] =	sst s4  }
0xd: {  	[smem:$0x3FAD] =	sst s5  }
0xe: {  	[smem:$0x3FAE] =	sst s6  }
0xf: {  	[smem:$0x3FAF] =	sst s7  }
0x10: {  	[smem:$0x3FB0] =	sst s8  }
0x11: {  	[smem:$0x3FB1] =	sst s9;
	s0 =	simm.s32 @!p0 $0x0  }
0x12: {  	s1 =	sld [smem:$0x3F97];
	s0 =	simm.s32 @p0 $0x1  }
0x13: {  	[smem:$0x3FB2] =	sst s0;
	s0 =	simm.s32 @!p1 $0x0  }
0x14: {  	s2 =	sld [smem:$0x3F96];
	s0 =	simm.s32 @p1 $0x1  }
0x15: {  	[smem:$0x3FB3] =	sst s0;
	s0 =	simm.s32 @!p2 $0x0  }
0x16: {  	s3 =	sld [smem:$0x3FDB];
	s0 =	simm.s32 @p2 $0x1  }
0x17: {  	s4 =	simm.s32 $0x1BF5;
	[smem:$0x3FB5] =	sst s0  }
0x18: {  	s0 =	sld [smem:$0x3F98];
	_ =	swait.ge [sflag:s4], $0x0  }
0x19: {  	s7 =	sld [smem:$0x3F99]  }
0x1a: {  	s8 =	sadd.s32 $0xFFFFE003, lr  }
0x1b: {  	s9 =	sadd.s32 $0xFFFFFEF7, lr;
	s5 =	simm.s32 $0xFFFFFFFF;
	p2 =	slt.u32 s8, $0xFFFFF086  }
0x1c: {  	p1 =	slt.u32 s9, $0xF7A;
	s5 =	simm.s32 @!p2 $0x0  }
0x1d: {  	s5 =	simm.s32 @p1 $0x1;
	p0 =	seq.s32 s7, s2  }
0x1e: {  	s7 =	smul.u32 @!p0 $0xF7A, s2;
	p2 =	seq.s32 @!p0 s5, $0x0  }
0x1f: {  	s9 =	smul.u32 $0xF7A, s1;
	s8 =	simm.s32 @!p0 $0x1BF5;
	p2 =	por !p2, p0  }
0x20: {  	[sflag:s8] =	ssyncset.s32 @!p0 $0xFFFFF086;
	s6 =	sadd.s32 @!p0 s3, s7;
	s7 =	simm.s32 @!p0 $0x108  }
0x21: {  	s3 =	sadd.s32 s3, s9;
	s6 =	sadd.s32 @!p0 $0x88, s6;
	s7 =	simm.s32 @p2 $0x1082  }
0x22: {  	[simem:s7], [sflag:s8] =	dma.local @!p0 [hbm:s6], $0xF7A  }
0x23: {  	s9 =	sor.u32 $0xD0000000, s2;
	s6 =	simm.s32 $0x108;
	_ =	swait.ge @!p0 [sflag:s8], $0x0  }
0x24: {  	s3 =	sadd.s32 $0x88, s3;
	s6 =	simm.s32 @!p1 $0x1082;
	[sflag:s4] =	ssyncset.s32 $0xFFFFF086  }
0x25: {  	[simem:s6], [sflag:s4] =	dma.local [hbm:s3], $0xF7A  }
0x26: {  	[smem:$0x3F99] =	sst s1;
	(tag) =	ssettag s2;
	_ =	strace s9  }
0x27: {  	s1 =	sld [smem:$0x3FA9]  }
0x28: {  	s2 =	sld [smem:$0x3FAA]  }
0x29: {  	s4 =	sld [smem:$0x3FAC]  }
0x2a: {  	p0 =	seq.s32 s5, $0x0;
	s5 =	sld [smem:$0x3FAD]  }
0x2b: {  	s6 =	sld [smem:$0x3FAE]  }
0x2c: {  	s7 =	sld [smem:$0x3FAF]  }
0x2d: {  	s3 =	simm.s32 $0x108;
	s8 =	sld [smem:$0x3FB0]  }
0x2e: {  	s3 =	simm.s32 @!p0 $0x1082;
	s9 =	sld [smem:$0x3FB1]  }
0x2f: {  	lr =	sadd.s32 s0, s3;
	s0 =	sld [smem:$0x3FA8]  }
0x30: {  	s3 =	sld [smem:$0x3FAB]  }
0x31: {  	[smem:$0x3FB4] =	sst s10  }
0x32: {  	s10 =	sld [smem:$0x3FB2];
	_ =	sdelay $0x3  }
0x33: {  	p0 =	seq.s32 s10, $0x1;
	s10 =	sld [smem:$0x3FB4];
	_ =	sdelay $0x3  }
0x34: {  	[smem:$0x3FB4] =	sst s10  }
0x35: {  	s10 =	sld [smem:$0x3FB3];
	_ =	sdelay $0x3  }
0x36: {  	p1 =	seq.s32 s10, $0x1;
	s10 =	sld [smem:$0x3FB4];
	_ =	sdelay $0x3  }
0x37: {  	[smem:$0x3FB4] =	sst s10  }
0x38: {  	s10 =	sld [smem:$0x3FB5]  }
0x39: {  	_ = 	snop;
	(pc) =	sbr.ind lr, $3  }
0x3a: {  	_ = 	snop  }
0x3b: {  	_ = 	snop  }
0x3c: {  	p2 =	seq.s32 s10, $0x1;
	s10 =	sld [smem:$0x3FB4]  }
0x3d: {  	_ =	shalt  }
0x3e: {  	_ =	shalt  }
0x3f: {  	_ =	shalt  }
0x40: {  	_ =	shalt  }
0x41: {  	_ =	shalt  }
0x42: {  	_ =	shalt  }
0x43: {  	_ =	shalt  }
0x44: {  	_ =	shalt  }
0x45: {  	_ =	shalt  }
0x46: {  	_ =	shalt  }
0x47: {  	_ =	shalt  }
0x48: {  	_ =	shalt  }
0x49: {  	_ =	shalt  }
0x4a: {  	_ =	shalt  }
0x4b: {  	_ =	shalt  }
0x4c: {  	_ =	shalt  }
0x4d: {  	_ =	shalt  }
0x4e: {  	_ =	shalt  }
0x4f: {  	_ =	shalt  }
0x50: {  	_ =	shalt  }
0x51: {  	_ =	shalt  }
0x52: {  	_ =	shalt  }
0x53: {  	_ =	shalt  }
0x54: {  	_ =	shalt  }
0x55: {  	_ =	shalt  }
0x56: {  	_ =	shalt  }
0x57: {  	_ =	shalt  }
0x58: {  	_ =	shalt  }
0x59: {  	_ =	shalt  }
0x5a: {  	_ =	shalt  }
0x5b: {  	_ =	shalt  }
0x5c: {  	_ =	shalt  }
0x5d: {  	_ =	shalt  }
0x5e: {  	_ =	shalt  }
0x5f: {  	_ =	shalt  }
0x60: {  	_ =	shalt  }
0x61: {  	_ =	shalt  }
0x62: {  	_ =	shalt  }
0x63: {  	_ =	shalt  }
0x64: {  	_ =	shalt  }
0x65: {  	_ =	shalt  }
0x66: {  	_ =	shalt  }
0x67: {  	_ =	shalt  }
0x68: {  	_ =	shalt  }
0x69: {  	_ =	shalt  }
0x6a: {  	_ =	shalt  }
0x6b: {  	_ =	shalt  }
0x6c: {  	_ =	shalt  }
0x6d: {  	_ =	shalt  }
0x6e: {  	_ =	shalt  }
0x6f: {  	_ =	shalt  }
0x70: {  	_ =	shalt  }
0x71: {  	_ =	shalt  }
0x72: {  	_ =	shalt  }
0x73: {  	_ =	shalt  }
0x74: {  	_ =	shalt  }
0x75: {  	_ =	shalt  }
0x76: {  	_ =	shalt  }
0x77: {  	_ =	shalt  }
0x78: {  	_ =	shalt  }
0x79: {  	_ =	shalt  }
0x7a: {  	_ =	shalt  }
0x7b: {  	_ =	shalt  }
0x7c: {  	_ =	shalt  }
0x7d: {  	_ =	shalt  }
0x7e: {  	_ =	shalt  }
0x7f: {  	_ =	shalt  }
0x80: {  	_ =	shalt  }
0x81: {  	_ =	shalt  }
0x82: {  	_ =	shalt  }
0x83: {  	_ =	shalt  }
0x84: {  	_ =	shalt  }
0x85: {  	_ =	shalt  }
0x86: {  	_ =	shalt  }
0x87: {  	_ =	shalt  }
.Lfunc_end0:
.L_simem_size_0:
called_computation_lowered:
.L_overlay_start_0:
0x88: {  	s2 =	sld [smem:$0x3FD9]  }
0x89: {  	s3 =	sld [smem:$0x3FFE];
	_ =	sdelay $0x1  }
0x8a: {  	s1 =	srdreg.scid  }
0x8b: {  	s0 =	sand.u32 $0x1, s1  }
0x8c: {  	s17 =	sshll.u32 s0, $0xA;
	s2 =	sadd.s32 s3, s2  }
0x8d: {  	s2 =	sadd.s32 s2, s17  }
0x8e: {  	[smem:$0x3FC0] =	sst s2  }
0x8f: {  	_ = 	snop  }
0x90: {  	s2 =	sld [smem:$0x3FD0];
	(tm) =	ssettm $0x1  }
0x91: {  	s18 =	sld [smem:$0x3FFB];
	_ =	sdelay $0x3  }
0x92: {  	_ =	strace s18  }
0x93: {  	s3 =	sld [smem:$0x3FFC];
	_ =	sdelay $0x3  }
0x94: {  	_ =	strace s3  }
0x95: {  	s3 =	sld [smem:$0x3FFD];
	_ =	sdelay $0x3  }
0x96: {  	_ =	strace s3  }
0x97: {  	_ =	strace $0x8FFFFFFF  }
0x98: {  	s19 =	sld [smem:$0x3FDB];
	_ =	sdelay $0x1  }
0x99: {  	s4 =	simm.s32 $_scs_section_size  }
0x9a: {  	s5 =	simm.s32 $_size__tile_overlayer_lowered;
	s6 =	simm.s32 $_tile_overlayer_lowered  }
0x9b: {  	s22 =	simm.s32 $0x1BFF;
	s21 =	sshll.u32 s6, $0x1;
	s3 =	sadd.s32 s4, s19  }
0x9c: {  	s7 =	simm.s32 $0x0;
	s20 =	sshll.u32 s5, $0x1;
	s5 =	sadd.s32 s21, s3  }
0x9d: {  	[timem:s7], [sflag:s22] =	dma.local [hbm:s5], s20  }
0x9e: {  	_ =	swait.ge [sflag:s22], s20  }
0x9f: {  	s4 =	ssub.s32 $0x0, s20;
	[sflag:s22] =	ssyncset.done $0x0  }
0xa0: {  	[sflag:s22] =	ssyncadd.s32 s4;
	_ =	sdelay $0x1  }
0xa1: {  	s23 =	simm.s32 $0x1B8B  }
0xa2: {  	_ =	swait.ge [sflag:s23], $0x1  }
0xa3: {  	[sflag:s23] =	ssyncset.done $0x0  }
0xa4: {  	s25 =	simm.s32 $0x1B8E;
	s24 =	sld [smem:$0x3FFE];
	[sflag:s23] =	ssyncadd.s32 $0xFFFFFFFF  }
0xa5: {  	s26 =	simm.s32 $execute0_lowered;
	[smem:$0x3FD2] =	sst s25  }
0xa6: {  	s5 =	sshll.u32 s26, $0x1;
	_ =	strace $0x80000046;
	[dreg:$0x1] =	wrdreg $0xFFFFFFFF  }
0xa7: {  	s28 =	simm.s32 $_size_execute0_lowered;
	s3 =	sadd.s32 s3, s5;
	[dreg:$0x0] =	wrdreg $0x0  }
0xa8: {  	s5 =	sshll.u32 s28, $0x1;
	[dreg:$0x2] =	wrdreg s3  }
0xa9: {  	[dreg:$0x3] =	wrdreg s5  }
0xaa: {  	[dreg:$0x4] =	wrdreg $0xC0  }
0xab: {  	_ =	task [dreg:s7], $0x5FFFF  }
0xac: {  	[dreg:$0x1] =	wrdreg $0xFFFFFFFF  }
0xad: {  	[dreg:$0x0] =	wrdreg $0x60  }
0xae: {  	[dreg:$0x2] =	wrdreg s2  }
0xaf: {  	[dreg:$0x3] =	wrdreg s24  }
0xb0: {  	[dreg:$0x4] =	wrdreg $0x0  }
0xb1: {  	[dreg:$0x5] =	wrdreg $0x9  }
0xb2: {  	_ =	task.clear_ibuf [dreg:s7], $0x6FFFF;
	_ =	strace $0x90000046  }
0xb3: {  	s29 =	simm.s32 $0x9;
	_ =	strace $0x80000048  }
0xb4: {  	_ =	swait.ge [sflag:s29], $0x1  }
0xb5: {  	[sflag:s29] =	ssyncadd.s32 $0xFFFFFFFF  }
0xb6: {  	_ =	strace $0x90000048  }
0xb7: {  	_ =	sfence  }
0xb8: {  	s30 =	sld [smem:$0x0];
	_ =	sdelay $0x2  }
0xb9: {  	s31 =	sshll.u32 s1, $0xD;
	s1 =	sshrl.u32 s1, $0x2  }
0xba: {  	s3 =	sand.u32 $0x4000, s31;
	s1 =	sadd.s32 s1, s30  }
0xbb: {  	s0 =	sor.u32 s3, s0;
	s1 =	sshll.u32 s1, $0x11  }
0xbc: {  	s0 =	sor.u32 s1, s0  }
0xbd: {  	s0 =	sadd.s32 $0x8F2B, s0  }
0xbe: {  	[sflag:s0] =	ssyncadd.remote.s32 $0x1  }
0xbf: {  	_ =	sfence.sel $0xFFFF  }
0xc0: {  	[dreg:$0x0] =	wrdreg $0xFFFFFFFF;
	(pc) =	sbr.abs _section_cstart, $3  }
0xc1: {  	[dreg:$0x1] =	wrdreg $0xFFFFFFFF  }
0xc2: {  	_ =	task.clear_ibuf [dreg:s7], $0x2FFFF;
	_ =	strace $0x9FFFFFFF  }
0xc3: {  	(tm) =	ssettm $0x7FFFFFFF  }
tec
execute0_lowered:
.L_overlay_start_1:
0x0: {  	(tag) =	ssettag $0x1  }
0x1: {  	s1 =	rddreg [dreg:$0x0]  }
0x2: {  	s0 =	rddreg [dreg:$0x1]  }
0x3: {  	s2 =	rddreg [dreg:$0x2];
	s3 =	srdreg.scid;
	s6 =	simm.s32 $0x0  }
0x4: {  	s7 =	stileid.u32;
	s28 =	simm.s32 $0x1C7A0;
	s29 =	simm.s32 $0x30  }
0x5: {  	s30 =	simm.s32 $0x1AFA0;
	s31 =	simm.s32 $0x1BBA0;
	s3 =	sand.u32 $0x1, s3  }
0x6: {  	[smem:$0x7FF] =	sst s6;
	s12 =	smul.u32 $0x15F90, s7;
	s6 =	simm.s32 $0x0  }
0x7: {  	s4 =	sshll.u32 s3, $0x4;
	s5 =	smul.u32 $0x15F900, s3;
	_ =	strace $0x80000047  }
0x8: {  	s3 =	ssub.s32 $0x2, s3;
	s4 =	sor.u32 s7, s4;
	s7 =	smul.u32 $0x58080, s7  }
0x9: {  	s8 =	sshrl.u32 s3, $0x1;
	s4 =	smul.u32 $0x4F8, s4;
	s5 =	sadd.s32 s12, s5  }
0xa: {  	s26 =	sadd.s32 s12, s2;
	s3 =	ssub.s32 s3, s8;
	s5 =	sshrl.u32 s5, $0x3  }
0xb: {  	s19 =	sshrl.u32 s7, $0x2;
	s4 =	sadd.s32 s4, s0;
	s0 =	sadd.s32 s5, s0  }
0xc: {  	s7 =	sadd.s32 s19, s2;
	s5 =	simm.s32 $0x3;
	s20 =	sadd.s32 $0xC000, s4  }
0xd: {  	s4 =	sadd.s32 $0x2000, s4;
	s21 =	sadd.s32 $0x1B00, s7;
	[dreg:$0x4] =	wrdreg s20  }
0xe: {  	s22 =	sadd.s32 $0x3600, s7;
	s23 =	sadd.s32 $0x5100, s7;
	[dreg:$0x5] =	wrdreg s4  }
0xf: {  	s24 =	sadd.s32 $0x6C00, s7;
	s25 =	sadd.s32 $0x8700, s7;
	[dreg:$0x6] =	wrdreg s21  }
0x10: {  	s13 =	sadd.s32 $0xA200, s7;
	s14 =	sadd.s32 $0xBD00, s7;
	[dreg:$0x7] =	wrdreg s22  }
0x11: {  	s15 =	sadd.s32 $0xD800, s7;
	s16 =	sadd.s32 $0xF300, s7;
	[dreg:$0x8] =	wrdreg s23  }
0x12: {  	s17 =	sadd.s32 $0x10E00, s7;
	s18 =	sadd.s32 $0x12900, s7;
	[dreg:$0x9] =	wrdreg s24  }
0x13: {  	s19 =	sadd.s32 $0x14400, s7;
	[dreg:$0xa] =	wrdreg s25;
	s20 =	sadd.s32 $0x15F00, s7  }
0x14: {  	s21 =	sadd.s32 $0x16000, s0;
	s22 =	smax.u32 s3, $0x1;
	s23 =	simm.s32 $0x16020  }
0x15: {  	s24 =	simm.s32 $0x5;
	s25 =	sshrl.u32 s26, $0x3;
	s0 =	simm.s32 $0x1  }
0x16: {  	v0 =	vimm.f32 $0.0e+00;
	v1 =	vimm.f32 $1.000000000e+00;
	s26 =	simm.s32 $0x2;
	s3 =	simm.s32 $0x4;
	s4 =	simm.s32 $0x1E2A0  }
.LBB2_1:
0x17: {  	s8 =	simm.s32 $0x0;
	s9 =	rddreg [dreg:$0x4]  }
0x18: {  	[tilespmem:s23], [sflag:$0x5] =	stream.linear.gather [hbm4b:s9+s8], $0x27C0, $0x38;
	[tilespmem:$0x1FDA0] =	vst v63  }
0x19: {  	_ =	swait.ge [sflag:s24], $0x27C0  }
0x1a: {  	[sflag:s24] =	ssyncset.done $0x0  }
0x1b: {  	s10 =	simm.s32 $0x187E0;
	s12 =	rddreg [dreg:$0x5];
	[sflag:s24] =	ssyncadd.s32 $0xFFFFD840  }
0x1c: {  	[tilespmem:s10], [sflag:$0x5] =	stream.linear.gather [hbm4b:s12+s8], $0x27C0, $0x38;
	[tilespmem:$0x1FDA0] =	vst v63  }
0x1d: {  	_ =	swait.ge [sflag:s24], $0x27C0  }
0x1e: {  	[sflag:s24] =	ssyncset.done $0x0  }
0x1f: {  	s9 =	simm.s32 $0x240;
	s8 =	simm.s32 $0x0;
	[sflag:s24] =	ssyncadd.s32 $0xFFFFD840  }
.LBB2_2:
0x20: {  	p0 =	sne.s32 s9, $0x69C0;
	[tilespmem:s8+$0x1C820] =	vst v0  }
0x21: {  	[tilespmem:s8+$0x1C7A0] =	vst v0  }
0x22: {  	[tilespmem:s8+$0x1C7B0] =	vst v0  }
0x23: {  	[tilespmem:s8+$0x1C7C0] =	vst v0  }
.Ltmp0:
0x24: {  	[tilespmem:s8+$0x1C7D0] =	vst v0;
	(pc) =	sbr.rel @p0 .LBB2_2-.Ltmp0, $4  }
0x25: {  	[tilespmem:s8+$0x1C7E0] =	vst v0  }
0x26: {  	[tilespmem:s8+$0x1C7F0] =	vst v0  }
0x27: {  	[tilespmem:s8+$0x1C800] =	vst v0  }
0x28: {  	[tilespmem:s8+$0x1C810] =	vst v0;
	s8 =	sshra.s32 s9, $0x2;
	s9 =	sadd.s32 $0x240, s9  }
0x29: {  	[tilespmem:s8+$0x1C820] =	vst v0  }
0x2a: {  	[tilespmem:s8+$0x1C7A0] =	vst v0  }
0x2b: {  	[tilespmem:s8+$0x1C7B0] =	vst v0  }
0x2c: {  	[tilespmem:s8+$0x1C7C0] =	vst v0  }
0x2d: {  	[tilespmem:s8+$0x1C7D0] =	vst v0  }
0x2e: {  	[tilespmem:s8+$0x1C7E0] =	vst v0  }
0x2f: {  	[tilespmem:s8+$0x1C7F0] =	vst v0  }
0x30: {  	[tilespmem:s8+$0x1C800] =	vst v0  }
0x31: {  	[tilespmem:s8+$0x1C810] =	vst v0  }
0x32: {  	[spmem:s7] =	stream.linear.scatter [tilespmem:s28], [sflag:$0x5], $0x1B00, $0x38;
	[tilespmem:$0x1FDA0] =	vst v63  }
0x33: {  	_ =	swait.ge [sflag:s24], $0x1B00  }
0x34: {  	[sflag:s24] =	ssyncset.done $0x0  }
0x35: {  	s12 =	rddreg [dreg:$0x6];
	[sflag:s24] =	ssyncadd.s32 $0xFFFFE500  }
0x36: {  	[spmem:s12] =	stream.linear.scatter [tilespmem:s28], [sflag:$0x5], $0x1B00, $0x38;
	[tilespmem:$0x1FDA0] =	vst v63  }
0x37: {  	_ =	swait.ge [sflag:s24], $0x1B00  }
0x38: {  	[sflag:s24] =	ssyncset.done $0x0  }
0x39: {  	s9 =	rddreg [dreg:$0x7];
	[sflag:s24] =	ssyncadd.s32 $0xFFFFE500  }
0x3a: {  	[spmem:s9] =	stream.linear.scatter [tilespmem:s28], [sflag:$0x5], $0x1B00, $0x38;
	[tilespmem:$0x1FDA0] =	vst v63  }
0x3b: {  	_ =	swait.ge [sflag:s24], $0x1B00  }
0x3c: {  	[sflag:s24] =	ssyncset.done $0x0  }
0x3d: {  	s10 =	rddreg [dreg:$0x8];
	[sflag:s24] =	ssyncadd.s32 $0xFFFFE500  }
0x3e: {  	[spmem:s10] =	stream.linear.scatter [tilespmem:s28], [sflag:$0x5], $0x1B00, $0x38;
	[tilespmem:$0x1FDA0] =	vst v63  }
0x3f: {  	_ =	swait.ge [sflag:s24], $0x1B00  }
0x40: {  	[sflag:s24] =	ssyncset.done $0x0  }
0x41: {  	s11 =	rddreg [dreg:$0x9];
	[sflag:s24] =	ssyncadd.s32 $0xFFFFE500  }
0x42: {  	[spmem:s11] =	stream.linear.scatter [tilespmem:s28], [sflag:$0x5], $0x1B00, $0x38;
	[tilespmem:$0x1FDA0] =	vst v63  }
0x43: {  	_ =	swait.ge [sflag:s24], $0x1B00  }
0x44: {  	[sflag:s24] =	ssyncset.done $0x0  }
0x45: {  	s12 =	rddreg [dreg:$0xa];
	[sflag:s24] =	ssyncadd.s32 $0xFFFFE500  }
0x46: {  	[spmem:s12] =	stream.linear.scatter [tilespmem:s28], [sflag:$0x5], $0x1B00, $0x38;
	[tilespmem:$0x1FDA0] =	vst v63  }
0x47: {  	_ =	swait.ge [sflag:s24], $0x1B00  }
0x48: {  	[sflag:s24] =	ssyncset.done $0x0  }
0x49: {  	[sflag:s24] =	ssyncadd.s32 $0xFFFFE500  }
0x4a: {  	[spmem:s13] =	stream.linear.scatter [tilespmem:s28], [sflag:$0x5], $0x1B00, $0x38;
	[tilespmem:$0x1FDA0] =	vst v63  }
0x4b: {  	_ =	swait.ge [sflag:s24], $0x1B00  }
0x4c: {  	[sflag:s24] =	ssyncset.done $0x0  }
0x4d: {  	[sflag:s24] =	ssyncadd.s32 $0xFFFFE500  }
0x4e: {  	[spmem:s14] =	stream.linear.scatter [tilespmem:s28], [sflag:$0x5], $0x1B00, $0x38;
	[tilespmem:$0x1FDA0] =	vst v63  }
0x4f: {  	_ =	swait.ge [sflag:s24], $0x1B00  }
0x50: {  	[sflag:s24] =	ssyncset.done $0x0  }
0x51: {  	[sflag:s24] =	ssyncadd.s32 $0xFFFFE500  }
0x52: {  	[spmem:s15] =	stream.linear.scatter [tilespmem:s28], [sflag:$0x5], $0x1B00, $0x38;
	[tilespmem:$0x1FDA0] =	vst v63  }
0x53: {  	_ =	swait.ge [sflag:s24], $0x1B00  }
0x54: {  	[sflag:s24] =	ssyncset.done $0x0  }
0x55: {  	[sflag:s24] =	ssyncadd.s32 $0xFFFFE500  }
0x56: {  	[spmem:s16] =	stream.linear.scatter [tilespmem:s28], [sflag:$0x5], $0x1B00, $0x38;
	[tilespmem:$0x1FDA0] =	vst v63  }
0x57: {  	_ =	swait.ge [sflag:s24], $0x1B00  }
0x58: {  	[sflag:s24] =	ssyncset.done $0x0  }
0x59: {  	[sflag:s24] =	ssyncadd.s32 $0xFFFFE500  }
0x5a: {  	[spmem:s17] =	stream.linear.scatter [tilespmem:s28], [sflag:$0x5], $0x1B00, $0x38;
	[tilespmem:$0x1FDA0] =	vst v63  }
0x5b: {  	_ =	swait.ge [sflag:s24], $0x1B00  }
0x5c: {  	[sflag:s24] =	ssyncset.done $0x0  }
0x5d: {  	[sflag:s24] =	ssyncadd.s32 $0xFFFFE500  }
0x5e: {  	[spmem:s18] =	stream.linear.scatter [tilespmem:s28], [sflag:$0x5], $0x1B00, $0x38;
	[tilespmem:$0x1FDA0] =	vst v63  }
0x5f: {  	_ =	swait.ge [sflag:s24], $0x1B00  }
0x60: {  	[sflag:s24] =	ssyncset.done $0x0  }
0x61: {  	[sflag:s24] =	ssyncadd.s32 $0xFFFFE500  }
0x62: {  	[spmem:s19] =	stream.linear.scatter [tilespmem:s28], [sflag:$0x5], $0x1B00, $0x38;
	[tilespmem:$0x1FDA0] =	vst v63  }
0x63: {  	_ =	swait.ge [sflag:s24], $0x1B00  }
0x64: {  	[sflag:s24] =	ssyncset.done $0x0  }
0x65: {  	[sflag:s24] =	ssyncadd.s32 $0xFFFFE500  }
0x66: {  	[spmem:s20] =	stream.linear.scatter [tilespmem:s28], [sflag:$0x5], $0x120, $0x38;
	[tilespmem:$0x1FDA0] =	vst v63  }
0x67: {  	_ =	swait.ge [sflag:s24], $0x120  }
0x68: {  	[sflag:s24] =	ssyncset.done $0x0  }
0x69: {  	s8 =	simm.s32 $0x440;
	s9 =	simm.s32 $0x80;
	[sflag:s24] =	ssyncadd.s32 $0xFFFFFEE0  }
.LBB2_4:
0x6a: {  	p0 =	sne.s32 s8, $0x6BC0;
	[tilespmem:s9+$0x1C7A0] =	vst v1;
	s10 =	smov.u32 s8;
	s8 =	sadd.s32 $0x240, s8  }
.Ltmp1:
0x6b: {  	[tilespmem:s9+$0x1E2A0] =	vst v1;
	(pc) =	sbr.rel @p0 .LBB2_4-.Ltmp1, $2  }
0x6c: {  	_ =	sdelay $0x2  }
0x6d: {  	s9 =	sshra.s32 s10, $0x2  }
0x6e: {  	[tilespmem:s9+$0x1C7A0] =	vst v1  }
0x6f: {  	[tilespmem:s9+$0x1E2A0] =	vst v1  }
0x70: {  	s8 =	simm.s32 $0x0;
	[bflag:$0x0] =	sbarrier.arrive $0xFFFF  }
0x71: {  	[tilespmem:s30], [sflag:$0x1] =	stream.indirect.gather [hbm4b:s1+s29], $0x40, s23, s29, $0xb8;
	[tilespmem:$0x1FDA0] =	vst v63  }
.LBB2_6:
0x72: {  	s9 =	smul.u32 $0x60, s8;
	_ =	sdelay $0x1  }
0x73: {  	s10 =	sadd.s32 $0x16050, s9  }
0x74: {  	[tilespmem:s31], [sflag:$0x2] =	stream.indirect.gather [hbm4b:s1+s29], $0x40, s10, s29, $0xb8;
	[tilespmem:$0x1FDA0] =	vst v63  }
0x75: {  	_ =	swait.ge [sflag:s0], $0xC00  }
0x76: {  	p0 =	seq.s32 s8, $0x0;
	[sflag:s0] =	ssyncset.done $0x0  }
0x77: {  	s10 =	simm.s32 @!p0 $0x3;
	[sflag:s0] =	ssyncadd.s32 $0xFFFFF400  }
0x78: {  	_ =	swait.ge @!p0 [sflag:s10], $0x1B00  }
0x79: {  	[sflag:s10] =	ssyncset.done @!p0 $0x0  }
0x7a: {  	s11 =	simm.s32 $0x0;
	[sflag:s10] =	ssyncadd.s32 @!p0 $0xFFFFE500  }
0x7b: {  	v2 =	vld [tilespmem:s11+$0x1AFA0];
	_ =	sdelay $0x4  }
0x7c: {  	s10 =	simm.s32 $0x1C7E0;
	v3 =	vunpack.i.l.bf16.f32 v2  }
0x7d: {  	v2 =	vunpack.i.u.bf16.f32 v2;
	[tilespmem:s10+$0xFFFFFFC0] =	vst v3  }
0x7e: {  	[tilespmem:s10+$0xFFFFFFD0] =	vst v2  }
0x7f: {  	v2 =	vld [tilespmem:s11+$0x1AFB0];
	_ =	sdelay $0x4  }
0x80: {  	v3 =	vunpack.i.l.bf16.f32 v2  }
0x81: {  	v2 =	vunpack.i.u.bf16.f32 v2;
	[tilespmem:s10+$0xFFFFFFE0] =	vst v3  }
0x82: {  	[tilespmem:s10+$0xFFFFFFF0] =	vst v2  }
0x83: {  	v2 =	vld [tilespmem:s11+$0x1AFC0];
	_ =	sdelay $0x4  }
0x84: {  	v3 =	vunpack.i.u.bf16.f32 v2  }
0x85: {  	v2 =	vunpack.i.l.bf16.f32 v2;
	[tilespmem:s10+$0x10] =	vst v3  }
0x86: {  	[tilespmem:s10+$0x0] =	vst v2  }
0x87: {  	v2 =	vld [tilespmem:s11+$0x1AFD0];
	_ =	sdelay $0x4  }
0x88: {  	v3 =	vunpack.i.l.bf16.f32 v2  }
0x89: {  	v2 =	vunpack.i.u.bf16.f32 v2;
	[tilespmem:s10+$0x20] =	vst v3  }
0x8a: {  	s11 =	simm.s32 $0x40;
	[tilespmem:s10+$0x30] =	vst v2  }
0x8b: {  	v2 =	vld [tilespmem:s11+$0x1AFA0]  }
0x8c: {  	s12 =	simm.s32 $0x200;
	s9 =	sadd.s32 $0x30, s9  }
.LBB2_7:
0x8d: {  	p1 =	sne.s32 s12, $0x2F00;
	_ =	sdelay $0x2  }
0x8e: {  	s10 =	sadd.s32 $0x90, s10;
	v3 =	vunpack.i.l.bf16.f32 v2  }
0x8f: {  	v2 =	vunpack.i.u.bf16.f32 v2;
	[tilespmem:s10+$0xFFFFFFC0] =	vst v3  }
0x90: {  	[tilespmem:s10+$0xFFFFFFD0] =	vst v2  }
0x91: {  	v2 =	vld [tilespmem:s11+$0x1AFB0];
	_ =	sdelay $0x4  }
0x92: {  	v3 =	vunpack.i.l.bf16.f32 v2  }
0x93: {  	v2 =	vunpack.i.u.bf16.f32 v2;
	[tilespmem:s10+$0xFFFFFFE0] =	vst v3  }
0x94: {  	[tilespmem:s10+$0xFFFFFFF0] =	vst v2  }
0x95: {  	v2 =	vld [tilespmem:s11+$0x1AFC0];
	_ =	sdelay $0x4  }
0x96: {  	v3 =	vunpack.i.u.bf16.f32 v2;
	v2 =	vunpack.i.l.bf16.f32 v2  }
0x97: {  	[tilespmem:s10+$0x10] =	vst v3  }
0x98: {  	[tilespmem:s10+$0x0] =	vst v2  }
0x99: {  	v2 =	vld [tilespmem:s11+$0x1AFD0];
	_ =	sdelay $0x4  }
.Ltmp2:
0x9a: {  	v3 =	vunpack.i.u.bf16.f32 v2;
	v2 =	vunpack.i.l.bf16.f32 v2;
	(pc) =	sbr.rel @p1 .LBB2_7-.Ltmp2, $4  }
0x9b: {  	[tilespmem:s10+$0x20] =	vst v2  }
0x9c: {  	s11 =	sshra.s32 s12, $0x2;
	[tilespmem:s10+$0x30] =	vst v3  }
0x9d: {  	v2 =	vld [tilespmem:s11+$0x1AFA0]  }
0x9e: {  	s12 =	sadd.s32 $0x100, s12  }
0x9f: {  	_ =	sdelay $0x2  }
0xa0: {  	s12 =	sadd.s32 $0x90, s10;
	v3 =	vunpack.i.l.bf16.f32 v2  }
0xa1: {  	v2 =	vunpack.i.u.bf16.f32 v2;
	[tilespmem:s12+$0xFFFFFFC0] =	vst v3  }
0xa2: {  	[tilespmem:s12+$0xFFFFFFD0] =	vst v2  }
0xa3: {  	v2 =	vld [tilespmem:s11+$0x1AFB0];
	_ =	sdelay $0x4  }
0xa4: {  	v3 =	vunpack.i.l.bf16.f32 v2  }
0xa5: {  	v2 =	vunpack.i.u.bf16.f32 v2;
	[tilespmem:s12+$0xFFFFFFE0] =	vst v3  }
0xa6: {  	[tilespmem:s12+$0xFFFFFFF0] =	vst v2  }
0xa7: {  	v2 =	vld [tilespmem:s11+$0x1AFC0];
	_ =	sdelay $0x4  }
0xa8: {  	v3 =	vunpack.i.u.bf16.f32 v2  }
0xa9: {  	v2 =	vunpack.i.l.bf16.f32 v2;
	[tilespmem:s12+$0x10] =	vst v3  }
0xaa: {  	[tilespmem:s12+$0x0] =	vst v2  }
0xab: {  	v2 =	vld [tilespmem:s11+$0x1AFD0];
	_ =	sdelay $0x2  }
0xac: {  	p1 =	sne.s32 s8, $0x69;
	s11 =	smul.u32 $0x180, s8  }
.Ltmp3:
0xad: {  	_ = 	snop;
	(pc) =	sbr.rel @p1 .LBB2_10-.Ltmp3, $4  }
0xae: {  	v3 =	vunpack.i.l.bf16.f32 v2  }
0xaf: {  	s10 =	sshra.s32 s11, $0x2;
	v2 =	vunpack.i.u.bf16.f32 v2;
	[tilespmem:s12+$0x20] =	vst v3  }
0xb0: {  	[tilespmem:s12+$0x30] =	vst v2;
	s12 =	sadd.s32 $0x187E0, s10  }
0xb1: {  	[spmem:s2] =	stream.indirect.scatter.add.f32 [tilespmem:s28], [sflag:$0x3], $0x90, s12, s29, $0xb8;
	[tilespmem:$0x1FDA0] =	vst v63  }
.Ltmp4:
0xb2: {  	(pc) =	sbr.rel .LBB2_11-.Ltmp4, $4  }
0xb3: {  	_ = 	snop  }
0xb4: {  	_ =	swait.ge [sflag:s26], $0xC00  }
0xb5: {  	[sflag:s26] =	ssyncset.done $0x0  }
0xb6: {  	[sflag:s26] =	ssyncadd.s32 $0xFFFFF400  }
.LBB2_10:
.Ltmp5:
0xb7: {  	s10 =	sadd.s32 $0x16080, s10;
	(pc) =	sbr.rel @p0 .LBB2_12-.Ltmp5, $4  }
0xb8: {  	[tilespmem:s30], [sflag:$0x1] =	stream.indirect.gather [hbm4b:s1+s29], $0x40, s10, s29, $0xb8;
	[tilespmem:$0x1FDA0] =	vst v63  }
0xb9: {  	_ =	swait.ge [sflag:s26], $0xC00  }
0xba: {  	[sflag:s26] =	ssyncset.done $0x0  }
0xbb: {  	[sflag:s26] =	ssyncadd.s32 $0xFFFFF400  }
.LBB2_11:
0xbc: {  	_ =	swait.ge [sflag:s3], $0x1B00  }
0xbd: {  	[sflag:s3] =	ssyncset.done $0x0  }
0xbe: {  	[sflag:s3] =	ssyncadd.s32 $0xFFFFE500  }
.LBB2_12:
0xbf: {  	s11 =	simm.s32 $0x0  }
0xc0: {  	v2 =	vld [tilespmem:s11+$0x1BBA0];
	_ =	sdelay $0x4  }
0xc1: {  	s10 =	simm.s32 $0x1E2E0;
	v3 =	vunpack.i.l.bf16.f32 v2  }
0xc2: {  	v2 =	vunpack.i.u.bf16.f32 v2;
	[tilespmem:s10+$0xFFFFFFC0] =	vst v3  }
0xc3: {  	[tilespmem:s10+$0xFFFFFFD0] =	vst v2  }
0xc4: {  	v2 =	vld [tilespmem:s11+$0x1BBB0];
	_ =	sdelay $0x4  }
0xc5: {  	v3 =	vunpack.i.l.bf16.f32 v2  }
0xc6: {  	v2 =	vunpack.i.u.bf16.f32 v2;
	[tilespmem:s10+$0xFFFFFFE0] =	vst v3  }
0xc7: {  	[tilespmem:s10+$0xFFFFFFF0] =	vst v2  }
0xc8: {  	v2 =	vld [tilespmem:s11+$0x1BBC0];
	_ =	sdelay $0x4  }
0xc9: {  	v3 =	vunpack.i.u.bf16.f32 v2  }
0xca: {  	v2 =	vunpack.i.l.bf16.f32 v2;
	[tilespmem:s10+$0x10] =	vst v3  }
0xcb: {  	[tilespmem:s10+$0x0] =	vst v2  }
0xcc: {  	v2 =	vld [tilespmem:s11+$0x1BBD0];
	_ =	sdelay $0x4  }
0xcd: {  	v3 =	vunpack.i.l.bf16.f32 v2  }
0xce: {  	v2 =	vunpack.i.u.bf16.f32 v2;
	[tilespmem:s10+$0x20] =	vst v3  }
0xcf: {  	s11 =	simm.s32 $0x40;
	[tilespmem:s10+$0x30] =	vst v2  }
0xd0: {  	v2 =	vld [tilespmem:s11+$0x1BBA0]  }
0xd1: {  	s8 =	sadd.s32 $0x1, s8;
	s12 =	simm.s32 $0x200  }
.LBB2_13:
0xd2: {  	p0 =	sne.s32 s12, $0x2F00;
	_ =	sdelay $0x2  }
0xd3: {  	s10 =	sadd.s32 $0x90, s10;
	v3 =	vunpack.i.l.bf16.f32 v2  }
0xd4: {  	v2 =	vunpack.i.u.bf16.f32 v2;
	[tilespmem:s10+$0xFFFFFFC0] =	vst v3  }
0xd5: {  	[tilespmem:s10+$0xFFFFFFD0] =	vst v2  }
0xd6: {  	v2 =	vld [tilespmem:s11+$0x1BBB0];
	_ =	sdelay $0x4  }
0xd7: {  	v3 =	vunpack.i.l.bf16.f32 v2  }
0xd8: {  	v2 =	vunpack.i.u.bf16.f32 v2;
	[tilespmem:s10+$0xFFFFFFE0] =	vst v3  }
0xd9: {  	[tilespmem:s10+$0xFFFFFFF0] =	vst v2  }
0xda: {  	v2 =	vld [tilespmem:s11+$0x1BBC0];
	_ =	sdelay $0x4  }
0xdb: {  	v3 =	vunpack.i.u.bf16.f32 v2;
	v2 =	vunpack.i.l.bf16.f32 v2  }
0xdc: {  	[tilespmem:s10+$0x10] =	vst v3  }
0xdd: {  	[tilespmem:s10+$0x0] =	vst v2  }
0xde: {  	v2 =	vld [tilespmem:s11+$0x1BBD0];
	_ =	sdelay $0x4  }
.Ltmp6:
0xdf: {  	v3 =	vunpack.i.u.bf16.f32 v2;
	v2 =	vunpack.i.l.bf16.f32 v2;
	(pc) =	sbr.rel @p0 .LBB2_13-.Ltmp6, $4  }
0xe0: {  	[tilespmem:s10+$0x20] =	vst v2  }
0xe1: {  	s11 =	sshra.s32 s12, $0x2;
	[tilespmem:s10+$0x30] =	vst v3  }
0xe2: {  	v2 =	vld [tilespmem:s11+$0x1BBA0]  }
0xe3: {  	s12 =	sadd.s32 $0x100, s12  }
0xe4: {  	_ =	sdelay $0x2  }
0xe5: {  	s10 =	sadd.s32 $0x90, s10;
	v3 =	vunpack.i.l.bf16.f32 v2  }
0xe6: {  	v2 =	vunpack.i.u.bf16.f32 v2;
	[tilespmem:s10+$0xFFFFFFC0] =	vst v3  }
0xe7: {  	[tilespmem:s10+$0xFFFFFFD0] =	vst v2  }
0xe8: {  	v2 =	vld [tilespmem:s11+$0x1BBB0];
	_ =	sdelay $0x4  }
0xe9: {  	v3 =	vunpack.i.l.bf16.f32 v2  }
0xea: {  	v2 =	vunpack.i.u.bf16.f32 v2;
	[tilespmem:s10+$0xFFFFFFE0] =	vst v3  }
0xeb: {  	[tilespmem:s10+$0xFFFFFFF0] =	vst v2  }
0xec: {  	v2 =	vld [tilespmem:s11+$0x1BBC0];
	_ =	sdelay $0x4  }
0xed: {  	v3 =	vunpack.i.u.bf16.f32 v2  }
0xee: {  	v2 =	vunpack.i.l.bf16.f32 v2;
	[tilespmem:s10+$0x10] =	vst v3  }
0xef: {  	[tilespmem:s10+$0x0] =	vst v2  }
0xf0: {  	v2 =	vld [tilespmem:s11+$0x1BBD0];
	_ =	sdelay $0x2  }
0xf1: {  	p0 =	sne.s32 s8, $0x6A  }
.Ltmp7:
0xf2: {  	_ = 	snop;
	(pc) =	sbr.rel @p0 .LBB2_6-.Ltmp7, $4  }
0xf3: {  	v3 =	vunpack.i.l.bf16.f32 v2  }
0xf4: {  	v2 =	vunpack.i.u.bf16.f32 v2;
	[tilespmem:s10+$0x20] =	vst v3  }
0xf5: {  	s9 =	sadd.s32 $0x187E0, s9;
	[tilespmem:s10+$0x30] =	vst v2  }
0xf6: {  	[spmem:s2] =	stream.indirect.scatter.add.f32 [tilespmem:s4], [sflag:$0x4], $0x90, s9, s29, $0xb8;
	[tilespmem:$0x1FDA0] =	vst v63  }
0xf7: {  	_ =	swait.ge [sflag:s5], $0x1B00  }
0xf8: {  	[sflag:s5] =	ssyncset.done $0x0  }
0xf9: {  	[sflag:s5] =	ssyncadd.s32 $0xFFFFE500  }
0xfa: {  	_ =	swait.ge [sflag:s3], $0x1B00  }
0xfb: {  	s8 =	stileid.u32;
	s6 =	sadd.s32 $0x1, s6;
	[sflag:s3] =	ssyncset.done $0x0  }
0xfc: {  	s8 =	sshll.u32 s8, $0x6;
	p0 =	sne.s32 s6, s22;
	[sflag:s3] =	ssyncadd.s32 $0xFFFFE500  }
.Ltmp8:
0xfd: {  	s8 =	sor.u32 $0x1C05, s8;
	[bflag:$0x0] =	sbarrier.arrive $0xFFFF;
	(pc) =	sbr.rel @p0 .LBB2_1-.Ltmp8, $4  }
0xfe: {  	[hbm:s21], [sflag:s8] =	dma.local [spmem:s25], $0x2BF2  }
0xff: {  	_ =	swait.ge [sflag:s24], $0x2BF2  }
0x100: {  	[sflag:s24] =	ssyncset.done $0x0  }
0x101: {  	[sflag:s24] =	ssyncadd.s32 $0xFFFFD40E  }
0x102: {  	_ =	sfence.sel $0x180000  }
0x103: {  	[bflag:$0x0] =	sbarrier.arrive $0xFFFF  }
0x104: {  	_ =	strace $0x90000047  }
0x105: {  	s0 =	stileid.u32;
	[bflag:$0x2] =	sbarrier.arrive $0xFFFF  }
0x106: {  	p0 =	sne.s32 s0, $0x0;
	s0 =	rddreg [dreg:$0x3]  }
0x107: {  	s0 =	sadd.s32 @!p0 $0x100000, s0  }
0x108: {  	[sflag:s0] =	ssyncadd.tile.s32 @!p0 $0x1;
	_ =	shalt  }
.Lfunc_end2:
_tile_overlayer_lowered:
.L_overlay_start_2:
0x109: {  	(tag) =	ssettag $0x2  }
0x10a: {  	s0 =	rddreg [dreg:$0x0];
	s2 =	stileid.u32  }
0x10b: {  	s1 =	rddreg [dreg:$0x1];
	p0 =	sne.s32 s2, $0x0  }
0x10c: {  	s3 =	rddreg [dreg:$0x2];
	[bflag:$0x3] =	sbarrier.arrive $0xFFFF;
	s2 =	simm.s32 @!p0 $0x1C05  }
0x10d: {  	[timem:s3], [sflag:s2] =	dma.local @!p0 [hbm:s0], s1  }
0x10e: {  	s0 =	simm.s32 @!p0 $0x5  }
0x10f: {  	_ =	swait.ge @!p0 [sflag:s0], s1  }
0x110: {  	s1 =	ssub.s32 @!p0 $0x0, s1;
	[sflag:s0] =	ssyncset.done @!p0 $0x0  }
0x111: {  	[sflag:s0] =	ssyncadd.s32 @!p0 s1  }
0x112: {  	[bflag:$0x3] =	sbarrier.arrive $0xFFFF  }
0x113: {  	_ =	shalt  }

</sc_bundles>
